<compile_context>
chip_gen: v7x
topology: tpu7x:2x2x1
jax: 0.10.2.dev20260603
libtpu: 0.0.44.dev20260713+nightly
codegen_flags: <defaults>
</compile_context>

<pallas_src>
import functools

import jax
import jax.numpy as jnp
from jax import lax
from jax.experimental import pallas as pl
from jax.experimental.pallas import tpu as pltpu
from jax.experimental.pallas import tpu_sc as plsc

_B, _T, _H = 1024, 20, 64
_NCAT = 4
_NC, _NS = 2, 16
_NW = _NC * _NS
_SROWS = _B * _NCAT
_TROWS = _B * _T * _NCAT
_S_PW = _SROWS // _NW
_T_PW = _TROWS // _NW
_TCH = 128
_TNCH = _T_PW // _TCH


def _sc_gather(stat_tab, temp_tab, sidx, tidx):
    mesh = plsc.VectorSubcoreMesh(
        core_axis_name="c", subcore_axis_name="s",
        num_cores=_NC, num_subcores=_NS)

    @functools.partial(
        pl.kernel,
        out_type=[
            jax.ShapeDtypeStruct((_SROWS, 2 * _H), jnp.float32),
            jax.ShapeDtypeStruct((_TROWS, 2 * _H), jnp.float32),
        ],
        mesh=mesh,
        scratch_types=[
            pltpu.VMEM((_S_PW,), jnp.int32),
            pltpu.VMEM((_TNCH, _TCH), jnp.int32),
            pltpu.VMEM((_S_PW, 2 * _H), jnp.float32),
            pltpu.VMEM((_TCH, 2 * _H), jnp.float32),
            pltpu.VMEM((_TCH, 2 * _H), jnp.float32),
            pltpu.SemaphoreType.DMA,
            pltpu.SemaphoreType.DMA,
        ],
        compiler_params=pltpu.CompilerParams(use_tc_tiling_on_sc=True),
    )
    def k(stat_hbm, temp_hbm, sidx_hbm, tidx_hbm, gs_out, gt_out,
          sidx_v, tidx_v, srow_v, trow_a, trow_b, sem_a, sem_b):
        wid = lax.axis_index("s") * _NC + lax.axis_index("c")
        sbase = wid * _S_PW
        tbase = wid * _T_PW
        pltpu.sync_copy(sidx_hbm.at[wid], sidx_v)
        pltpu.sync_copy(tidx_hbm.at[wid], tidx_v)
        pltpu.async_copy(stat_hbm.at[sidx_v], srow_v, sem_a).wait()
        pltpu.sync_copy(srow_v, gs_out.at[pl.ds(sbase, _S_PW)])
        bufs = (trow_a, trow_b)
        sems = (sem_a, sem_b)
        descs = [None] * _TNCH
        descs[0] = pltpu.async_copy(temp_hbm.at[tidx_v.at[0]], trow_a, sem_a)
        for j in range(_TNCH):
            if j + 1 < _TNCH:
                descs[j + 1] = pltpu.async_copy(
                    temp_hbm.at[tidx_v.at[j + 1]],
                    bufs[(j + 1) % 2], sems[(j + 1) % 2])
            descs[j].wait()
            pltpu.sync_copy(bufs[j % 2], gt_out.at[pl.ds(tbase + j * _TCH, _TCH)])

    return k(stat_tab, temp_tab, sidx, tidx)


_BL = 1024


def _gelu_exact(x):
    ax = jnp.abs(x) * 0.7071067811865476
    t = 1.0 / (1.0 + 0.3275911 * ax)
    poly = t * (0.254829592 + t * (-0.284496736 + t * (
        1.421413741 + t * (-1.453152027 + t * 1.061405429))))
    erf_ax = 1.0 - poly * jnp.exp(-ax * ax)
    erf_x = jnp.where(x >= 0.0, erf_ax, -erf_ax)
    return 0.5 * x * (1.0 + erf_x)


def _fuse_body(gt, gs, part, pars, me, st, tg, kW, kB, sW, sB, tv, tb,
               k_o, s_o, t_o):
    t_idx = pl.program_id(1)
    gtt = jnp.transpose(gt[:, 0, 0, :], (1, 0))
    for c in range(4):
        lo = gtt[c * 128:c * 128 + _H, :]
        up = gtt[c * 128 + _H:c * 128 + 2 * _H, :]
        pc = part[pl.ds(c, 1), 0, 0, :]
        k_o[0, c] = _gelu_exact(jnp.where(pc > 0.5, up, lo))
    mvv = kW[...]
    for j in range(22):
        k_o[0, 4 + j] = me[pl.ds(4 + j, 1), 0, 0, :] * mvv + kB[j]
    @pl.when(t_idx == 0)
    def _static():
        gst = jnp.transpose(gs[...], (1, 0))
        for c in range(4):
            lo = gst[c * 128:c * 128 + _H, :]
            up = gst[c * 128 + _H:c * 128 + 2 * _H, :]
            pc = pars[pl.ds(c, 1), :]
            s_o[c] = _gelu_exact(jnp.where(pc > 0.5, up, lo))
        sm = lax.dot_general(sW[...], st[...], (((1,), (0,)), ((), ())),
                             precision=lax.Precision.HIGHEST,
                             preferred_element_type=jnp.float32) + sB[...]
        for j in range(22):
            s_o[4 + j] = sm[j * _H:(j + 1) * _H, :]
    t_o[0] = tg[:, 0, :] * tv[...] + tb[...]


def _tc_fuse(gt_r, gs_r, par_t, par_s, me_t, st_t, tg_t, kW, kB, sW, sB,
             tv_col, tb_col):
    nbc = _B // _BL
    return pl.pallas_call(
        _fuse_body,
        grid=(nbc, _T),
        in_specs=[
            pl.BlockSpec((_BL, 1, 1, 512), lambda i, t: (i, t, 0, 0)),
            pl.BlockSpec((_BL, 512), lambda i, t: (i, 0)),
            pl.BlockSpec((4, 1, 1, _BL), lambda i, t: (0, t, 0, i)),
            pl.BlockSpec((4, _BL), lambda i, t: (0, i)),
            pl.BlockSpec((26, 1, 1, _BL), lambda i, t: (0, t, 0, i)),
            pl.BlockSpec((26, _BL), lambda i, t: (0, i)),
            pl.BlockSpec((1, 1, _BL), lambda i, t: (t, 0, i)),
            pl.BlockSpec((_H, 1), lambda i, t: (0, 0)),
            pl.BlockSpec((22, _H, 1), lambda i, t: (0, 0, 0)),
            pl.BlockSpec((1408, 26), lambda i, t: (0, 0)),
            pl.BlockSpec((1408, 1), lambda i, t: (0, 0)),
            pl.BlockSpec((_H, 1), lambda i, t: (0, 0)),
            pl.BlockSpec((_H, 1), lambda i, t: (0, 0)),
        ],
        out_specs=[
            pl.BlockSpec((1, 26, _H, _BL), lambda i, t: (t, 0, 0, i)),
            pl.BlockSpec((26, _H, _BL), lambda i, t: (0, 0, i)),
            pl.BlockSpec((1, _H, _BL), lambda i, t: (t, 0, i)),
        ],
        out_shape=[
            jax.ShapeDtypeStruct((_T, 26, _H, _B), jnp.float32),
            jax.ShapeDtypeStruct((26, _H, _B), jnp.float32),
            jax.ShapeDtypeStruct((_T, _H, _B), jnp.float32),
        ],
        compiler_params=pltpu.CompilerParams(
            dimension_semantics=("arbitrary", "arbitrary")),
    )(gt_r, gs_r, par_t, par_s, me_t, st_t, tg_t, kW, kB, sW, sB, tv_col,
      tb_col)


def kernel(target_inp, stat_exog, multi_exog, stat_emb_tables, temp_emb_tables,
           stat_vectors, stat_bias, multi_vectors, multi_bias, tgt_vectors,
           tgt_bias):
    V = stat_emb_tables.shape[1]
    stat_tab = stat_emb_tables.reshape(-1, 2 * _H)
    temp_tab = temp_emb_tables.reshape(-1, 2 * _H)
    offs = jnp.arange(_NCAT, dtype=jnp.int32) * V
    sfull = stat_exog[:, :_NCAT] + offs
    tfull = multi_exog[:, :, :_NCAT].astype(jnp.int32) + offs
    sidx = (sfull // 2).reshape(_NW, _S_PW)
    tidx = (tfull // 2).reshape(_NW, _TNCH, _TCH)
    gs, gt = _sc_gather(stat_tab, temp_tab, sidx, tidx)

    me_t = jnp.transpose(multi_exog, (2, 1, 0))
    st_i = jnp.transpose(stat_exog, (1, 0))
    st_t = st_i.astype(jnp.float32)
    tg_t = jnp.transpose(target_inp, (1, 2, 0)).reshape(_T, _B)
    par_t = (me_t[:_NCAT].astype(jnp.int32) & 1).astype(jnp.float32)
    par_s = (st_i[:_NCAT] & 1).astype(jnp.float32)
    eye22 = jnp.eye(22, dtype=jnp.float32)
    kW = multi_vectors[_NCAT].reshape(_H, 1)
    kB = multi_bias[_NCAT:].reshape(22, _H, 1)
    sW = jnp.concatenate([
        jnp.zeros((1408, _NCAT), jnp.float32),
        (eye22[:, None, :] * jnp.transpose(stat_vectors[_NCAT:], (0, 1))[:, :, None]
         ).reshape(1408, 22)], axis=1)
    sB = stat_bias[_NCAT:].reshape(1408, 1)
    tv_col = tgt_vectors.reshape(_H, 1)
    tb_col = tgt_bias.reshape(_H, 1)

    k_t, s_t, t_t = _tc_fuse(
        gt.reshape(_B, _T, 1, 2 * _NCAT * _H),
        gs.reshape(_B, 2 * _NCAT * _H),
        par_t.reshape(_NCAT, _T, 1, _B), par_s,
        me_t.reshape(26, _T, 1, _B), st_t, tg_t.reshape(_T, 1, _B),
        kW, kB, sW, sB, tv_col, tb_col)

    s_inp = jnp.transpose(s_t, (2, 0, 1))
    k_inp = jnp.transpose(k_t, (3, 0, 1, 2))
    tgt_out = jnp.transpose(t_t.reshape(_T, 1, _H, _B), (3, 0, 1, 2))
    return (s_inp, k_inp, tgt_out)

# --- scband reference (transcript-rebuilt; emitter-appended) ---
"""Pipeline reference for scband-tftembedding-53068615910025 (READ-ONLY COPY).

The authoritative reference and input builder live on the scoring server;
editing this copy changes nothing except your own understanding.
"""

import jax, jax.numpy as jnp
import numpy as np

HIDDEN = 64
N_STAT_CAT = 4
N_TEMP_CAT = 4
STAT_FEATS = 26
TEMP_FEATS = 26
VOCAB = 100000
B = 1024
T = 20

def setup_inputs(seed: int = 0):
    key = jax.random.key(seed)
    ks = jax.random.split(key, 8)
    target_inp = jax.random.normal(ks[0], (B, T, 1), dtype=jnp.float32)
    stat_exog = jax.random.randint(ks[1], (B, STAT_FEATS), 0, VOCAB, dtype=jnp.int32)
    multi_exog = jax.random.randint(ks[2], (B, T, TEMP_FEATS), 0, VOCAB).astype(jnp.float32)
    stat_emb_tables = jax.random.normal(ks[3], (N_STAT_CAT, VOCAB, HIDDEN), dtype=jnp.float32)
    temp_emb_tables = jax.random.normal(ks[4], (N_TEMP_CAT, VOCAB, HIDDEN), dtype=jnp.float32)
    stat_vectors = jax.random.normal(ks[5], (STAT_FEATS, HIDDEN), dtype=jnp.float32) * np.sqrt(2.0 / (STAT_FEATS + HIDDEN))
    stat_bias = jnp.zeros((STAT_FEATS, HIDDEN), dtype=jnp.float32)
    multi_vectors = jax.random.normal(ks[6], (TEMP_FEATS, HIDDEN), dtype=jnp.float32) * np.sqrt(2.0 / (TEMP_FEATS + HIDDEN))
    multi_bias = jnp.zeros((TEMP_FEATS, HIDDEN), dtype=jnp.float32)
    tgt_vectors = jax.random.normal(ks[7], (1, HIDDEN), dtype=jnp.float32) * np.sqrt(2.0 / (1 + HIDDEN))
    tgt_bias = jnp.zeros((1, HIDDEN), dtype=jnp.float32)
    return {"target_inp": target_inp, "stat_exog": stat_exog, "multi_exog": multi_exog,
            "stat_emb_tables": stat_emb_tables, "temp_emb_tables": temp_emb_tables,
            "stat_vectors": stat_vectors, "stat_bias": stat_bias,
            "multi_vectors": multi_vectors, "multi_bias": multi_bias,
            "tgt_vectors": tgt_vectors, "tgt_bias": tgt_bias}

def reference(target_inp, stat_exog, multi_exog, stat_emb_tables, temp_emb_tables,
              stat_vectors, stat_bias, multi_vectors, multi_bias, tgt_vectors, tgt_bias):
    # ---- static branch (is_stat_exog=True) ----
    continuous = stat_exog[:, N_STAT_CAT:].astype(jnp.float32)
    cont_emb_c = stat_vectors[N_STAT_CAT:]
    cont_bias_c = stat_bias[N_STAT_CAT:]
    continuous_transformed = continuous[..., None] * cont_emb_c + cont_bias_c
    categorical = stat_exog[:, :N_STAT_CAT]
    embs = [jnp.take(stat_emb_tables[i], categorical[:, i], axis=0) for i in range(N_STAT_CAT)]
    embedding = jax.nn.gelu(jnp.stack(embs, axis=1), approximate=False)
    s_inp = jnp.concatenate([embedding, continuous_transformed], axis=1).astype(jnp.float32)
    # ---- temporal branch (is_multivariate=True) ----
    continuous_t = multi_exog[:, :, N_TEMP_CAT:]
    # NOTE: original code indexes a SINGLE row here (cont_emb[n_temp_cat]), not a slice -- replicated faithfully
    cont_emb_row = multi_vectors[N_TEMP_CAT]
    cont_bias_t = multi_bias[N_TEMP_CAT:]
    continuous_transformed_t = continuous_t[..., None] * cont_emb_row + cont_bias_t
    categorical_t = multi_exog[:, :, :N_TEMP_CAT].astype(jnp.int32)
    embs_t = [jnp.take(temp_emb_tables[i], categorical_t[:, :, i], axis=0) for i in range(N_TEMP_CAT)]
    embedding_t = jax.nn.gelu(jnp.stack(embs_t, axis=1), approximate=False)
    embedding_t = jnp.transpose(embedding_t, (0, 2, 1, 3))
    k_inp = jnp.concatenate([embedding_t, continuous_transformed_t], axis=2).astype(jnp.float32)
    # ---- target trend embedding ----
    t = target_inp[:, :, :, None, None]
    tv = tgt_vectors[:, None, :]
    tgt_out = jnp.matmul(t, tv)
    tgt_out = jnp.squeeze(tgt_out, axis=3) + tgt_bias
    return (s_inp, k_inp, tgt_out)

if __name__ == "__main__":
    import jax
    _d = setup_inputs()
    print(jax.jit(kernel)(*tuple(_d.values())))

</pallas_src>

<mosaic_0001>
#map = affine_map<(d0, d1) -> (0, 0)>
#map1 = affine_map<(d0, d1) -> (0, 0, 0)>
module attributes {stable_mosaic.version = 14 : i64} {
  func.func @k(%arg0: i32, %arg1: i32, %arg2: memref<200000x128xf32, #tpu.memory_space<hbm>>, %arg3: memref<200000x128xf32, #tpu.memory_space<hbm>>, %arg4: memref<32x128xi32, #tpu.memory_space<hbm>>, %arg5: memref<32x20x128xi32, #tpu.memory_space<hbm>>, %arg6: memref<4096x128xf32, #tpu.memory_space<hbm>>, %arg7: memref<81920x128xf32, #tpu.memory_space<hbm>>, %arg8: memref<128xi32, #tpu.memory_space<vmem>>, %arg9: memref<20x128xi32, #tpu.memory_space<vmem>>, %arg10: memref<128x128xf32, #tpu.memory_space<vmem>>, %arg11: memref<128x128xf32, #tpu.memory_space<vmem>>, %arg12: memref<128x128xf32, #tpu.memory_space<vmem>>, %arg13: memref<!tpu.dma_semaphore, #tpu.memory_space<semaphore_mem>>, %arg14: memref<!tpu.dma_semaphore, #tpu.memory_space<semaphore_mem>>) attributes {dimension_semantics = [#tpu.dimension_semantics<core_parallel>, #tpu.dimension_semantics<subcore_parallel>], iteration_bounds = array<i64: 2, 16>, scalar_prefetch = 0 : i64, scratch_operands = 7 : i64, tpu.core_type = #tpu.core_type<sc_vector_subcore>, window_params = [{transform_indices = #map}, {transform_indices = #map}, {transform_indices = #map}, {transform_indices = #map1}, {transform_indices = #map}, {transform_indices = #map}]} {
    %mul3A = arith.constant 2 : i32
    %mul3A_0 = arith.muli %arg1, %mul3A : i32
    %add3A = arith.addi %mul3A_0, %arg0 : i32
    %mul3A_1 = arith.constant 128 : i32
    %mul3A_2 = arith.muli %add3A, %mul3A_1 : i32
    %mul3A_3 = arith.constant 2560 : i32
    %mul3A_4 = arith.muli %add3A, %mul3A_3 : i32
    "tpu.region"() ({
      %run_scoped3A = tpu.sem_alloc : memref<!tpu.dma_semaphore, #tpu.memory_space<semaphore_mem>>
      %dma_start3A_329 = arith.constant 0 : i32
      %dma_start3A_330 = tpu.memref_slice %arg4[%add3A, %dma_start3A_329] : memref<32x128xi32, #tpu.memory_space<hbm>> -> memref<1x128xi32, #tpu.memory_space<hbm>>
      %dma_start3A_331 = tpu.memref_squeeze %dma_start3A_330 : memref<1x128xi32, #tpu.memory_space<hbm>> -> memref<128xi32, #tpu.memory_space<hbm>>
      %dma_start3A_332 = arith.constant 0 : i32
      %dma_start3A_333 = tpu.memref_slice %arg4[%add3A, %dma_start3A_332] : memref<32x128xi32, #tpu.memory_space<hbm>> -> memref<1x128xi32, #tpu.memory_space<hbm>>
      %dma_start3A_334 = tpu.memref_squeeze %dma_start3A_333 : memref<1x128xi32, #tpu.memory_space<hbm>> -> memref<128xi32, #tpu.memory_space<hbm>>
      tpu.enqueue_dma source(%dma_start3A_334 : memref<128xi32, #tpu.memory_space<hbm>>) target(%arg8 : memref<128xi32, #tpu.memory_space<vmem>>) target_semaphore(%run_scoped3A : memref<!tpu.dma_semaphore, #tpu.memory_space<semaphore_mem>>)
      %dma_wait3A_335 = arith.constant 0 : i32
      %dma_wait3A_336 = tpu.memref_slice %arg4[%add3A, %dma_wait3A_335] : memref<32x128xi32, #tpu.memory_space<hbm>> -> memref<1x128xi32, #tpu.memory_space<hbm>>
      %dma_wait3A_337 = tpu.memref_squeeze %dma_wait3A_336 : memref<1x128xi32, #tpu.memory_space<hbm>> -> memref<128xi32, #tpu.memory_space<hbm>>
      %dma_wait3A_338 = arith.constant 0 : i32
      %dma_wait3A_339 = tpu.memref_slice %arg4[%add3A, %dma_wait3A_338] : memref<32x128xi32, #tpu.memory_space<hbm>> -> memref<1x128xi32, #tpu.memory_space<hbm>>
      %dma_wait3A_340 = tpu.memref_squeeze %dma_wait3A_339 : memref<1x128xi32, #tpu.memory_space<hbm>> -> memref<128xi32, #tpu.memory_space<hbm>>
      tpu.wait_dma2 semaphore(%run_scoped3A : memref<!tpu.dma_semaphore, #tpu.memory_space<semaphore_mem>>) src(%dma_wait3A_340 : memref<128xi32, #tpu.memory_space<hbm>>) dst(%arg8 : memref<128xi32, #tpu.memory_space<vmem>>)
      tpu.yield
    }) : () -> ()
    "tpu.region"() ({
      %run_scoped3A = tpu.sem_alloc : memref<!tpu.dma_semaphore, #tpu.memory_space<semaphore_mem>>
      %dma_start3A_329 = arith.constant 0 : i32
      %dma_start3A_330 = arith.constant 0 : i32
      %dma_start3A_331 = tpu.memref_slice %arg5[%add3A, %dma_start3A_329, %dma_start3A_330] : memref<32x20x128xi32, #tpu.memory_space<hbm>> -> memref<1x20x128xi32, #tpu.memory_space<hbm>>
      %dma_start3A_332 = tpu.memref_squeeze %dma_start3A_331 : memref<1x20x128xi32, #tpu.memory_space<hbm>> -> memref<20x128xi32, #tpu.memory_space<hbm>>
      %dma_start3A_333 = arith.constant 0 : i32
      %dma_start3A_334 = arith.constant 0 : i32
      %dma_start3A_335 = tpu.memref_slice %arg5[%add3A, %dma_start3A_333, %dma_start3A_334] : memref<32x20x128xi32, #tpu.memory_space<hbm>> -> memref<1x20x128xi32, #tpu.memory_space<hbm>>
      %dma_start3A_336 = tpu.memref_squeeze %dma_start3A_335 : memref<1x20x128xi32, #tpu.memory_space<hbm>> -> memref<20x128xi32, #tpu.memory_space<hbm>>
      tpu.enqueue_dma source(%dma_start3A_336 : memref<20x128xi32, #tpu.memory_space<hbm>>) target(%arg9 : memref<20x128xi32, #tpu.memory_space<vmem>>) target_semaphore(%run_scoped3A : memref<!tpu.dma_semaphore, #tpu.memory_space<semaphore_mem>>)
      %dma_wait3A_337 = arith.constant 0 : i32
      %dma_wait3A_338 = arith.constant 0 : i32
      %dma_wait3A_339 = tpu.memref_slice %arg5[%add3A, %dma_wait3A_337, %dma_wait3A_338] : memref<32x20x128xi32, #tpu.memory_space<hbm>> -> memref<1x20x128xi32, #tpu.memory_space<hbm>>
      %dma_wait3A_340 = tpu.memref_squeeze %dma_wait3A_339 : memref<1x20x128xi32, #tpu.memory_space<hbm>> -> memref<20x128xi32, #tpu.memory_space<hbm>>
      %dma_wait3A_341 = arith.constant 0 : i32
      %dma_wait3A_342 = arith.constant 0 : i32
      %dma_wait3A_343 = tpu.memref_slice %arg5[%add3A, %dma_wait3A_341, %dma_wait3A_342] : memref<32x20x128xi32, #tpu.memory_space<hbm>> -> memref<1x20x128xi32, #tpu.memory_space<hbm>>
      %dma_wait3A_344 = tpu.memref_squeeze %dma_wait3A_343 : memref<1x20x128xi32, #tpu.memory_space<hbm>> -> memref<20x128xi32, #tpu.memory_space<hbm>>
      tpu.wait_dma2 semaphore(%run_scoped3A : memref<!tpu.dma_semaphore, #tpu.memory_space<semaphore_mem>>) src(%dma_wait3A_344 : memref<20x128xi32, #tpu.memory_space<hbm>>) dst(%arg9 : memref<20x128xi32, #tpu.memory_space<vmem>>)
      tpu.yield
    }) : () -> ()
    %dma_start3A = arith.constant 0 : i32
    %dma_start3A_5 = arith.constant 0 : i32
    %dma_start3A_6 = tpu.memref_slice %arg2[%dma_start3A, %dma_start3A_5] : memref<200000x128xf32, #tpu.memory_space<hbm>> -> memref<200000x128xf32, #tpu.memory_space<hbm>>
    tpu.enqueue_indirect_dma source(%dma_start3A_6 : memref<200000x128xf32, #tpu.memory_space<hbm>>) target(%arg10 : memref<128x128xf32, #tpu.memory_space<vmem>>) offsets(%arg8 : memref<128xi32, #tpu.memory_space<vmem>>) semaphore(%arg13 : memref<!tpu.dma_semaphore, #tpu.memory_space<semaphore_mem>>)
    %dma_wait3A = arith.constant 0 : i32
    %dma_wait3A_7 = arith.constant 0 : i32
    %dma_wait3A_8 = tpu.memref_slice %arg2[%dma_wait3A, %dma_wait3A_7] : memref<200000x128xf32, #tpu.memory_space<hbm>> -> memref<200000x128xf32, #tpu.memory_space<hbm>>
    tpu.wait_indirect_dma semaphore(%arg13 : memref<!tpu.dma_semaphore, #tpu.memory_space<semaphore_mem>>) src(%dma_wait3A_8 : memref<200000x128xf32, #tpu.memory_space<hbm>>) dst(%arg10 : memref<128x128xf32, #tpu.memory_space<vmem>>)
    "tpu.region"() ({
      %run_scoped3A = tpu.sem_alloc : memref<!tpu.dma_semaphore, #tpu.memory_space<semaphore_mem>>
      %dma_start3A_329 = arith.constant 0 : i32
      %dma_start3A_330 = tpu.memref_slice %arg6[%mul3A_2, %dma_start3A_329] : memref<4096x128xf32, #tpu.memory_space<hbm>> -> memref<128x128xf32, #tpu.memory_space<hbm>>
      %dma_start3A_331 = arith.constant 0 : i32
      %dma_start3A_332 = tpu.memref_slice %arg6[%mul3A_2, %dma_start3A_331] : memref<4096x128xf32, #tpu.memory_space<hbm>> -> memref<128x128xf32, #tpu.memory_space<hbm>>
      tpu.enqueue_dma source(%arg10 : memref<128x128xf32, #tpu.memory_space<vmem>>) target(%dma_start3A_332 : memref<128x128xf32, #tpu.memory_space<hbm>>) target_semaphore(%run_scoped3A : memref<!tpu.dma_semaphore, #tpu.memory_space<semaphore_mem>>)
      %dma_wait3A_333 = arith.constant 0 : i32
      %dma_wait3A_334 = tpu.memref_slice %arg6[%mul3A_2, %dma_wait3A_333] : memref<4096x128xf32, #tpu.memory_space<hbm>> -> memref<128x128xf32, #tpu.memory_space<hbm>>
      %dma_wait3A_335 = arith.constant 0 : i32
      %dma_wait3A_336 = tpu.memref_slice %arg6[%mul3A_2, %dma_wait3A_335] : memref<4096x128xf32, #tpu.memory_space<hbm>> -> memref<128x128xf32, #tpu.memory_space<hbm>>
      tpu.wait_dma2 semaphore(%run_scoped3A : memref<!tpu.dma_semaphore, #tpu.memory_space<semaphore_mem>>) src(%arg10 : memref<128x128xf32, #tpu.memory_space<vmem>>) dst(%dma_wait3A_336 : memref<128x128xf32, #tpu.memory_space<hbm>>)
      tpu.yield
    }) : () -> ()
    %dma_start3A_9 = arith.constant 0 : i32
    %dma_start3A_10 = arith.constant 0 : i32
    %dma_start3A_11 = tpu.memref_slice %arg9[%dma_start3A_9, %dma_start3A_10] : memref<20x128xi32, #tpu.memory_space<vmem>> -> memref<1x128xi32, #tpu.memory_space<vmem>>
    %dma_start3A_12 = tpu.memref_squeeze %dma_start3A_11 : memref<1x128xi32, #tpu.memory_space<vmem>> -> memref<128xi32, #tpu.memory_space<vmem>>
    %dma_start3A_13 = arith.constant 0 : i32
    %dma_start3A_14 = arith.constant 0 : i32
    %dma_start3A_15 = tpu.memref_slice %arg3[%dma_start3A_13, %dma_start3A_14] : memref<200000x128xf32, #tpu.memory_space<hbm>> -> memref<200000x128xf32, #tpu.memory_space<hbm>>
    tpu.enqueue_indirect_dma source(%dma_start3A_15 : memref<200000x128xf32, #tpu.memory_space<hbm>>) target(%arg11 : memref<128x128xf32, #tpu.memory_space<vmem>>) offsets(%dma_start3A_12 : memref<128xi32, #tpu.memory_space<vmem>>) semaphore(%arg13 : memref<!tpu.dma_semaphore, #tpu.memory_space<semaphore_mem>>)
    %dma_start3A_16 = arith.constant 1 : i32
    %dma_start3A_17 = arith.constant 0 : i32
    %dma_start3A_18 = tpu.memref_slice %arg9[%dma_start3A_16, %dma_start3A_17] : memref<20x128xi32, #tpu.memory_space<vmem>> -> memref<1x128xi32, #tpu.memory_space<vmem>>
    %dma_start3A_19 = tpu.memref_squeeze %dma_start3A_18 : memref<1x128xi32, #tpu.memory_space<vmem>> -> memref<128xi32, #tpu.memory_space<vmem>>
    %dma_start3A_20 = arith.constant 0 : i32
    %dma_start3A_21 = arith.constant 0 : i32
    %dma_start3A_22 = tpu.memref_slice %arg3[%dma_start3A_20, %dma_start3A_21] : memref<200000x128xf32, #tpu.memory_space<hbm>> -> memref<200000x128xf32, #tpu.memory_space<hbm>>
    tpu.enqueue_indirect_dma source(%dma_start3A_22 : memref<200000x128xf32, #tpu.memory_space<hbm>>) target(%arg12 : memref<128x128xf32, #tpu.memory_space<vmem>>) offsets(%dma_start3A_19 : memref<128xi32, #tpu.memory_space<vmem>>) semaphore(%arg14 : memref<!tpu.dma_semaphore, #tpu.memory_space<semaphore_mem>>)
    %dma_wait3A_23 = arith.constant 0 : i32
    %dma_wait3A_24 = arith.constant 0 : i32
    %dma_wait3A_25 = tpu.memref_slice %arg9[%dma_wait3A_23, %dma_wait3A_24] : memref<20x128xi32, #tpu.memory_space<vmem>> -> memref<1x128xi32, #tpu.memory_space<vmem>>
    %dma_wait3A_26 = tpu.memref_squeeze %dma_wait3A_25 : memref<1x128xi32, #tpu.memory_space<vmem>> -> memref<128xi32, #tpu.memory_space<vmem>>
    %dma_wait3A_27 = arith.constant 0 : i32
    %dma_wait3A_28 = arith.constant 0 : i32
    %dma_wait3A_29 = tpu.memref_slice %arg3[%dma_wait3A_27, %dma_wait3A_28] : memref<200000x128xf32, #tpu.memory_space<hbm>> -> memref<200000x128xf32, #tpu.memory_space<hbm>>
    tpu.wait_indirect_dma semaphore(%arg13 : memref<!tpu.dma_semaphore, #tpu.memory_space<semaphore_mem>>) src(%dma_wait3A_29 : memref<200000x128xf32, #tpu.memory_space<hbm>>) dst(%arg11 : memref<128x128xf32, #tpu.memory_space<vmem>>)
    %add3A_30 = arith.constant 0 : i32
    %add3A_31 = arith.addi %mul3A_4, %add3A_30 : i32
    "tpu.region"() ({
      %run_scoped3A = tpu.sem_alloc : memref<!tpu.dma_semaphore, #tpu.memory_space<semaphore_mem>>
      %dma_start3A_329 = arith.constant 0 : i32
      %dma_start3A_330 = tpu.memref_slice %arg7[%add3A_31, %dma_start3A_329] : memref<81920x128xf32, #tpu.memory_space<hbm>> -> memref<128x128xf32, #tpu.memory_space<hbm>>
      %dma_start3A_331 = arith.constant 0 : i32
      %dma_start3A_332 = tpu.memref_slice %arg7[%add3A_31, %dma_start3A_331] : memref<81920x128xf32, #tpu.memory_space<hbm>> -> memref<128x128xf32, #tpu.memory_space<hbm>>
      tpu.enqueue_dma source(%arg11 : memref<128x128xf32, #tpu.memory_space<vmem>>) target(%dma_start3A_332 : memref<128x128xf32, #tpu.memory_space<hbm>>) target_semaphore(%run_scoped3A : memref<!tpu.dma_semaphore, #tpu.memory_space<semaphore_mem>>)
      %dma_wait3A_333 = arith.constant 0 : i32
      %dma_wait3A_334 = tpu.memref_slice %arg7[%add3A_31, %dma_wait3A_333] : memref<81920x128xf32, #tpu.memory_space<hbm>> -> memref<128x128xf32, #tpu.memory_space<hbm>>
      %dma_wait3A_335 = arith.constant 0 : i32
      %dma_wait3A_336 = tpu.memref_slice %arg7[%add3A_31, %dma_wait3A_335] : memref<81920x128xf32, #tpu.memory_space<hbm>> -> memref<128x128xf32, #tpu.memory_space<hbm>>
      tpu.wait_dma2 semaphore(%run_scoped3A : memref<!tpu.dma_semaphore, #tpu.memory_space<semaphore_mem>>) src(%arg11 : memref<128x128xf32, #tpu.memory_space<vmem>>) dst(%dma_wait3A_336 : memref<128x128xf32, #tpu.memory_space<hbm>>)
      tpu.yield
    }) : () -> ()
    %dma_start3A_32 = arith.constant 2 : i32
    %dma_start3A_33 = arith.constant 0 : i32
    %dma_start3A_34 = tpu.memref_slice %arg9[%dma_start3A_32, %dma_start3A_33] : memref<20x128xi32, #tpu.memory_space<vmem>> -> memref<1x128xi32, #tpu.memory_space<vmem>>
    %dma_start3A_35 = tpu.memref_squeeze %dma_start3A_34 : memref<1x128xi32, #tpu.memory_space<vmem>> -> memref<128xi32, #tpu.memory_space<vmem>>
    %dma_start3A_36 = arith.constant 0 : i32
    %dma_start3A_37 = arith.constant 0 : i32
    %dma_start3A_38 = tpu.memref_slice %arg3[%dma_start3A_36, %dma_start3A_37] : memref<200000x128xf32, #tpu.memory_space<hbm>> -> memref<200000x128xf32, #tpu.memory_space<hbm>>
    tpu.enqueue_indirect_dma source(%dma_start3A_38 : memref<200000x128xf32, #tpu.memory_space<hbm>>) target(%arg11 : memref<128x128xf32, #tpu.memory_space<vmem>>) offsets(%dma_start3A_35 : memref<128xi32, #tpu.memory_space<vmem>>) semaphore(%arg13 : memref<!tpu.dma_semaphore, #tpu.memory_space<semaphore_mem>>)
    %dma_wait3A_39 = arith.constant 1 : i32
    %dma_wait3A_40 = arith.constant 0 : i32
    %dma_wait3A_41 = tpu.memref_slice %arg9[%dma_wait3A_39, %dma_wait3A_40] : memref<20x128xi32, #tpu.memory_space<vmem>> -> memref<1x128xi32, #tpu.memory_space<vmem>>
    %dma_wait3A_42 = tpu.memref_squeeze %dma_wait3A_41 : memref<1x128xi32, #tpu.memory_space<vmem>> -> memref<128xi32, #tpu.memory_space<vmem>>
    %dma_wait3A_43 = arith.constant 0 : i32
    %dma_wait3A_44 = arith.constant 0 : i32
    %dma_wait3A_45 = tpu.memref_slice %arg3[%dma_wait3A_43, %dma_wait3A_44] : memref<200000x128xf32, #tpu.memory_space<hbm>> -> memref<200000x128xf32, #tpu.memory_space<hbm>>
    tpu.wait_indirect_dma semaphore(%arg14 : memref<!tpu.dma_semaphore, #tpu.memory_space<semaphore_mem>>) src(%dma_wait3A_45 : memref<200000x128xf32, #tpu.memory_space<hbm>>) dst(%arg12 : memref<128x128xf32, #tpu.memory_space<vmem>>)
    %add3A_46 = arith.constant 128 : i32
    %add3A_47 = arith.addi %mul3A_4, %add3A_46 : i32
    "tpu.region"() ({
      %run_scoped3A = tpu.sem_alloc : memref<!tpu.dma_semaphore, #tpu.memory_space<semaphore_mem>>
      %dma_start3A_329 = arith.constant 0 : i32
      %dma_start3A_330 = tpu.memref_slice %arg7[%add3A_47, %dma_start3A_329] : memref<81920x128xf32, #tpu.memory_space<hbm>> -> memref<128x128xf32, #tpu.memory_space<hbm>>
      %dma_start3A_331 = arith.constant 0 : i32
      %dma_start3A_332 = tpu.memref_slice %arg7[%add3A_47, %dma_start3A_331] : memref<81920x128xf32, #tpu.memory_space<hbm>> -> memref<128x128xf32, #tpu.memory_space<hbm>>
      tpu.enqueue_dma source(%arg12 : memref<128x128xf32, #tpu.memory_space<vmem>>) target(%dma_start3A_332 : memref<128x128xf32, #tpu.memory_space<hbm>>) target_semaphore(%run_scoped3A : memref<!tpu.dma_semaphore, #tpu.memory_space<semaphore_mem>>)
      %dma_wait3A_333 = arith.constant 0 : i32
      %dma_wait3A_334 = tpu.memref_slice %arg7[%add3A_47, %dma_wait3A_333] : memref<81920x128xf32, #tpu.memory_space<hbm>> -> memref<128x128xf32, #tpu.memory_space<hbm>>
      %dma_wait3A_335 = arith.constant 0 : i32
      %dma_wait3A_336 = tpu.memref_slice %arg7[%add3A_47, %dma_wait3A_335] : memref<81920x128xf32, #tpu.memory_space<hbm>> -> memref<128x128xf32, #tpu.memory_space<hbm>>
      tpu.wait_dma2 semaphore(%run_scoped3A : memref<!tpu.dma_semaphore, #tpu.memory_space<semaphore_mem>>) src(%arg12 : memref<128x128xf32, #tpu.memory_space<vmem>>) dst(%dma_wait3A_336 : memref<128x128xf32, #tpu.memory_space<hbm>>)
      tpu.yield
    }) : () -> ()
    %dma_start3A_48 = arith.constant 3 : i32
    %dma_start3A_49 = arith.constant 0 : i32
    %dma_start3A_50 = tpu.memref_slice %arg9[%dma_start3A_48, %dma_start3A_49] : memref<20x128xi32, #tpu.memory_space<vmem>> -> memref<1x128xi32, #tpu.memory_space<vmem>>
    %dma_start3A_51 = tpu.memref_squeeze %dma_start3A_50 : memref<1x128xi32, #tpu.memory_space<vmem>> -> memref<128xi32, #tpu.memory_space<vmem>>
    %dma_start3A_52 = arith.constant 0 : i32
    %dma_start3A_53 = arith.constant 0 : i32
    %dma_start3A_54 = tpu.memref_slice %arg3[%dma_start3A_52, %dma_start3A_53] : memref<200000x128xf32, #tpu.memory_space<hbm>> -> memref<200000x128xf32, #tpu.memory_space<hbm>>
    tpu.enqueue_indirect_dma source(%dma_start3A_54 : memref<200000x128xf32, #tpu.memory_space<hbm>>) target(%arg12 : memref<128x128xf32, #tpu.memory_space<vmem>>) offsets(%dma_start3A_51 : memref<128xi32, #tpu.memory_space<vmem>>) semaphore(%arg14 : memref<!tpu.dma_semaphore, #tpu.memory_space<semaphore_mem>>)
    %dma_wait3A_55 = arith.constant 2 : i32
    %dma_wait3A_56 = arith.constant 0 : i32
    %dma_wait3A_57 = tpu.memref_slice %arg9[%dma_wait3A_55, %dma_wait3A_56] : memref<20x128xi32, #tpu.memory_space<vmem>> -> memref<1x128xi32, #tpu.memory_space<vmem>>
    %dma_wait3A_58 = tpu.memref_squeeze %dma_wait3A_57 : memref<1x128xi32, #tpu.memory_space<vmem>> -> memref<128xi32, #tpu.memory_space<vmem>>
    %dma_wait3A_59 = arith.constant 0 : i32
    %dma_wait3A_60 = arith.constant 0 : i32
    %dma_wait3A_61 = tpu.memref_slice %arg3[%dma_wait3A_59, %dma_wait3A_60] : memref<200000x128xf32, #tpu.memory_space<hbm>> -> memref<200000x128xf32, #tpu.memory_space<hbm>>
    tpu.wait_indirect_dma semaphore(%arg13 : memref<!tpu.dma_semaphore, #tpu.memory_space<semaphore_mem>>) src(%dma_wait3A_61 : memref<200000x128xf32, #tpu.memory_space<hbm>>) dst(%arg11 : memref<128x128xf32, #tpu.memory_space<vmem>>)
    %add3A_62 = arith.constant 256 : i32
    %add3A_63 = arith.addi %mul3A_4, %add3A_62 : i32
    "tpu.region"() ({
      %run_scoped3A = tpu.sem_alloc : memref<!tpu.dma_semaphore, #tpu.memory_space<semaphore_mem>>
      %dma_start3A_329 = arith.constant 0 : i32
      %dma_start3A_330 = tpu.memref_slice %arg7[%add3A_63, %dma_start3A_329] : memref<81920x128xf32, #tpu.memory_space<hbm>> -> memref<128x128xf32, #tpu.memory_space<hbm>>
      %dma_start3A_331 = arith.constant 0 : i32
      %dma_start3A_332 = tpu.memref_slice %arg7[%add3A_63, %dma_start3A_331] : memref<81920x128xf32, #tpu.memory_space<hbm>> -> memref<128x128xf32, #tpu.memory_space<hbm>>
      tpu.enqueue_dma source(%arg11 : memref<128x128xf32, #tpu.memory_space<vmem>>) target(%dma_start3A_332 : memref<128x128xf32, #tpu.memory_space<hbm>>) target_semaphore(%run_scoped3A : memref<!tpu.dma_semaphore, #tpu.memory_space<semaphore_mem>>)
      %dma_wait3A_333 = arith.constant 0 : i32
      %dma_wait3A_334 = tpu.memref_slice %arg7[%add3A_63, %dma_wait3A_333] : memref<81920x128xf32, #tpu.memory_space<hbm>> -> memref<128x128xf32, #tpu.memory_space<hbm>>
      %dma_wait3A_335 = arith.constant 0 : i32
      %dma_wait3A_336 = tpu.memref_slice %arg7[%add3A_63, %dma_wait3A_335] : memref<81920x128xf32, #tpu.memory_space<hbm>> -> memref<128x128xf32, #tpu.memory_space<hbm>>
      tpu.wait_dma2 semaphore(%run_scoped3A : memref<!tpu.dma_semaphore, #tpu.memory_space<semaphore_mem>>) src(%arg11 : memref<128x128xf32, #tpu.memory_space<vmem>>) dst(%dma_wait3A_336 : memref<128x128xf32, #tpu.memory_space<hbm>>)
      tpu.yield
    }) : () -> ()
    %dma_start3A_64 = arith.constant 4 : i32
    %dma_start3A_65 = arith.constant 0 : i32
    %dma_start3A_66 = tpu.memref_slice %arg9[%dma_start3A_64, %dma_start3A_65] : memref<20x128xi32, #tpu.memory_space<vmem>> -> memref<1x128xi32, #tpu.memory_space<vmem>>
    %dma_start3A_67 = tpu.memref_squeeze %dma_start3A_66 : memref<1x128xi32, #tpu.memory_space<vmem>> -> memref<128xi32, #tpu.memory_space<vmem>>
    %dma_start3A_68 = arith.constant 0 : i32
    %dma_start3A_69 = arith.constant 0 : i32
    %dma_start3A_70 = tpu.memref_slice %arg3[%dma_start3A_68, %dma_start3A_69] : memref<200000x128xf32, #tpu.memory_space<hbm>> -> memref<200000x128xf32, #tpu.memory_space<hbm>>
    tpu.enqueue_indirect_dma source(%dma_start3A_70 : memref<200000x128xf32, #tpu.memory_space<hbm>>) target(%arg11 : memref<128x128xf32, #tpu.memory_space<vmem>>) offsets(%dma_start3A_67 : memref<128xi32, #tpu.memory_space<vmem>>) semaphore(%arg13 : memref<!tpu.dma_semaphore, #tpu.memory_space<semaphore_mem>>)
    %dma_wait3A_71 = arith.constant 3 : i32
    %dma_wait3A_72 = arith.constant 0 : i32
    %dma_wait3A_73 = tpu.memref_slice %arg9[%dma_wait3A_71, %dma_wait3A_72] : memref<20x128xi32, #tpu.memory_space<vmem>> -> memref<1x128xi32, #tpu.memory_space<vmem>>
    %dma_wait3A_74 = tpu.memref_squeeze %dma_wait3A_73 : memref<1x128xi32, #tpu.memory_space<vmem>> -> memref<128xi32, #tpu.memory_space<vmem>>
    %dma_wait3A_75 = arith.constant 0 : i32
    %dma_wait3A_76 = arith.constant 0 : i32
    %dma_wait3A_77 = tpu.memref_slice %arg3[%dma_wait3A_75, %dma_wait3A_76] : memref<200000x128xf32, #tpu.memory_space<hbm>> -> memref<200000x128xf32, #tpu.memory_space<hbm>>
    tpu.wait_indirect_dma semaphore(%arg14 : memref<!tpu.dma_semaphore, #tpu.memory_space<semaphore_mem>>) src(%dma_wait3A_77 : memref<200000x128xf32, #tpu.memory_space<hbm>>) dst(%arg12 : memref<128x128xf32, #tpu.memory_space<vmem>>)
    %add3A_78 = arith.constant 384 : i32
    %add3A_79 = arith.addi %mul3A_4, %add3A_78 : i32
    "tpu.region"() ({
      %run_scoped3A = tpu.sem_alloc : memref<!tpu.dma_semaphore, #tpu.memory_space<semaphore_mem>>
      %dma_start3A_329 = arith.constant 0 : i32
      %dma_start3A_330 = tpu.memref_slice %arg7[%add3A_79, %dma_start3A_329] : memref<81920x128xf32, #tpu.memory_space<hbm>> -> memref<128x128xf32, #tpu.memory_space<hbm>>
      %dma_start3A_331 = arith.constant 0 : i32
      %dma_start3A_332 = tpu.memref_slice %arg7[%add3A_79, %dma_start3A_331] : memref<81920x128xf32, #tpu.memory_space<hbm>> -> memref<128x128xf32, #tpu.memory_space<hbm>>
      tpu.enqueue_dma source(%arg12 : memref<128x128xf32, #tpu.memory_space<vmem>>) target(%dma_start3A_332 : memref<128x128xf32, #tpu.memory_space<hbm>>) target_semaphore(%run_scoped3A : memref<!tpu.dma_semaphore, #tpu.memory_space<semaphore_mem>>)
      %dma_wait3A_333 = arith.constant 0 : i32
      %dma_wait3A_334 = tpu.memref_slice %arg7[%add3A_79, %dma_wait3A_333] : memref<81920x128xf32, #tpu.memory_space<hbm>> -> memref<128x128xf32, #tpu.memory_space<hbm>>
      %dma_wait3A_335 = arith.constant 0 : i32
      %dma_wait3A_336 = tpu.memref_slice %arg7[%add3A_79, %dma_wait3A_335] : memref<81920x128xf32, #tpu.memory_space<hbm>> -> memref<128x128xf32, #tpu.memory_space<hbm>>
      tpu.wait_dma2 semaphore(%run_scoped3A : memref<!tpu.dma_semaphore, #tpu.memory_space<semaphore_mem>>) src(%arg12 : memref<128x128xf32, #tpu.memory_space<vmem>>) dst(%dma_wait3A_336 : memref<128x128xf32, #tpu.memory_space<hbm>>)
      tpu.yield
    }) : () -> ()
    %dma_start3A_80 = arith.constant 5 : i32
    %dma_start3A_81 = arith.constant 0 : i32
    %dma_start3A_82 = tpu.memref_slice %arg9[%dma_start3A_80, %dma_start3A_81] : memref<20x128xi32, #tpu.memory_space<vmem>> -> memref<1x128xi32, #tpu.memory_space<vmem>>
    %dma_start3A_83 = tpu.memref_squeeze %dma_start3A_82 : memref<1x128xi32, #tpu.memory_space<vmem>> -> memref<128xi32, #tpu.memory_space<vmem>>
    %dma_start3A_84 = arith.constant 0 : i32
    %dma_start3A_85 = arith.constant 0 : i32
    %dma_start3A_86 = tpu.memref_slice %arg3[%dma_start3A_84, %dma_start3A_85] : memref<200000x128xf32, #tpu.memory_space<hbm>> -> memref<200000x128xf32, #tpu.memory_space<hbm>>
    tpu.enqueue_indirect_dma source(%dma_start3A_86 : memref<200000x128xf32, #tpu.memory_space<hbm>>) target(%arg12 : memref<128x128xf32, #tpu.memory_space<vmem>>) offsets(%dma_start3A_83 : memref<128xi32, #tpu.memory_space<vmem>>) semaphore(%arg14 : memref<!tpu.dma_semaphore, #tpu.memory_space<semaphore_mem>>)
    %dma_wait3A_87 = arith.constant 4 : i32
    %dma_wait3A_88 = arith.constant 0 : i32
    %dma_wait3A_89 = tpu.memref_slice %arg9[%dma_wait3A_87, %dma_wait3A_88] : memref<20x128xi32, #tpu.memory_space<vmem>> -> memref<1x128xi32, #tpu.memory_space<vmem>>
    %dma_wait3A_90 = tpu.memref_squeeze %dma_wait3A_89 : memref<1x128xi32, #tpu.memory_space<vmem>> -> memref<128xi32, #tpu.memory_space<vmem>>
    %dma_wait3A_91 = arith.constant 0 : i32
    %dma_wait3A_92 = arith.constant 0 : i32
    %dma_wait3A_93 = tpu.memref_slice %arg3[%dma_wait3A_91, %dma_wait3A_92] : memref<200000x128xf32, #tpu.memory_space<hbm>> -> memref<200000x128xf32, #tpu.memory_space<hbm>>
    tpu.wait_indirect_dma semaphore(%arg13 : memref<!tpu.dma_semaphore, #tpu.memory_space<semaphore_mem>>) src(%dma_wait3A_93 : memref<200000x128xf32, #tpu.memory_space<hbm>>) dst(%arg11 : memref<128x128xf32, #tpu.memory_space<vmem>>)
    %add3A_94 = arith.constant 512 : i32
    %add3A_95 = arith.addi %mul3A_4, %add3A_94 : i32
    "tpu.region"() ({
      %run_scoped3A = tpu.sem_alloc : memref<!tpu.dma_semaphore, #tpu.memory_space<semaphore_mem>>
      %dma_start3A_329 = arith.constant 0 : i32
      %dma_start3A_330 = tpu.memref_slice %arg7[%add3A_95, %dma_start3A_329] : memref<81920x128xf32, #tpu.memory_space<hbm>> -> memref<128x128xf32, #tpu.memory_space<hbm>>
      %dma_start3A_331 = arith.constant 0 : i32
      %dma_start3A_332 = tpu.memref_slice %arg7[%add3A_95, %dma_start3A_331] : memref<81920x128xf32, #tpu.memory_space<hbm>> -> memref<128x128xf32, #tpu.memory_space<hbm>>
      tpu.enqueue_dma source(%arg11 : memref<128x128xf32, #tpu.memory_space<vmem>>) target(%dma_start3A_332 : memref<128x128xf32, #tpu.memory_space<hbm>>) target_semaphore(%run_scoped3A : memref<!tpu.dma_semaphore, #tpu.memory_space<semaphore_mem>>)
      %dma_wait3A_333 = arith.constant 0 : i32
      %dma_wait3A_334 = tpu.memref_slice %arg7[%add3A_95, %dma_wait3A_333] : memref<81920x128xf32, #tpu.memory_space<hbm>> -> memref<128x128xf32, #tpu.memory_space<hbm>>
      %dma_wait3A_335 = arith.constant 0 : i32
      %dma_wait3A_336 = tpu.memref_slice %arg7[%add3A_95, %dma_wait3A_335] : memref<81920x128xf32, #tpu.memory_space<hbm>> -> memref<128x128xf32, #tpu.memory_space<hbm>>
      tpu.wait_dma2 semaphore(%run_scoped3A : memref<!tpu.dma_semaphore, #tpu.memory_space<semaphore_mem>>) src(%arg11 : memref<128x128xf32, #tpu.memory_space<vmem>>) dst(%dma_wait3A_336 : memref<128x128xf32, #tpu.memory_space<hbm>>)
      tpu.yield
    }) : () -> ()
    %dma_start3A_96 = arith.constant 6 : i32
    %dma_start3A_97 = arith.constant 0 : i32
    %dma_start3A_98 = tpu.memref_slice %arg9[%dma_start3A_96, %dma_start3A_97] : memref<20x128xi32, #tpu.memory_space<vmem>> -> memref<1x128xi32, #tpu.memory_space<vmem>>
    %dma_start3A_99 = tpu.memref_squeeze %dma_start3A_98 : memref<1x128xi32, #tpu.memory_space<vmem>> -> memref<128xi32, #tpu.memory_space<vmem>>
    %dma_start3A_100 = arith.constant 0 : i32
    %dma_start3A_101 = arith.constant 0 : i32
    %dma_start3A_102 = tpu.memref_slice %arg3[%dma_start3A_100, %dma_start3A_101] : memref<200000x128xf32, #tpu.memory_space<hbm>> -> memref<200000x128xf32, #tpu.memory_space<hbm>>
    tpu.enqueue_indirect_dma source(%dma_start3A_102 : memref<200000x128xf32, #tpu.memory_space<hbm>>) target(%arg11 : memref<128x128xf32, #tpu.memory_space<vmem>>) offsets(%dma_start3A_99 : memref<128xi32, #tpu.memory_space<vmem>>) semaphore(%arg13 : memref<!tpu.dma_semaphore, #tpu.memory_space<semaphore_mem>>)
    %dma_wait3A_103 = arith.constant 5 : i32
    %dma_wait3A_104 = arith.constant 0 : i32
    %dma_wait3A_105 = tpu.memref_slice %arg9[%dma_wait3A_103, %dma_wait3A_104] : memref<20x128xi32, #tpu.memory_space<vmem>> -> memref<1x128xi32, #tpu.memory_space<vmem>>
    %dma_wait3A_106 = tpu.memref_squeeze %dma_wait3A_105 : memref<1x128xi32, #tpu.memory_space<vmem>> -> memref<128xi32, #tpu.memory_space<vmem>>
    %dma_wait3A_107 = arith.constant 0 : i32
    %dma_wait3A_108 = arith.constant 0 : i32
    %dma_wait3A_109 = tpu.memref_slice %arg3[%dma_wait3A_107, %dma_wait3A_108] : memref<200000x128xf32, #tpu.memory_space<hbm>> -> memref<200000x128xf32, #tpu.memory_space<hbm>>
    tpu.wait_indirect_dma semaphore(%arg14 : memref<!tpu.dma_semaphore, #tpu.memory_space<semaphore_mem>>) src(%dma_wait3A_109 : memref<200000x128xf32, #tpu.memory_space<hbm>>) dst(%arg12 : memref<128x128xf32, #tpu.memory_space<vmem>>)
    %add3A_110 = arith.constant 640 : i32
    %add3A_111 = arith.addi %mul3A_4, %add3A_110 : i32
    "tpu.region"() ({
      %run_scoped3A = tpu.sem_alloc : memref<!tpu.dma_semaphore, #tpu.memory_space<semaphore_mem>>
      %dma_start3A_329 = arith.constant 0 : i32
      %dma_start3A_330 = tpu.memref_slice %arg7[%add3A_111, %dma_start3A_329] : memref<81920x128xf32, #tpu.memory_space<hbm>> -> memref<128x128xf32, #tpu.memory_space<hbm>>
      %dma_start3A_331 = arith.constant 0 : i32
      %dma_start3A_332 = tpu.memref_slice %arg7[%add3A_111, %dma_start3A_331] : memref<81920x128xf32, #tpu.memory_space<hbm>> -> memref<128x128xf32, #tpu.memory_space<hbm>>
      tpu.enqueue_dma source(%arg12 : memref<128x128xf32, #tpu.memory_space<vmem>>) target(%dma_start3A_332 : memref<128x128xf32, #tpu.memory_space<hbm>>) target_semaphore(%run_scoped3A : memref<!tpu.dma_semaphore, #tpu.memory_space<semaphore_mem>>)
      %dma_wait3A_333 = arith.constant 0 : i32
      %dma_wait3A_334 = tpu.memref_slice %arg7[%add3A_111, %dma_wait3A_333] : memref<81920x128xf32, #tpu.memory_space<hbm>> -> memref<128x128xf32, #tpu.memory_space<hbm>>
      %dma_wait3A_335 = arith.constant 0 : i32
      %dma_wait3A_336 = tpu.memref_slice %arg7[%add3A_111, %dma_wait3A_335] : memref<81920x128xf32, #tpu.memory_space<hbm>> -> memref<128x128xf32, #tpu.memory_space<hbm>>
      tpu.wait_dma2 semaphore(%run_scoped3A : memref<!tpu.dma_semaphore, #tpu.memory_space<semaphore_mem>>) src(%arg12 : memref<128x128xf32, #tpu.memory_space<vmem>>) dst(%dma_wait3A_336 : memref<128x128xf32, #tpu.memory_space<hbm>>)
      tpu.yield
    }) : () -> ()
    %dma_start3A_112 = arith.constant 7 : i32
    %dma_start3A_113 = arith.constant 0 : i32
    %dma_start3A_114 = tpu.memref_slice %arg9[%dma_start3A_112, %dma_start3A_113] : memref<20x128xi32, #tpu.memory_space<vmem>> -> memref<1x128xi32, #tpu.memory_space<vmem>>
    %dma_start3A_115 = tpu.memref_squeeze %dma_start3A_114 : memref<1x128xi32, #tpu.memory_space<vmem>> -> memref<128xi32, #tpu.memory_space<vmem>>
    %dma_start3A_116 = arith.constant 0 : i32
    %dma_start3A_117 = arith.constant 0 : i32
    %dma_start3A_118 = tpu.memref_slice %arg3[%dma_start3A_116, %dma_start3A_117] : memref<200000x128xf32, #tpu.memory_space<hbm>> -> memref<200000x128xf32, #tpu.memory_space<hbm>>
    tpu.enqueue_indirect_dma source(%dma_start3A_118 : memref<200000x128xf32, #tpu.memory_space<hbm>>) target(%arg12 : memref<128x128xf32, #tpu.memory_space<vmem>>) offsets(%dma_start3A_115 : memref<128xi32, #tpu.memory_space<vmem>>) semaphore(%arg14 : memref<!tpu.dma_semaphore, #tpu.memory_space<semaphore_mem>>)
    %dma_wait3A_119 = arith.constant 6 : i32
    %dma_wait3A_120 = arith.constant 0 : i32
    %dma_wait3A_121 = tpu.memref_slice %arg9[%dma_wait3A_119, %dma_wait3A_120] : memref<20x128xi32, #tpu.memory_space<vmem>> -> memref<1x128xi32, #tpu.memory_space<vmem>>
    %dma_wait3A_122 = tpu.memref_squeeze %dma_wait3A_121 : memref<1x128xi32, #tpu.memory_space<vmem>> -> memref<128xi32, #tpu.memory_space<vmem>>
    %dma_wait3A_123 = arith.constant 0 : i32
    %dma_wait3A_124 = arith.constant 0 : i32
    %dma_wait3A_125 = tpu.memref_slice %arg3[%dma_wait3A_123, %dma_wait3A_124] : memref<200000x128xf32, #tpu.memory_space<hbm>> -> memref<200000x128xf32, #tpu.memory_space<hbm>>
    tpu.wait_indirect_dma semaphore(%arg13 : memref<!tpu.dma_semaphore, #tpu.memory_space<semaphore_mem>>) src(%dma_wait3A_125 : memref<200000x128xf32, #tpu.memory_space<hbm>>) dst(%arg11 : memref<128x128xf32, #tpu.memory_space<vmem>>)
    %add3A_126 = arith.constant 768 : i32
    %add3A_127 = arith.addi %mul3A_4, %add3A_126 : i32
    "tpu.region"() ({
      %run_scoped3A = tpu.sem_alloc : memref<!tpu.dma_semaphore, #tpu.memory_space<semaphore_mem>>
      %dma_start3A_329 = arith.constant 0 : i32
      %dma_start3A_330 = tpu.memref_slice %arg7[%add3A_127, %dma_start3A_329] : memref<81920x128xf32, #tpu.memory_space<hbm>> -> memref<128x128xf32, #tpu.memory_space<hbm>>
      %dma_start3A_331 = arith.constant 0 : i32
      %dma_start3A_332 = tpu.memref_slice %arg7[%add3A_127, %dma_start3A_331] : memref<81920x128xf32, #tpu.memory_space<hbm>> -> memref<128x128xf32, #tpu.memory_space<hbm>>
      tpu.enqueue_dma source(%arg11 : memref<128x128xf32, #tpu.memory_space<vmem>>) target(%dma_start3A_332 : memref<128x128xf32, #tpu.memory_space<hbm>>) target_semaphore(%run_scoped3A : memref<!tpu.dma_semaphore, #tpu.memory_space<semaphore_mem>>)
      %dma_wait3A_333 = arith.constant 0 : i32
      %dma_wait3A_334 = tpu.memref_slice %arg7[%add3A_127, %dma_wait3A_333] : memref<81920x128xf32, #tpu.memory_space<hbm>> -> memref<128x128xf32, #tpu.memory_space<hbm>>
      %dma_wait3A_335 = arith.constant 0 : i32
      %dma_wait3A_336 = tpu.memref_slice %arg7[%add3A_127, %dma_wait3A_335] : memref<81920x128xf32, #tpu.memory_space<hbm>> -> memref<128x128xf32, #tpu.memory_space<hbm>>
      tpu.wait_dma2 semaphore(%run_scoped3A : memref<!tpu.dma_semaphore, #tpu.memory_space<semaphore_mem>>) src(%arg11 : memref<128x128xf32, #tpu.memory_space<vmem>>) dst(%dma_wait3A_336 : memref<128x128xf32, #tpu.memory_space<hbm>>)
      tpu.yield
    }) : () -> ()
    %dma_start3A_128 = arith.constant 8 : i32
    %dma_start3A_129 = arith.constant 0 : i32
    %dma_start3A_130 = tpu.memref_slice %arg9[%dma_start3A_128, %dma_start3A_129] : memref<20x128xi32, #tpu.memory_space<vmem>> -> memref<1x128xi32, #tpu.memory_space<vmem>>
    %dma_start3A_131 = tpu.memref_squeeze %dma_start3A_130 : memref<1x128xi32, #tpu.memory_space<vmem>> -> memref<128xi32, #tpu.memory_space<vmem>>
    %dma_start3A_132 = arith.constant 0 : i32
    %dma_start3A_133 = arith.constant 0 : i32
    %dma_start3A_134 = tpu.memref_slice %arg3[%dma_start3A_132, %dma_start3A_133] : memref<200000x128xf32, #tpu.memory_space<hbm>> -> memref<200000x128xf32, #tpu.memory_space<hbm>>
    tpu.enqueue_indirect_dma source(%dma_start3A_134 : memref<200000x128xf32, #tpu.memory_space<hbm>>) target(%arg11 : memref<128x128xf32, #tpu.memory_space<vmem>>) offsets(%dma_start3A_131 : memref<128xi32, #tpu.memory_space<vmem>>) semaphore(%arg13 : memref<!tpu.dma_semaphore, #tpu.memory_space<semaphore_mem>>)
    %dma_wait3A_135 = arith.constant 7 : i32
    %dma_wait3A_136 = arith.constant 0 : i32
    %dma_wait3A_137 = tpu.memref_slice %arg9[%dma_wait3A_135, %dma_wait3A_136] : memref<20x128xi32, #tpu.memory_space<vmem>> -> memref<1x128xi32, #tpu.memory_space<vmem>>
    %dma_wait3A_138 = tpu.memref_squeeze %dma_wait3A_137 : memref<1x128xi32, #tpu.memory_space<vmem>> -> memref<128xi32, #tpu.memory_space<vmem>>
    %dma_wait3A_139 = arith.constant 0 : i32
    %dma_wait3A_140 = arith.constant 0 : i32
    %dma_wait3A_141 = tpu.memref_slice %arg3[%dma_wait3A_139, %dma_wait3A_140] : memref<200000x128xf32, #tpu.memory_space<hbm>> -> memref<200000x128xf32, #tpu.memory_space<hbm>>
    tpu.wait_indirect_dma semaphore(%arg14 : memref<!tpu.dma_semaphore, #tpu.memory_space<semaphore_mem>>) src(%dma_wait3A_141 : memref<200000x128xf32, #tpu.memory_space<hbm>>) dst(%arg12 : memref<128x128xf32, #tpu.memory_space<vmem>>)
    %add3A_142 = arith.constant 896 : i32
    %add3A_143 = arith.addi %mul3A_4, %add3A_142 : i32
    "tpu.region"() ({
      %run_scoped3A = tpu.sem_alloc : memref<!tpu.dma_semaphore, #tpu.memory_space<semaphore_mem>>
      %dma_start3A_329 = arith.constant 0 : i32
      %dma_start3A_330 = tpu.memref_slice %arg7[%add3A_143, %dma_start3A_329] : memref<81920x128xf32, #tpu.memory_space<hbm>> -> memref<128x128xf32, #tpu.memory_space<hbm>>
      %dma_start3A_331 = arith.constant 0 : i32
      %dma_start3A_332 = tpu.memref_slice %arg7[%add3A_143, %dma_start3A_331] : memref<81920x128xf32, #tpu.memory_space<hbm>> -> memref<128x128xf32, #tpu.memory_space<hbm>>
      tpu.enqueue_dma source(%arg12 : memref<128x128xf32, #tpu.memory_space<vmem>>) target(%dma_start3A_332 : memref<128x128xf32, #tpu.memory_space<hbm>>) target_semaphore(%run_scoped3A : memref<!tpu.dma_semaphore, #tpu.memory_space<semaphore_mem>>)
      %dma_wait3A_333 = arith.constant 0 : i32
      %dma_wait3A_334 = tpu.memref_slice %arg7[%add3A_143, %dma_wait3A_333] : memref<81920x128xf32, #tpu.memory_space<hbm>> -> memref<128x128xf32, #tpu.memory_space<hbm>>
      %dma_wait3A_335 = arith.constant 0 : i32
      %dma_wait3A_336 = tpu.memref_slice %arg7[%add3A_143, %dma_wait3A_335] : memref<81920x128xf32, #tpu.memory_space<hbm>> -> memref<128x128xf32, #tpu.memory_space<hbm>>
      tpu.wait_dma2 semaphore(%run_scoped3A : memref<!tpu.dma_semaphore, #tpu.memory_space<semaphore_mem>>) src(%arg12 : memref<128x128xf32, #tpu.memory_space<vmem>>) dst(%dma_wait3A_336 : memref<128x128xf32, #tpu.memory_space<hbm>>)
      tpu.yield
    }) : () -> ()
    %dma_start3A_144 = arith.constant 9 : i32
    %dma_start3A_145 = arith.constant 0 : i32
    %dma_start3A_146 = tpu.memref_slice %arg9[%dma_start3A_144, %dma_start3A_145] : memref<20x128xi32, #tpu.memory_space<vmem>> -> memref<1x128xi32, #tpu.memory_space<vmem>>
    %dma_start3A_147 = tpu.memref_squeeze %dma_start3A_146 : memref<1x128xi32, #tpu.memory_space<vmem>> -> memref<128xi32, #tpu.memory_space<vmem>>
    %dma_start3A_148 = arith.constant 0 : i32
    %dma_start3A_149 = arith.constant 0 : i32
    %dma_start3A_150 = tpu.memref_slice %arg3[%dma_start3A_148, %dma_start3A_149] : memref<200000x128xf32, #tpu.memory_space<hbm>> -> memref<200000x128xf32, #tpu.memory_space<hbm>>
    tpu.enqueue_indirect_dma source(%dma_start3A_150 : memref<200000x128xf32, #tpu.memory_space<hbm>>) target(%arg12 : memref<128x128xf32, #tpu.memory_space<vmem>>) offsets(%dma_start3A_147 : memref<128xi32, #tpu.memory_space<vmem>>) semaphore(%arg14 : memref<!tpu.dma_semaphore, #tpu.memory_space<semaphore_mem>>)
    %dma_wait3A_151 = arith.constant 8 : i32
    %dma_wait3A_152 = arith.constant 0 : i32
    %dma_wait3A_153 = tpu.memref_slice %arg9[%dma_wait3A_151, %dma_wait3A_152] : memref<20x128xi32, #tpu.memory_space<vmem>> -> memref<1x128xi32, #tpu.memory_space<vmem>>
    %dma_wait3A_154 = tpu.memref_squeeze %dma_wait3A_153 : memref<1x128xi32, #tpu.memory_space<vmem>> -> memref<128xi32, #tpu.memory_space<vmem>>
    %dma_wait3A_155 = arith.constant 0 : i32
    %dma_wait3A_156 = arith.constant 0 : i32
    %dma_wait3A_157 = tpu.memref_slice %arg3[%dma_wait3A_155, %dma_wait3A_156] : memref<200000x128xf32, #tpu.memory_space<hbm>> -> memref<200000x128xf32, #tpu.memory_space<hbm>>
    tpu.wait_indirect_dma semaphore(%arg13 : memref<!tpu.dma_semaphore, #tpu.memory_space<semaphore_mem>>) src(%dma_wait3A_157 : memref<200000x128xf32, #tpu.memory_space<hbm>>) dst(%arg11 : memref<128x128xf32, #tpu.memory_space<vmem>>)
    %add3A_158 = arith.constant 1024 : i32
    %add3A_159 = arith.addi %mul3A_4, %add3A_158 : i32
    "tpu.region"() ({
      %run_scoped3A = tpu.sem_alloc : memref<!tpu.dma_semaphore, #tpu.memory_space<semaphore_mem>>
      %dma_start3A_329 = arith.constant 0 : i32
      %dma_start3A_330 = tpu.memref_slice %arg7[%add3A_159, %dma_start3A_329] : memref<81920x128xf32, #tpu.memory_space<hbm>> -> memref<128x128xf32, #tpu.memory_space<hbm>>
      %dma_start3A_331 = arith.constant 0 : i32
      %dma_start3A_332 = tpu.memref_slice %arg7[%add3A_159, %dma_start3A_331] : memref<81920x128xf32, #tpu.memory_space<hbm>> -> memref<128x128xf32, #tpu.memory_space<hbm>>
      tpu.enqueue_dma source(%arg11 : memref<128x128xf32, #tpu.memory_space<vmem>>) target(%dma_start3A_332 : memref<128x128xf32, #tpu.memory_space<hbm>>) target_semaphore(%run_scoped3A : memref<!tpu.dma_semaphore, #tpu.memory_space<semaphore_mem>>)
      %dma_wait3A_333 = arith.constant 0 : i32
      %dma_wait3A_334 = tpu.memref_slice %arg7[%add3A_159, %dma_wait3A_333] : memref<81920x128xf32, #tpu.memory_space<hbm>> -> memref<128x128xf32, #tpu.memory_space<hbm>>
      %dma_wait3A_335 = arith.constant 0 : i32
      %dma_wait3A_336 = tpu.memref_slice %arg7[%add3A_159, %dma_wait3A_335] : memref<81920x128xf32, #tpu.memory_space<hbm>> -> memref<128x128xf32, #tpu.memory_space<hbm>>
      tpu.wait_dma2 semaphore(%run_scoped3A : memref<!tpu.dma_semaphore, #tpu.memory_space<semaphore_mem>>) src(%arg11 : memref<128x128xf32, #tpu.memory_space<vmem>>) dst(%dma_wait3A_336 : memref<128x128xf32, #tpu.memory_space<hbm>>)
      tpu.yield
    }) : () -> ()
    %dma_start3A_160 = arith.constant 10 : i32
    %dma_start3A_161 = arith.constant 0 : i32
    %dma_start3A_162 = tpu.memref_slice %arg9[%dma_start3A_160, %dma_start3A_161] : memref<20x128xi32, #tpu.memory_space<vmem>> -> memref<1x128xi32, #tpu.memory_space<vmem>>
    %dma_start3A_163 = tpu.memref_squeeze %dma_start3A_162 : memref<1x128xi32, #tpu.memory_space<vmem>> -> memref<128xi32, #tpu.memory_space<vmem>>
    %dma_start3A_164 = arith.constant 0 : i32
    %dma_start3A_165 = arith.constant 0 : i32
    %dma_start3A_166 = tpu.memref_slice %arg3[%dma_start3A_164, %dma_start3A_165] : memref<200000x128xf32, #tpu.memory_space<hbm>> -> memref<200000x128xf32, #tpu.memory_space<hbm>>
    tpu.enqueue_indirect_dma source(%dma_start3A_166 : memref<200000x128xf32, #tpu.memory_space<hbm>>) target(%arg11 : memref<128x128xf32, #tpu.memory_space<vmem>>) offsets(%dma_start3A_163 : memref<128xi32, #tpu.memory_space<vmem>>) semaphore(%arg13 : memref<!tpu.dma_semaphore, #tpu.memory_space<semaphore_mem>>)
    %dma_wait3A_167 = arith.constant 9 : i32
    %dma_wait3A_168 = arith.constant 0 : i32
    %dma_wait3A_169 = tpu.memref_slice %arg9[%dma_wait3A_167, %dma_wait3A_168] : memref<20x128xi32, #tpu.memory_space<vmem>> -> memref<1x128xi32, #tpu.memory_space<vmem>>
    %dma_wait3A_170 = tpu.memref_squeeze %dma_wait3A_169 : memref<1x128xi32, #tpu.memory_space<vmem>> -> memref<128xi32, #tpu.memory_space<vmem>>
    %dma_wait3A_171 = arith.constant 0 : i32
    %dma_wait3A_172 = arith.constant 0 : i32
    %dma_wait3A_173 = tpu.memref_slice %arg3[%dma_wait3A_171, %dma_wait3A_172] : memref<200000x128xf32, #tpu.memory_space<hbm>> -> memref<200000x128xf32, #tpu.memory_space<hbm>>
    tpu.wait_indirect_dma semaphore(%arg14 : memref<!tpu.dma_semaphore, #tpu.memory_space<semaphore_mem>>) src(%dma_wait3A_173 : memref<200000x128xf32, #tpu.memory_space<hbm>>) dst(%arg12 : memref<128x128xf32, #tpu.memory_space<vmem>>)
    %add3A_174 = arith.constant 1152 : i32
    %add3A_175 = arith.addi %mul3A_4, %add3A_174 : i32
    "tpu.region"() ({
      %run_scoped3A = tpu.sem_alloc : memref<!tpu.dma_semaphore, #tpu.memory_space<semaphore_mem>>
      %dma_start3A_329 = arith.constant 0 : i32
      %dma_start3A_330 = tpu.memref_slice %arg7[%add3A_175, %dma_start3A_329] : memref<81920x128xf32, #tpu.memory_space<hbm>> -> memref<128x128xf32, #tpu.memory_space<hbm>>
      %dma_start3A_331 = arith.constant 0 : i32
      %dma_start3A_332 = tpu.memref_slice %arg7[%add3A_175, %dma_start3A_331] : memref<81920x128xf32, #tpu.memory_space<hbm>> -> memref<128x128xf32, #tpu.memory_space<hbm>>
      tpu.enqueue_dma source(%arg12 : memref<128x128xf32, #tpu.memory_space<vmem>>) target(%dma_start3A_332 : memref<128x128xf32, #tpu.memory_space<hbm>>) target_semaphore(%run_scoped3A : memref<!tpu.dma_semaphore, #tpu.memory_space<semaphore_mem>>)
      %dma_wait3A_333 = arith.constant 0 : i32
      %dma_wait3A_334 = tpu.memref_slice %arg7[%add3A_175, %dma_wait3A_333] : memref<81920x128xf32, #tpu.memory_space<hbm>> -> memref<128x128xf32, #tpu.memory_space<hbm>>
      %dma_wait3A_335 = arith.constant 0 : i32
      %dma_wait3A_336 = tpu.memref_slice %arg7[%add3A_175, %dma_wait3A_335] : memref<81920x128xf32, #tpu.memory_space<hbm>> -> memref<128x128xf32, #tpu.memory_space<hbm>>
      tpu.wait_dma2 semaphore(%run_scoped3A : memref<!tpu.dma_semaphore, #tpu.memory_space<semaphore_mem>>) src(%arg12 : memref<128x128xf32, #tpu.memory_space<vmem>>) dst(%dma_wait3A_336 : memref<128x128xf32, #tpu.memory_space<hbm>>)
      tpu.yield
    }) : () -> ()
    %dma_start3A_176 = arith.constant 11 : i32
    %dma_start3A_177 = arith.constant 0 : i32
    %dma_start3A_178 = tpu.memref_slice %arg9[%dma_start3A_176, %dma_start3A_177] : memref<20x128xi32, #tpu.memory_space<vmem>> -> memref<1x128xi32, #tpu.memory_space<vmem>>
    %dma_start3A_179 = tpu.memref_squeeze %dma_start3A_178 : memref<1x128xi32, #tpu.memory_space<vmem>> -> memref<128xi32, #tpu.memory_space<vmem>>
    %dma_start3A_180 = arith.constant 0 : i32
    %dma_start3A_181 = arith.constant 0 : i32
    %dma_start3A_182 = tpu.memref_slice %arg3[%dma_start3A_180, %dma_start3A_181] : memref<200000x128xf32, #tpu.memory_space<hbm>> -> memref<200000x128xf32, #tpu.memory_space<hbm>>
    tpu.enqueue_indirect_dma source(%dma_start3A_182 : memref<200000x128xf32, #tpu.memory_space<hbm>>) target(%arg12 : memref<128x128xf32, #tpu.memory_space<vmem>>) offsets(%dma_start3A_179 : memref<128xi32, #tpu.memory_space<vmem>>) semaphore(%arg14 : memref<!tpu.dma_semaphore, #tpu.memory_space<semaphore_mem>>)
    %dma_wait3A_183 = arith.constant 10 : i32
    %dma_wait3A_184 = arith.constant 0 : i32
    %dma_wait3A_185 = tpu.memref_slice %arg9[%dma_wait3A_183, %dma_wait3A_184] : memref<20x128xi32, #tpu.memory_space<vmem>> -> memref<1x128xi32, #tpu.memory_space<vmem>>
    %dma_wait3A_186 = tpu.memref_squeeze %dma_wait3A_185 : memref<1x128xi32, #tpu.memory_space<vmem>> -> memref<128xi32, #tpu.memory_space<vmem>>
    %dma_wait3A_187 = arith.constant 0 : i32
    %dma_wait3A_188 = arith.constant 0 : i32
    %dma_wait3A_189 = tpu.memref_slice %arg3[%dma_wait3A_187, %dma_wait3A_188] : memref<200000x128xf32, #tpu.memory_space<hbm>> -> memref<200000x128xf32, #tpu.memory_space<hbm>>
    tpu.wait_indirect_dma semaphore(%arg13 : memref<!tpu.dma_semaphore, #tpu.memory_space<semaphore_mem>>) src(%dma_wait3A_189 : memref<200000x128xf32, #tpu.memory_space<hbm>>) dst(%arg11 : memref<128x128xf32, #tpu.memory_space<vmem>>)
    %add3A_190 = arith.constant 1280 : i32
    %add3A_191 = arith.addi %mul3A_4, %add3A_190 : i32
    "tpu.region"() ({
      %run_scoped3A = tpu.sem_alloc : memref<!tpu.dma_semaphore, #tpu.memory_space<semaphore_mem>>
      %dma_start3A_329 = arith.constant 0 : i32
      %dma_start3A_330 = tpu.memref_slice %arg7[%add3A_191, %dma_start3A_329] : memref<81920x128xf32, #tpu.memory_space<hbm>> -> memref<128x128xf32, #tpu.memory_space<hbm>>
      %dma_start3A_331 = arith.constant 0 : i32
      %dma_start3A_332 = tpu.memref_slice %arg7[%add3A_191, %dma_start3A_331] : memref<81920x128xf32, #tpu.memory_space<hbm>> -> memref<128x128xf32, #tpu.memory_space<hbm>>
      tpu.enqueue_dma source(%arg11 : memref<128x128xf32, #tpu.memory_space<vmem>>) target(%dma_start3A_332 : memref<128x128xf32, #tpu.memory_space<hbm>>) target_semaphore(%run_scoped3A : memref<!tpu.dma_semaphore, #tpu.memory_space<semaphore_mem>>)
      %dma_wait3A_333 = arith.constant 0 : i32
      %dma_wait3A_334 = tpu.memref_slice %arg7[%add3A_191, %dma_wait3A_333] : memref<81920x128xf32, #tpu.memory_space<hbm>> -> memref<128x128xf32, #tpu.memory_space<hbm>>
      %dma_wait3A_335 = arith.constant 0 : i32
      %dma_wait3A_336 = tpu.memref_slice %arg7[%add3A_191, %dma_wait3A_335] : memref<81920x128xf32, #tpu.memory_space<hbm>> -> memref<128x128xf32, #tpu.memory_space<hbm>>
      tpu.wait_dma2 semaphore(%run_scoped3A : memref<!tpu.dma_semaphore, #tpu.memory_space<semaphore_mem>>) src(%arg11 : memref<128x128xf32, #tpu.memory_space<vmem>>) dst(%dma_wait3A_336 : memref<128x128xf32, #tpu.memory_space<hbm>>)
      tpu.yield
    }) : () -> ()
    %dma_start3A_192 = arith.constant 12 : i32
    %dma_start3A_193 = arith.constant 0 : i32
    %dma_start3A_194 = tpu.memref_slice %arg9[%dma_start3A_192, %dma_start3A_193] : memref<20x128xi32, #tpu.memory_space<vmem>> -> memref<1x128xi32, #tpu.memory_space<vmem>>
    %dma_start3A_195 = tpu.memref_squeeze %dma_start3A_194 : memref<1x128xi32, #tpu.memory_space<vmem>> -> memref<128xi32, #tpu.memory_space<vmem>>
    %dma_start3A_196 = arith.constant 0 : i32
    %dma_start3A_197 = arith.constant 0 : i32
    %dma_start3A_198 = tpu.memref_slice %arg3[%dma_start3A_196, %dma_start3A_197] : memref<200000x128xf32, #tpu.memory_space<hbm>> -> memref<200000x128xf32, #tpu.memory_space<hbm>>
    tpu.enqueue_indirect_dma source(%dma_start3A_198 : memref<200000x128xf32, #tpu.memory_space<hbm>>) target(%arg11 : memref<128x128xf32, #tpu.memory_space<vmem>>) offsets(%dma_start3A_195 : memref<128xi32, #tpu.memory_space<vmem>>) semaphore(%arg13 : memref<!tpu.dma_semaphore, #tpu.memory_space<semaphore_mem>>)
    %dma_wait3A_199 = arith.constant 11 : i32
    %dma_wait3A_200 = arith.constant 0 : i32
    %dma_wait3A_201 = tpu.memref_slice %arg9[%dma_wait3A_199, %dma_wait3A_200] : memref<20x128xi32, #tpu.memory_space<vmem>> -> memref<1x128xi32, #tpu.memory_space<vmem>>
    %dma_wait3A_202 = tpu.memref_squeeze %dma_wait3A_201 : memref<1x128xi32, #tpu.memory_space<vmem>> -> memref<128xi32, #tpu.memory_space<vmem>>
    %dma_wait3A_203 = arith.constant 0 : i32
    %dma_wait3A_204 = arith.constant 0 : i32
    %dma_wait3A_205 = tpu.memref_slice %arg3[%dma_wait3A_203, %dma_wait3A_204] : memref<200000x128xf32, #tpu.memory_space<hbm>> -> memref<200000x128xf32, #tpu.memory_space<hbm>>
    tpu.wait_indirect_dma semaphore(%arg14 : memref<!tpu.dma_semaphore, #tpu.memory_space<semaphore_mem>>) src(%dma_wait3A_205 : memref<200000x128xf32, #tpu.memory_space<hbm>>) dst(%arg12 : memref<128x128xf32, #tpu.memory_space<vmem>>)
    %add3A_206 = arith.constant 1408 : i32
    %add3A_207 = arith.addi %mul3A_4, %add3A_206 : i32
    "tpu.region"() ({
      %run_scoped3A = tpu.sem_alloc : memref<!tpu.dma_semaphore, #tpu.memory_space<semaphore_mem>>
      %dma_start3A_329 = arith.constant 0 : i32
      %dma_start3A_330 = tpu.memref_slice %arg7[%add3A_207, %dma_start3A_329] : memref<81920x128xf32, #tpu.memory_space<hbm>> -> memref<128x128xf32, #tpu.memory_space<hbm>>
      %dma_start3A_331 = arith.constant 0 : i32
      %dma_start3A_332 = tpu.memref_slice %arg7[%add3A_207, %dma_start3A_331] : memref<81920x128xf32, #tpu.memory_space<hbm>> -> memref<128x128xf32, #tpu.memory_space<hbm>>
      tpu.enqueue_dma source(%arg12 : memref<128x128xf32, #tpu.memory_space<vmem>>) target(%dma_start3A_332 : memref<128x128xf32, #tpu.memory_space<hbm>>) target_semaphore(%run_scoped3A : memref<!tpu.dma_semaphore, #tpu.memory_space<semaphore_mem>>)
      %dma_wait3A_333 = arith.constant 0 : i32
      %dma_wait3A_334 = tpu.memref_slice %arg7[%add3A_207, %dma_wait3A_333] : memref<81920x128xf32, #tpu.memory_space<hbm>> -> memref<128x128xf32, #tpu.memory_space<hbm>>
      %dma_wait3A_335 = arith.constant 0 : i32
      %dma_wait3A_336 = tpu.memref_slice %arg7[%add3A_207, %dma_wait3A_335] : memref<81920x128xf32, #tpu.memory_space<hbm>> -> memref<128x128xf32, #tpu.memory_space<hbm>>
      tpu.wait_dma2 semaphore(%run_scoped3A : memref<!tpu.dma_semaphore, #tpu.memory_space<semaphore_mem>>) src(%arg12 : memref<128x128xf32, #tpu.memory_space<vmem>>) dst(%dma_wait3A_336 : memref<128x128xf32, #tpu.memory_space<hbm>>)
      tpu.yield
    }) : () -> ()
    %dma_start3A_208 = arith.constant 13 : i32
    %dma_start3A_209 = arith.constant 0 : i32
    %dma_start3A_210 = tpu.memref_slice %arg9[%dma_start3A_208, %dma_start3A_209] : memref<20x128xi32, #tpu.memory_space<vmem>> -> memref<1x128xi32, #tpu.memory_space<vmem>>
    %dma_start3A_211 = tpu.memref_squeeze %dma_start3A_210 : memref<1x128xi32, #tpu.memory_space<vmem>> -> memref<128xi32, #tpu.memory_space<vmem>>
    %dma_start3A_212 = arith.constant 0 : i32
    %dma_start3A_213 = arith.constant 0 : i32
    %dma_start3A_214 = tpu.memref_slice %arg3[%dma_start3A_212, %dma_start3A_213] : memref<200000x128xf32, #tpu.memory_space<hbm>> -> memref<200000x128xf32, #tpu.memory_space<hbm>>
    tpu.enqueue_indirect_dma source(%dma_start3A_214 : memref<200000x128xf32, #tpu.memory_space<hbm>>) target(%arg12 : memref<128x128xf32, #tpu.memory_space<vmem>>) offsets(%dma_start3A_211 : memref<128xi32, #tpu.memory_space<vmem>>) semaphore(%arg14 : memref<!tpu.dma_semaphore, #tpu.memory_space<semaphore_mem>>)
    %dma_wait3A_215 = arith.constant 12 : i32
    %dma_wait3A_216 = arith.constant 0 : i32
    %dma_wait3A_217 = tpu.memref_slice %arg9[%dma_wait3A_215, %dma_wait3A_216] : memref<20x128xi32, #tpu.memory_space<vmem>> -> memref<1x128xi32, #tpu.memory_space<vmem>>
    %dma_wait3A_218 = tpu.memref_squeeze %dma_wait3A_217 : memref<1x128xi32, #tpu.memory_space<vmem>> -> memref<128xi32, #tpu.memory_space<vmem>>
    %dma_wait3A_219 = arith.constant 0 : i32
    %dma_wait3A_220 = arith.constant 0 : i32
    %dma_wait3A_221 = tpu.memref_slice %arg3[%dma_wait3A_219, %dma_wait3A_220] : memref<200000x128xf32, #tpu.memory_space<hbm>> -> memref<200000x128xf32, #tpu.memory_space<hbm>>
    tpu.wait_indirect_dma semaphore(%arg13 : memref<!tpu.dma_semaphore, #tpu.memory_space<semaphore_mem>>) src(%dma_wait3A_221 : memref<200000x128xf32, #tpu.memory_space<hbm>>) dst(%arg11 : memref<128x128xf32, #tpu.memory_space<vmem>>)
    %add3A_222 = arith.constant 1536 : i32
    %add3A_223 = arith.addi %mul3A_4, %add3A_222 : i32
    "tpu.region"() ({
      %run_scoped3A = tpu.sem_alloc : memref<!tpu.dma_semaphore, #tpu.memory_space<semaphore_mem>>
      %dma_start3A_329 = arith.constant 0 : i32
      %dma_start3A_330 = tpu.memref_slice %arg7[%add3A_223, %dma_start3A_329] : memref<81920x128xf32, #tpu.memory_space<hbm>> -> memref<128x128xf32, #tpu.memory_space<hbm>>
      %dma_start3A_331 = arith.constant 0 : i32
      %dma_start3A_332 = tpu.memref_slice %arg7[%add3A_223, %dma_start3A_331] : memref<81920x128xf32, #tpu.memory_space<hbm>> -> memref<128x128xf32, #tpu.memory_space<hbm>>
      tpu.enqueue_dma source(%arg11 : memref<128x128xf32, #tpu.memory_space<vmem>>) target(%dma_start3A_332 : memref<128x128xf32, #tpu.memory_space<hbm>>) target_semaphore(%run_scoped3A : memref<!tpu.dma_semaphore, #tpu.memory_space<semaphore_mem>>)
      %dma_wait3A_333 = arith.constant 0 : i32
      %dma_wait3A_334 = tpu.memref_slice %arg7[%add3A_223, %dma_wait3A_333] : memref<81920x128xf32, #tpu.memory_space<hbm>> -> memref<128x128xf32, #tpu.memory_space<hbm>>
      %dma_wait3A_335 = arith.constant 0 : i32
      %dma_wait3A_336 = tpu.memref_slice %arg7[%add3A_223, %dma_wait3A_335] : memref<81920x128xf32, #tpu.memory_space<hbm>> -> memref<128x128xf32, #tpu.memory_space<hbm>>
      tpu.wait_dma2 semaphore(%run_scoped3A : memref<!tpu.dma_semaphore, #tpu.memory_space<semaphore_mem>>) src(%arg11 : memref<128x128xf32, #tpu.memory_space<vmem>>) dst(%dma_wait3A_336 : memref<128x128xf32, #tpu.memory_space<hbm>>)
      tpu.yield
    }) : () -> ()
    %dma_start3A_224 = arith.constant 14 : i32
    %dma_start3A_225 = arith.constant 0 : i32
    %dma_start3A_226 = tpu.memref_slice %arg9[%dma_start3A_224, %dma_start3A_225] : memref<20x128xi32, #tpu.memory_space<vmem>> -> memref<1x128xi32, #tpu.memory_space<vmem>>
    %dma_start3A_227 = tpu.memref_squeeze %dma_start3A_226 : memref<1x128xi32, #tpu.memory_space<vmem>> -> memref<128xi32, #tpu.memory_space<vmem>>
    %dma_start3A_228 = arith.constant 0 : i32
    %dma_start3A_229 = arith.constant 0 : i32
    %dma_start3A_230 = tpu.memref_slice %arg3[%dma_start3A_228, %dma_start3A_229] : memref<200000x128xf32, #tpu.memory_space<hbm>> -> memref<200000x128xf32, #tpu.memory_space<hbm>>
    tpu.enqueue_indirect_dma source(%dma_start3A_230 : memref<200000x128xf32, #tpu.memory_space<hbm>>) target(%arg11 : memref<128x128xf32, #tpu.memory_space<vmem>>) offsets(%dma_start3A_227 : memref<128xi32, #tpu.memory_space<vmem>>) semaphore(%arg13 : memref<!tpu.dma_semaphore, #tpu.memory_space<semaphore_mem>>)
    %dma_wait3A_231 = arith.constant 13 : i32
    %dma_wait3A_232 = arith.constant 0 : i32
    %dma_wait3A_233 = tpu.memref_slice %arg9[%dma_wait3A_231, %dma_wait3A_232] : memref<20x128xi32, #tpu.memory_space<vmem>> -> memref<1x128xi32, #tpu.memory_space<vmem>>
    %dma_wait3A_234 = tpu.memref_squeeze %dma_wait3A_233 : memref<1x128xi32, #tpu.memory_space<vmem>> -> memref<128xi32, #tpu.memory_space<vmem>>
    %dma_wait3A_235 = arith.constant 0 : i32
    %dma_wait3A_236 = arith.constant 0 : i32
    %dma_wait3A_237 = tpu.memref_slice %arg3[%dma_wait3A_235, %dma_wait3A_236] : memref<200000x128xf32, #tpu.memory_space<hbm>> -> memref<200000x128xf32, #tpu.memory_space<hbm>>
    tpu.wait_indirect_dma semaphore(%arg14 : memref<!tpu.dma_semaphore, #tpu.memory_space<semaphore_mem>>) src(%dma_wait3A_237 : memref<200000x128xf32, #tpu.memory_space<hbm>>) dst(%arg12 : memref<128x128xf32, #tpu.memory_space<vmem>>)
    %add3A_238 = arith.constant 1664 : i32
    %add3A_239 = arith.addi %mul3A_4, %add3A_238 : i32
    "tpu.region"() ({
      %run_scoped3A = tpu.sem_alloc : memref<!tpu.dma_semaphore, #tpu.memory_space<semaphore_mem>>
      %dma_start3A_329 = arith.constant 0 : i32
      %dma_start3A_330 = tpu.memref_slice %arg7[%add3A_239, %dma_start3A_329] : memref<81920x128xf32, #tpu.memory_space<hbm>> -> memref<128x128xf32, #tpu.memory_space<hbm>>
      %dma_start3A_331 = arith.constant 0 : i32
      %dma_start3A_332 = tpu.memref_slice %arg7[%add3A_239, %dma_start3A_331] : memref<81920x128xf32, #tpu.memory_space<hbm>> -> memref<128x128xf32, #tpu.memory_space<hbm>>
      tpu.enqueue_dma source(%arg12 : memref<128x128xf32, #tpu.memory_space<vmem>>) target(%dma_start3A_332 : memref<128x128xf32, #tpu.memory_space<hbm>>) target_semaphore(%run_scoped3A : memref<!tpu.dma_semaphore, #tpu.memory_space<semaphore_mem>>)
      %dma_wait3A_333 = arith.constant 0 : i32
      %dma_wait3A_334 = tpu.memref_slice %arg7[%add3A_239, %dma_wait3A_333] : memref<81920x128xf32, #tpu.memory_space<hbm>> -> memref<128x128xf32, #tpu.memory_space<hbm>>
      %dma_wait3A_335 = arith.constant 0 : i32
      %dma_wait3A_336 = tpu.memref_slice %arg7[%add3A_239, %dma_wait3A_335] : memref<81920x128xf32, #tpu.memory_space<hbm>> -> memref<128x128xf32, #tpu.memory_space<hbm>>
      tpu.wait_dma2 semaphore(%run_scoped3A : memref<!tpu.dma_semaphore, #tpu.memory_space<semaphore_mem>>) src(%arg12 : memref<128x128xf32, #tpu.memory_space<vmem>>) dst(%dma_wait3A_336 : memref<128x128xf32, #tpu.memory_space<hbm>>)
      tpu.yield
    }) : () -> ()
    %dma_start3A_240 = arith.constant 15 : i32
    %dma_start3A_241 = arith.constant 0 : i32
    %dma_start3A_242 = tpu.memref_slice %arg9[%dma_start3A_240, %dma_start3A_241] : memref<20x128xi32, #tpu.memory_space<vmem>> -> memref<1x128xi32, #tpu.memory_space<vmem>>
    %dma_start3A_243 = tpu.memref_squeeze %dma_start3A_242 : memref<1x128xi32, #tpu.memory_space<vmem>> -> memref<128xi32, #tpu.memory_space<vmem>>
    %dma_start3A_244 = arith.constant 0 : i32
    %dma_start3A_245 = arith.constant 0 : i32
    %dma_start3A_246 = tpu.memref_slice %arg3[%dma_start3A_244, %dma_start3A_245] : memref<200000x128xf32, #tpu.memory_space<hbm>> -> memref<200000x128xf32, #tpu.memory_space<hbm>>
    tpu.enqueue_indirect_dma source(%dma_start3A_246 : memref<200000x128xf32, #tpu.memory_space<hbm>>) target(%arg12 : memref<128x128xf32, #tpu.memory_space<vmem>>) offsets(%dma_start3A_243 : memref<128xi32, #tpu.memory_space<vmem>>) semaphore(%arg14 : memref<!tpu.dma_semaphore, #tpu.memory_space<semaphore_mem>>)
    %dma_wait3A_247 = arith.constant 14 : i32
    %dma_wait3A_248 = arith.constant 0 : i32
    %dma_wait3A_249 = tpu.memref_slice %arg9[%dma_wait3A_247, %dma_wait3A_248] : memref<20x128xi32, #tpu.memory_space<vmem>> -> memref<1x128xi32, #tpu.memory_space<vmem>>
    %dma_wait3A_250 = tpu.memref_squeeze %dma_wait3A_249 : memref<1x128xi32, #tpu.memory_space<vmem>> -> memref<128xi32, #tpu.memory_space<vmem>>
    %dma_wait3A_251 = arith.constant 0 : i32
    %dma_wait3A_252 = arith.constant 0 : i32
    %dma_wait3A_253 = tpu.memref_slice %arg3[%dma_wait3A_251, %dma_wait3A_252] : memref<200000x128xf32, #tpu.memory_space<hbm>> -> memref<200000x128xf32, #tpu.memory_space<hbm>>
    tpu.wait_indirect_dma semaphore(%arg13 : memref<!tpu.dma_semaphore, #tpu.memory_space<semaphore_mem>>) src(%dma_wait3A_253 : memref<200000x128xf32, #tpu.memory_space<hbm>>) dst(%arg11 : memref<128x128xf32, #tpu.memory_space<vmem>>)
    %add3A_254 = arith.constant 1792 : i32
    %add3A_255 = arith.addi %mul3A_4, %add3A_254 : i32
    "tpu.region"() ({
      %run_scoped3A = tpu.sem_alloc : memref<!tpu.dma_semaphore, #tpu.memory_space<semaphore_mem>>
      %dma_start3A_329 = arith.constant 0 : i32
      %dma_start3A_330 = tpu.memref_slice %arg7[%add3A_255, %dma_start3A_329] : memref<81920x128xf32, #tpu.memory_space<hbm>> -> memref<128x128xf32, #tpu.memory_space<hbm>>
      %dma_start3A_331 = arith.constant 0 : i32
      %dma_start3A_332 = tpu.memref_slice %arg7[%add3A_255, %dma_start3A_331] : memref<81920x128xf32, #tpu.memory_space<hbm>> -> memref<128x128xf32, #tpu.memory_space<hbm>>
      tpu.enqueue_dma source(%arg11 : memref<128x128xf32, #tpu.memory_space<vmem>>) target(%dma_start3A_332 : memref<128x128xf32, #tpu.memory_space<hbm>>) target_semaphore(%run_scoped3A : memref<!tpu.dma_semaphore, #tpu.memory_space<semaphore_mem>>)
      %dma_wait3A_333 = arith.constant 0 : i32
      %dma_wait3A_334 = tpu.memref_slice %arg7[%add3A_255, %dma_wait3A_333] : memref<81920x128xf32, #tpu.memory_space<hbm>> -> memref<128x128xf32, #tpu.memory_space<hbm>>
      %dma_wait3A_335 = arith.constant 0 : i32
      %dma_wait3A_336 = tpu.memref_slice %arg7[%add3A_255, %dma_wait3A_335] : memref<81920x128xf32, #tpu.memory_space<hbm>> -> memref<128x128xf32, #tpu.memory_space<hbm>>
      tpu.wait_dma2 semaphore(%run_scoped3A : memref<!tpu.dma_semaphore, #tpu.memory_space<semaphore_mem>>) src(%arg11 : memref<128x128xf32, #tpu.memory_space<vmem>>) dst(%dma_wait3A_336 : memref<128x128xf32, #tpu.memory_space<hbm>>)
      tpu.yield
    }) : () -> ()
    %dma_start3A_256 = arith.constant 16 : i32
    %dma_start3A_257 = arith.constant 0 : i32
    %dma_start3A_258 = tpu.memref_slice %arg9[%dma_start3A_256, %dma_start3A_257] : memref<20x128xi32, #tpu.memory_space<vmem>> -> memref<1x128xi32, #tpu.memory_space<vmem>>
    %dma_start3A_259 = tpu.memref_squeeze %dma_start3A_258 : memref<1x128xi32, #tpu.memory_space<vmem>> -> memref<128xi32, #tpu.memory_space<vmem>>
    %dma_start3A_260 = arith.constant 0 : i32
    %dma_start3A_261 = arith.constant 0 : i32
    %dma_start3A_262 = tpu.memref_slice %arg3[%dma_start3A_260, %dma_start3A_261] : memref<200000x128xf32, #tpu.memory_space<hbm>> -> memref<200000x128xf32, #tpu.memory_space<hbm>>
    tpu.enqueue_indirect_dma source(%dma_start3A_262 : memref<200000x128xf32, #tpu.memory_space<hbm>>) target(%arg11 : memref<128x128xf32, #tpu.memory_space<vmem>>) offsets(%dma_start3A_259 : memref<128xi32, #tpu.memory_space<vmem>>) semaphore(%arg13 : memref<!tpu.dma_semaphore, #tpu.memory_space<semaphore_mem>>)
    %dma_wait3A_263 = arith.constant 15 : i32
    %dma_wait3A_264 = arith.constant 0 : i32
    %dma_wait3A_265 = tpu.memref_slice %arg9[%dma_wait3A_263, %dma_wait3A_264] : memref<20x128xi32, #tpu.memory_space<vmem>> -> memref<1x128xi32, #tpu.memory_space<vmem>>
    %dma_wait3A_266 = tpu.memref_squeeze %dma_wait3A_265 : memref<1x128xi32, #tpu.memory_space<vmem>> -> memref<128xi32, #tpu.memory_space<vmem>>
    %dma_wait3A_267 = arith.constant 0 : i32
    %dma_wait3A_268 = arith.constant 0 : i32
    %dma_wait3A_269 = tpu.memref_slice %arg3[%dma_wait3A_267, %dma_wait3A_268] : memref<200000x128xf32, #tpu.memory_space<hbm>> -> memref<200000x128xf32, #tpu.memory_space<hbm>>
    tpu.wait_indirect_dma semaphore(%arg14 : memref<!tpu.dma_semaphore, #tpu.memory_space<semaphore_mem>>) src(%dma_wait3A_269 : memref<200000x128xf32, #tpu.memory_space<hbm>>) dst(%arg12 : memref<128x128xf32, #tpu.memory_space<vmem>>)
    %add3A_270 = arith.constant 1920 : i32
    %add3A_271 = arith.addi %mul3A_4, %add3A_270 : i32
    "tpu.region"() ({
      %run_scoped3A = tpu.sem_alloc : memref<!tpu.dma_semaphore, #tpu.memory_space<semaphore_mem>>
      %dma_start3A_329 = arith.constant 0 : i32
      %dma_start3A_330 = tpu.memref_slice %arg7[%add3A_271, %dma_start3A_329] : memref<81920x128xf32, #tpu.memory_space<hbm>> -> memref<128x128xf32, #tpu.memory_space<hbm>>
      %dma_start3A_331 = arith.constant 0 : i32
      %dma_start3A_332 = tpu.memref_slice %arg7[%add3A_271, %dma_start3A_331] : memref<81920x128xf32, #tpu.memory_space<hbm>> -> memref<128x128xf32, #tpu.memory_space<hbm>>
      tpu.enqueue_dma source(%arg12 : memref<128x128xf32, #tpu.memory_space<vmem>>) target(%dma_start3A_332 : memref<128x128xf32, #tpu.memory_space<hbm>>) target_semaphore(%run_scoped3A : memref<!tpu.dma_semaphore, #tpu.memory_space<semaphore_mem>>)
      %dma_wait3A_333 = arith.constant 0 : i32
      %dma_wait3A_334 = tpu.memref_slice %arg7[%add3A_271, %dma_wait3A_333] : memref<81920x128xf32, #tpu.memory_space<hbm>> -> memref<128x128xf32, #tpu.memory_space<hbm>>
      %dma_wait3A_335 = arith.constant 0 : i32
      %dma_wait3A_336 = tpu.memref_slice %arg7[%add3A_271, %dma_wait3A_335] : memref<81920x128xf32, #tpu.memory_space<hbm>> -> memref<128x128xf32, #tpu.memory_space<hbm>>
      tpu.wait_dma2 semaphore(%run_scoped3A : memref<!tpu.dma_semaphore, #tpu.memory_space<semaphore_mem>>) src(%arg12 : memref<128x128xf32, #tpu.memory_space<vmem>>) dst(%dma_wait3A_336 : memref<128x128xf32, #tpu.memory_space<hbm>>)
      tpu.yield
    }) : () -> ()
    %dma_start3A_272 = arith.constant 17 : i32
    %dma_start3A_273 = arith.constant 0 : i32
    %dma_start3A_274 = tpu.memref_slice %arg9[%dma_start3A_272, %dma_start3A_273] : memref<20x128xi32, #tpu.memory_space<vmem>> -> memref<1x128xi32, #tpu.memory_space<vmem>>
    %dma_start3A_275 = tpu.memref_squeeze %dma_start3A_274 : memref<1x128xi32, #tpu.memory_space<vmem>> -> memref<128xi32, #tpu.memory_space<vmem>>
    %dma_start3A_276 = arith.constant 0 : i32
    %dma_start3A_277 = arith.constant 0 : i32
    %dma_start3A_278 = tpu.memref_slice %arg3[%dma_start3A_276, %dma_start3A_277] : memref<200000x128xf32, #tpu.memory_space<hbm>> -> memref<200000x128xf32, #tpu.memory_space<hbm>>
    tpu.enqueue_indirect_dma source(%dma_start3A_278 : memref<200000x128xf32, #tpu.memory_space<hbm>>) target(%arg12 : memref<128x128xf32, #tpu.memory_space<vmem>>) offsets(%dma_start3A_275 : memref<128xi32, #tpu.memory_space<vmem>>) semaphore(%arg14 : memref<!tpu.dma_semaphore, #tpu.memory_space<semaphore_mem>>)
    %dma_wait3A_279 = arith.constant 16 : i32
    %dma_wait3A_280 = arith.constant 0 : i32
    %dma_wait3A_281 = tpu.memref_slice %arg9[%dma_wait3A_279, %dma_wait3A_280] : memref<20x128xi32, #tpu.memory_space<vmem>> -> memref<1x128xi32, #tpu.memory_space<vmem>>
    %dma_wait3A_282 = tpu.memref_squeeze %dma_wait3A_281 : memref<1x128xi32, #tpu.memory_space<vmem>> -> memref<128xi32, #tpu.memory_space<vmem>>
    %dma_wait3A_283 = arith.constant 0 : i32
    %dma_wait3A_284 = arith.constant 0 : i32
    %dma_wait3A_285 = tpu.memref_slice %arg3[%dma_wait3A_283, %dma_wait3A_284] : memref<200000x128xf32, #tpu.memory_space<hbm>> -> memref<200000x128xf32, #tpu.memory_space<hbm>>
    tpu.wait_indirect_dma semaphore(%arg13 : memref<!tpu.dma_semaphore, #tpu.memory_space<semaphore_mem>>) src(%dma_wait3A_285 : memref<200000x128xf32, #tpu.memory_space<hbm>>) dst(%arg11 : memref<128x128xf32, #tpu.memory_space<vmem>>)
    %add3A_286 = arith.constant 2048 : i32
    %add3A_287 = arith.addi %mul3A_4, %add3A_286 : i32
    "tpu.region"() ({
      %run_scoped3A = tpu.sem_alloc : memref<!tpu.dma_semaphore, #tpu.memory_space<semaphore_mem>>
      %dma_start3A_329 = arith.constant 0 : i32
      %dma_start3A_330 = tpu.memref_slice %arg7[%add3A_287, %dma_start3A_329] : memref<81920x128xf32, #tpu.memory_space<hbm>> -> memref<128x128xf32, #tpu.memory_space<hbm>>
      %dma_start3A_331 = arith.constant 0 : i32
      %dma_start3A_332 = tpu.memref_slice %arg7[%add3A_287, %dma_start3A_331] : memref<81920x128xf32, #tpu.memory_space<hbm>> -> memref<128x128xf32, #tpu.memory_space<hbm>>
      tpu.enqueue_dma source(%arg11 : memref<128x128xf32, #tpu.memory_space<vmem>>) target(%dma_start3A_332 : memref<128x128xf32, #tpu.memory_space<hbm>>) target_semaphore(%run_scoped3A : memref<!tpu.dma_semaphore, #tpu.memory_space<semaphore_mem>>)
      %dma_wait3A_333 = arith.constant 0 : i32
      %dma_wait3A_334 = tpu.memref_slice %arg7[%add3A_287, %dma_wait3A_333] : memref<81920x128xf32, #tpu.memory_space<hbm>> -> memref<128x128xf32, #tpu.memory_space<hbm>>
      %dma_wait3A_335 = arith.constant 0 : i32
      %dma_wait3A_336 = tpu.memref_slice %arg7[%add3A_287, %dma_wait3A_335] : memref<81920x128xf32, #tpu.memory_space<hbm>> -> memref<128x128xf32, #tpu.memory_space<hbm>>
      tpu.wait_dma2 semaphore(%run_scoped3A : memref<!tpu.dma_semaphore, #tpu.memory_space<semaphore_mem>>) src(%arg11 : memref<128x128xf32, #tpu.memory_space<vmem>>) dst(%dma_wait3A_336 : memref<128x128xf32, #tpu.memory_space<hbm>>)
      tpu.yield
    }) : () -> ()
    %dma_start3A_288 = arith.constant 18 : i32
    %dma_start3A_289 = arith.constant 0 : i32
    %dma_start3A_290 = tpu.memref_slice %arg9[%dma_start3A_288, %dma_start3A_289] : memref<20x128xi32, #tpu.memory_space<vmem>> -> memref<1x128xi32, #tpu.memory_space<vmem>>
    %dma_start3A_291 = tpu.memref_squeeze %dma_start3A_290 : memref<1x128xi32, #tpu.memory_space<vmem>> -> memref<128xi32, #tpu.memory_space<vmem>>
    %dma_start3A_292 = arith.constant 0 : i32
    %dma_start3A_293 = arith.constant 0 : i32
    %dma_start3A_294 = tpu.memref_slice %arg3[%dma_start3A_292, %dma_start3A_293] : memref<200000x128xf32, #tpu.memory_space<hbm>> -> memref<200000x128xf32, #tpu.memory_space<hbm>>
    tpu.enqueue_indirect_dma source(%dma_start3A_294 : memref<200000x128xf32, #tpu.memory_space<hbm>>) target(%arg11 : memref<128x128xf32, #tpu.memory_space<vmem>>) offsets(%dma_start3A_291 : memref<128xi32, #tpu.memory_space<vmem>>) semaphore(%arg13 : memref<!tpu.dma_semaphore, #tpu.memory_space<semaphore_mem>>)
    %dma_wait3A_295 = arith.constant 17 : i32
    %dma_wait3A_296 = arith.constant 0 : i32
    %dma_wait3A_297 = tpu.memref_slice %arg9[%dma_wait3A_295, %dma_wait3A_296] : memref<20x128xi32, #tpu.memory_space<vmem>> -> memref<1x128xi32, #tpu.memory_space<vmem>>
    %dma_wait3A_298 = tpu.memref_squeeze %dma_wait3A_297 : memref<1x128xi32, #tpu.memory_space<vmem>> -> memref<128xi32, #tpu.memory_space<vmem>>
    %dma_wait3A_299 = arith.constant 0 : i32
    %dma_wait3A_300 = arith.constant 0 : i32
    %dma_wait3A_301 = tpu.memref_slice %arg3[%dma_wait3A_299, %dma_wait3A_300] : memref<200000x128xf32, #tpu.memory_space<hbm>> -> memref<200000x128xf32, #tpu.memory_space<hbm>>
    tpu.wait_indirect_dma semaphore(%arg14 : memref<!tpu.dma_semaphore, #tpu.memory_space<semaphore_mem>>) src(%dma_wait3A_301 : memref<200000x128xf32, #tpu.memory_space<hbm>>) dst(%arg12 : memref<128x128xf32, #tpu.memory_space<vmem>>)
    %add3A_302 = arith.constant 2176 : i32
    %add3A_303 = arith.addi %mul3A_4, %add3A_302 : i32
    "tpu.region"() ({
      %run_scoped3A = tpu.sem_alloc : memref<!tpu.dma_semaphore, #tpu.memory_space<semaphore_mem>>
      %dma_start3A_329 = arith.constant 0 : i32
      %dma_start3A_330 = tpu.memref_slice %arg7[%add3A_303, %dma_start3A_329] : memref<81920x128xf32, #tpu.memory_space<hbm>> -> memref<128x128xf32, #tpu.memory_space<hbm>>
      %dma_start3A_331 = arith.constant 0 : i32
      %dma_start3A_332 = tpu.memref_slice %arg7[%add3A_303, %dma_start3A_331] : memref<81920x128xf32, #tpu.memory_space<hbm>> -> memref<128x128xf32, #tpu.memory_space<hbm>>
      tpu.enqueue_dma source(%arg12 : memref<128x128xf32, #tpu.memory_space<vmem>>) target(%dma_start3A_332 : memref<128x128xf32, #tpu.memory_space<hbm>>) target_semaphore(%run_scoped3A : memref<!tpu.dma_semaphore, #tpu.memory_space<semaphore_mem>>)
      %dma_wait3A_333 = arith.constant 0 : i32
      %dma_wait3A_334 = tpu.memref_slice %arg7[%add3A_303, %dma_wait3A_333] : memref<81920x128xf32, #tpu.memory_space<hbm>> -> memref<128x128xf32, #tpu.memory_space<hbm>>
      %dma_wait3A_335 = arith.constant 0 : i32
      %dma_wait3A_336 = tpu.memref_slice %arg7[%add3A_303, %dma_wait3A_335] : memref<81920x128xf32, #tpu.memory_space<hbm>> -> memref<128x128xf32, #tpu.memory_space<hbm>>
      tpu.wait_dma2 semaphore(%run_scoped3A : memref<!tpu.dma_semaphore, #tpu.memory_space<semaphore_mem>>) src(%arg12 : memref<128x128xf32, #tpu.memory_space<vmem>>) dst(%dma_wait3A_336 : memref<128x128xf32, #tpu.memory_space<hbm>>)
      tpu.yield
    }) : () -> ()
    %dma_start3A_304 = arith.constant 19 : i32
    %dma_start3A_305 = arith.constant 0 : i32
    %dma_start3A_306 = tpu.memref_slice %arg9[%dma_start3A_304, %dma_start3A_305] : memref<20x128xi32, #tpu.memory_space<vmem>> -> memref<1x128xi32, #tpu.memory_space<vmem>>
    %dma_start3A_307 = tpu.memref_squeeze %dma_start3A_306 : memref<1x128xi32, #tpu.memory_space<vmem>> -> memref<128xi32, #tpu.memory_space<vmem>>
    %dma_start3A_308 = arith.constant 0 : i32
    %dma_start3A_309 = arith.constant 0 : i32
    %dma_start3A_310 = tpu.memref_slice %arg3[%dma_start3A_308, %dma_start3A_309] : memref<200000x128xf32, #tpu.memory_space<hbm>> -> memref<200000x128xf32, #tpu.memory_space<hbm>>
    tpu.enqueue_indirect_dma source(%dma_start3A_310 : memref<200000x128xf32, #tpu.memory_space<hbm>>) target(%arg12 : memref<128x128xf32, #tpu.memory_space<vmem>>) offsets(%dma_start3A_307 : memref<128xi32, #tpu.memory_space<vmem>>) semaphore(%arg14 : memref<!tpu.dma_semaphore, #tpu.memory_space<semaphore_mem>>)
    %dma_wait3A_311 = arith.constant 18 : i32
    %dma_wait3A_312 = arith.constant 0 : i32
    %dma_wait3A_313 = tpu.memref_slice %arg9[%dma_wait3A_311, %dma_wait3A_312] : memref<20x128xi32, #tpu.memory_space<vmem>> -> memref<1x128xi32, #tpu.memory_space<vmem>>
    %dma_wait3A_314 = tpu.memref_squeeze %dma_wait3A_313 : memref<1x128xi32, #tpu.memory_space<vmem>> -> memref<128xi32, #tpu.memory_space<vmem>>
    %dma_wait3A_315 = arith.constant 0 : i32
    %dma_wait3A_316 = arith.constant 0 : i32
    %dma_wait3A_317 = tpu.memref_slice %arg3[%dma_wait3A_315, %dma_wait3A_316] : memref<200000x128xf32, #tpu.memory_space<hbm>> -> memref<200000x128xf32, #tpu.memory_space<hbm>>
    tpu.wait_indirect_dma semaphore(%arg13 : memref<!tpu.dma_semaphore, #tpu.memory_space<semaphore_mem>>) src(%dma_wait3A_317 : memref<200000x128xf32, #tpu.memory_space<hbm>>) dst(%arg11 : memref<128x128xf32, #tpu.memory_space<vmem>>)
    %add3A_318 = arith.constant 2304 : i32
    %add3A_319 = arith.addi %mul3A_4, %add3A_318 : i32
    "tpu.region"() ({
      %run_scoped3A = tpu.sem_alloc : memref<!tpu.dma_semaphore, #tpu.memory_space<semaphore_mem>>
      %dma_start3A_329 = arith.constant 0 : i32
      %dma_start3A_330 = tpu.memref_slice %arg7[%add3A_319, %dma_start3A_329] : memref<81920x128xf32, #tpu.memory_space<hbm>> -> memref<128x128xf32, #tpu.memory_space<hbm>>
      %dma_start3A_331 = arith.constant 0 : i32
      %dma_start3A_332 = tpu.memref_slice %arg7[%add3A_319, %dma_start3A_331] : memref<81920x128xf32, #tpu.memory_space<hbm>> -> memref<128x128xf32, #tpu.memory_space<hbm>>
      tpu.enqueue_dma source(%arg11 : memref<128x128xf32, #tpu.memory_space<vmem>>) target(%dma_start3A_332 : memref<128x128xf32, #tpu.memory_space<hbm>>) target_semaphore(%run_scoped3A : memref<!tpu.dma_semaphore, #tpu.memory_space<semaphore_mem>>)
      %dma_wait3A_333 = arith.constant 0 : i32
      %dma_wait3A_334 = tpu.memref_slice %arg7[%add3A_319, %dma_wait3A_333] : memref<81920x128xf32, #tpu.memory_space<hbm>> -> memref<128x128xf32, #tpu.memory_space<hbm>>
      %dma_wait3A_335 = arith.constant 0 : i32
      %dma_wait3A_336 = tpu.memref_slice %arg7[%add3A_319, %dma_wait3A_335] : memref<81920x128xf32, #tpu.memory_space<hbm>> -> memref<128x128xf32, #tpu.memory_space<hbm>>
      tpu.wait_dma2 semaphore(%run_scoped3A : memref<!tpu.dma_semaphore, #tpu.memory_space<semaphore_mem>>) src(%arg11 : memref<128x128xf32, #tpu.memory_space<vmem>>) dst(%dma_wait3A_336 : memref<128x128xf32, #tpu.memory_space<hbm>>)
      tpu.yield
    }) : () -> ()
    %dma_wait3A_320 = arith.constant 19 : i32
    %dma_wait3A_321 = arith.constant 0 : i32
    %dma_wait3A_322 = tpu.memref_slice %arg9[%dma_wait3A_320, %dma_wait3A_321] : memref<20x128xi32, #tpu.memory_space<vmem>> -> memref<1x128xi32, #tpu.memory_space<vmem>>
    %dma_wait3A_323 = tpu.memref_squeeze %dma_wait3A_322 : memref<1x128xi32, #tpu.memory_space<vmem>> -> memref<128xi32, #tpu.memory_space<vmem>>
    %dma_wait3A_324 = arith.constant 0 : i32
    %dma_wait3A_325 = arith.constant 0 : i32
    %dma_wait3A_326 = tpu.memref_slice %arg3[%dma_wait3A_324, %dma_wait3A_325] : memref<200000x128xf32, #tpu.memory_space<hbm>> -> memref<200000x128xf32, #tpu.memory_space<hbm>>
    tpu.wait_indirect_dma semaphore(%arg14 : memref<!tpu.dma_semaphore, #tpu.memory_space<semaphore_mem>>) src(%dma_wait3A_326 : memref<200000x128xf32, #tpu.memory_space<hbm>>) dst(%arg12 : memref<128x128xf32, #tpu.memory_space<vmem>>)
    %add3A_327 = arith.constant 2432 : i32
    %add3A_328 = arith.addi %mul3A_4, %add3A_327 : i32
    "tpu.region"() ({
      %run_scoped3A = tpu.sem_alloc : memref<!tpu.dma_semaphore, #tpu.memory_space<semaphore_mem>>
      %dma_start3A_329 = arith.constant 0 : i32
      %dma_start3A_330 = tpu.memref_slice %arg7[%add3A_328, %dma_start3A_329] : memref<81920x128xf32, #tpu.memory_space<hbm>> -> memref<128x128xf32, #tpu.memory_space<hbm>>
      %dma_start3A_331 = arith.constant 0 : i32
      %dma_start3A_332 = tpu.memref_slice %arg7[%add3A_328, %dma_start3A_331] : memref<81920x128xf32, #tpu.memory_space<hbm>> -> memref<128x128xf32, #tpu.memory_space<hbm>>
      tpu.enqueue_dma source(%arg12 : memref<128x128xf32, #tpu.memory_space<vmem>>) target(%dma_start3A_332 : memref<128x128xf32, #tpu.memory_space<hbm>>) target_semaphore(%run_scoped3A : memref<!tpu.dma_semaphore, #tpu.memory_space<semaphore_mem>>)
      %dma_wait3A_333 = arith.constant 0 : i32
      %dma_wait3A_334 = tpu.memref_slice %arg7[%add3A_328, %dma_wait3A_333] : memref<81920x128xf32, #tpu.memory_space<hbm>> -> memref<128x128xf32, #tpu.memory_space<hbm>>
      %dma_wait3A_335 = arith.constant 0 : i32
      %dma_wait3A_336 = tpu.memref_slice %arg7[%add3A_328, %dma_wait3A_335] : memref<81920x128xf32, #tpu.memory_space<hbm>> -> memref<128x128xf32, #tpu.memory_space<hbm>>
      tpu.wait_dma2 semaphore(%run_scoped3A : memref<!tpu.dma_semaphore, #tpu.memory_space<semaphore_mem>>) src(%arg12 : memref<128x128xf32, #tpu.memory_space<vmem>>) dst(%dma_wait3A_336 : memref<128x128xf32, #tpu.memory_space<hbm>>)
      tpu.yield
    }) : () -> ()
    return
  }
}

module attributes {stable_mosaic.version = 14 : i64} {
  func.func @_fuse_body(%arg0: i32, %arg1: i32, %arg2: memref<1024x1x1x512xf32, #tpu.memory_space<vmem>>, %arg3: memref<1024x512xf32, #tpu.memory_space<vmem>>, %arg4: memref<4x1x1x1024xf32, #tpu.memory_space<vmem>>, %arg5: memref<4x1024xf32, #tpu.memory_space<vmem>>, %arg6: memref<26x1x1x1024xf32, #tpu.memory_space<vmem>>, %arg7: memref<26x1024xf32, #tpu.memory_space<vmem>>, %arg8: memref<1x1x1024xf32, #tpu.memory_space<vmem>>, %arg9: memref<64x1xf32, #tpu.memory_space<vmem>>, %arg10: memref<22x64x1xf32, #tpu.memory_space<vmem>>, %arg11: memref<1408x26xf32, #tpu.memory_space<vmem>>, %arg12: memref<1408x1xf32, #tpu.memory_space<vmem>>, %arg13: memref<64x1xf32, #tpu.memory_space<vmem>>, %arg14: memref<64x1xf32, #tpu.memory_space<vmem>>, %arg15: memref<1x26x64x1024xf32, #tpu.memory_space<vmem>>, %arg16: memref<26x64x1024xf32, #tpu.memory_space<vmem>>, %arg17: memref<1x64x1024xf32, #tpu.memory_space<vmem>>) attributes {dimension_semantics = [#tpu.dimension_semantics<arbitrary>, #tpu.dimension_semantics<arbitrary>], iteration_bounds = array<i64: 1, 20>, scalar_prefetch = 0 : i64, scratch_operands = 0 : i64, tpu.core_type = #tpu.core_type<tc>, window_params = [{transform_indices = @transform_0, window_bounds = array<i64: 1024, 1, 1, 512>}, {transform_indices = @transform_1, window_bounds = array<i64: 1024, 512>}, {transform_indices = @transform_2, window_bounds = array<i64: 4, 1, 1, 1024>}, {transform_indices = @transform_3, window_bounds = array<i64: 4, 1024>}, {transform_indices = @transform_4, window_bounds = array<i64: 26, 1, 1, 1024>}, {transform_indices = @transform_5, window_bounds = array<i64: 26, 1024>}, {transform_indices = @transform_6, window_bounds = array<i64: 1, 1, 1024>}, {pipeline_mode = #tpu.pipeline_mode<synchronous>, transform_indices = @transform_7, window_bounds = array<i64: 64, 1>}, {pipeline_mode = #tpu.pipeline_mode<synchronous>, transform_indices = @transform_8, window_bounds = array<i64: 22, 64, 1>}, {pipeline_mode = #tpu.pipeline_mode<synchronous>, transform_indices = @transform_9, window_bounds = array<i64: 1408, 26>}, {pipeline_mode = #tpu.pipeline_mode<synchronous>, transform_indices = @transform_10, window_bounds = array<i64: 1408, 1>}, {pipeline_mode = #tpu.pipeline_mode<synchronous>, transform_indices = @transform_11, window_bounds = array<i64: 64, 1>}, {pipeline_mode = #tpu.pipeline_mode<synchronous>, transform_indices = @transform_12, window_bounds = array<i64: 64, 1>}, {transform_indices = @transform_13, window_bounds = array<i64: 1, 26, 64, 1024>}, {transform_indices = @transform_14, window_bounds = array<i64: 26, 64, 1024>}, {transform_indices = @transform_15, window_bounds = array<i64: 1, 64, 1024>}]} {
    %get3A = arith.constant 0 : index
    %get3A_0 = arith.constant 0 : index
    %get3A_1 = arith.constant 0 : index
    %get3A_2 = arith.constant 0 : index
    %get3A_3 = vector.load %arg2[%get3A, %get3A_0, %get3A_1, %get3A_2] : memref<1024x1x1x512xf32, #tpu.memory_space<vmem>>, vector<1024x1x1x512xf32>
    %get3A_4 = vector.shape_cast %get3A_3 : vector<1024x1x1x512xf32> to vector<1024x512xf32>
    %transpose3A = tpu.transpose %get3A_4, [1, 0] : vector<1024x512xf32> -> vector<512x1024xf32>
    %slice3A = vector.extract_strided_slice %transpose3A {offsets = [0, 0], sizes = [64, 1024], strides = [1, 1]} : vector<512x1024xf32> to vector<64x1024xf32>
    %slice3A_5 = vector.extract_strided_slice %transpose3A {offsets = [64, 0], sizes = [64, 1024], strides = [1, 1]} : vector<512x1024xf32> to vector<64x1024xf32>
    %get3A_6 = arith.constant 0 : index
    %get3A_7 = arith.constant 0 : index
    %get3A_8 = arith.constant 0 : index
    %get3A_9 = arith.constant 0 : index
    %get3A_10 = vector.load %arg4[%get3A_6, %get3A_7, %get3A_8, %get3A_9] : memref<4x1x1x1024xf32, #tpu.memory_space<vmem>>, vector<1x1x1x1024xf32>
    %get3A_11 = vector.shape_cast %get3A_10 : vector<1x1x1x1024xf32> to vector<1x1024xf32>
    %gt3A = arith.constant 5.000000e-01 : f32
    %gt3A_12 = vector.broadcast %gt3A : f32 to vector<1x1024xf32>
    %gt3A_13 = arith.cmpf ogt, %get3A_11, %gt3A_12 : vector<1x1024xf32>
    %broadcast_in_dim3A = vector.shape_cast %gt3A_13 : vector<1x1024xi1> to vector<1x1024xi1>
    %broadcast_in_dim3A_14 = vector.broadcast %broadcast_in_dim3A : vector<1x1024xi1> to vector<64x1024xi1>
    %select_n3A = arith.select %broadcast_in_dim3A_14, %slice3A_5, %slice3A : vector<64x1024xi1>, vector<64x1024xf32>
    %abs3A = math.absf %select_n3A : vector<64x1024xf32>
    %mul3A = arith.constant 0.707106769 : f32
    %mul3A_15 = vector.broadcast %mul3A : f32 to vector<64x1024xf32>
    %mul3A_16 = arith.mulf %abs3A, %mul3A_15 : vector<64x1024xf32>
    %mul3A_17 = arith.constant 0.327591091 : f32
    %mul3A_18 = vector.broadcast %mul3A_17 : f32 to vector<64x1024xf32>
    %mul3A_19 = arith.mulf %mul3A_18, %mul3A_16 : vector<64x1024xf32>
    %add3A = arith.constant 1.000000e+00 : f32
    %add3A_20 = vector.broadcast %add3A : f32 to vector<64x1024xf32>
    %add3A_21 = arith.addf %add3A_20, %mul3A_19 : vector<64x1024xf32>
    %div3A = arith.constant 1.000000e+00 : f32
    %div3A_22 = vector.broadcast %div3A : f32 to vector<64x1024xf32>
    %div3A_23 = arith.divf %div3A_22, %add3A_21 : vector<64x1024xf32>
    %mul3A_24 = arith.constant 1.06140542 : f32
    %mul3A_25 = vector.broadcast %mul3A_24 : f32 to vector<64x1024xf32>
    %mul3A_26 = arith.mulf %div3A_23, %mul3A_25 : vector<64x1024xf32>
    %add3A_27 = arith.constant -1.45315206 : f32
    %add3A_28 = vector.broadcast %add3A_27 : f32 to vector<64x1024xf32>
    %add3A_29 = arith.addf %add3A_28, %mul3A_26 : vector<64x1024xf32>
    %mul3A_30 = arith.mulf %div3A_23, %add3A_29 : vector<64x1024xf32>
    %add3A_31 = arith.constant 1.42141378 : f32
    %add3A_32 = vector.broadcast %add3A_31 : f32 to vector<64x1024xf32>
    %add3A_33 = arith.addf %add3A_32, %mul3A_30 : vector<64x1024xf32>
    %mul3A_34 = arith.mulf %div3A_23, %add3A_33 : vector<64x1024xf32>
    %add3A_35 = arith.constant -0.284496725 : f32
    %add3A_36 = vector.broadcast %add3A_35 : f32 to vector<64x1024xf32>
    %add3A_37 = arith.addf %add3A_36, %mul3A_34 : vector<64x1024xf32>
    %mul3A_38 = arith.mulf %div3A_23, %add3A_37 : vector<64x1024xf32>
    %add3A_39 = arith.constant 0.254829586 : f32
    %add3A_40 = vector.broadcast %add3A_39 : f32 to vector<64x1024xf32>
    %add3A_41 = arith.addf %add3A_40, %mul3A_38 : vector<64x1024xf32>
    %mul3A_42 = arith.mulf %div3A_23, %add3A_41 : vector<64x1024xf32>
    %neg3A = arith.constant 0.000000e+00 : f32
    %neg3A_43 = vector.broadcast %neg3A : f32 to vector<64x1024xf32>
    %neg3A_44 = arith.subf %neg3A_43, %mul3A_16 : vector<64x1024xf32>
    %mul3A_45 = arith.mulf %neg3A_44, %mul3A_16 : vector<64x1024xf32>
    %exp3A = math.exp %mul3A_45 : vector<64x1024xf32>
    %mul3A_46 = arith.mulf %mul3A_42, %exp3A : vector<64x1024xf32>
    %sub3A = arith.constant 1.000000e+00 : f32
    %sub3A_47 = vector.broadcast %sub3A : f32 to vector<64x1024xf32>
    %sub3A_48 = arith.subf %sub3A_47, %mul3A_46 : vector<64x1024xf32>
    %ge3A = arith.constant 0.000000e+00 : f32
    %ge3A_49 = vector.broadcast %ge3A : f32 to vector<64x1024xf32>
    %ge3A_50 = arith.cmpf oge, %select_n3A, %ge3A_49 : vector<64x1024xf32>
    %neg3A_51 = arith.constant 0.000000e+00 : f32
    %neg3A_52 = vector.broadcast %neg3A_51 : f32 to vector<64x1024xf32>
    %neg3A_53 = arith.subf %neg3A_52, %sub3A_48 : vector<64x1024xf32>
    %select_n3A_54 = arith.select %ge3A_50, %sub3A_48, %neg3A_53 : vector<64x1024xi1>, vector<64x1024xf32>
    %mul3A_55 = arith.constant 5.000000e-01 : f32
    %mul3A_56 = vector.broadcast %mul3A_55 : f32 to vector<64x1024xf32>
    %mul3A_57 = arith.mulf %mul3A_56, %select_n3A : vector<64x1024xf32>
    %add3A_58 = arith.constant 1.000000e+00 : f32
    %add3A_59 = vector.broadcast %add3A_58 : f32 to vector<64x1024xf32>
    %add3A_60 = arith.addf %add3A_59, %select_n3A_54 : vector<64x1024xf32>
    %mul3A_61 = arith.mulf %mul3A_57, %add3A_60 : vector<64x1024xf32>
    %swap3A = arith.constant 0 : index
    %swap3A_62 = arith.constant 0 : index
    %swap3A_63 = arith.constant 0 : index
    %swap3A_64 = arith.constant 0 : index
    %swap3A_65 = vector.load %arg15[%swap3A, %swap3A_62, %swap3A_63, %swap3A_64] : memref<1x26x64x1024xf32, #tpu.memory_space<vmem>>, vector<1x1x64x1024xf32>
    %swap3A_66 = vector.shape_cast %swap3A_65 : vector<1x1x64x1024xf32> to vector<64x1024xf32>
    %swap3A_67 = vector.shape_cast %mul3A_61 : vector<64x1024xf32> to vector<1x1x64x1024xf32>
    tpu.vector_store %arg15[%swap3A, %swap3A_62, %swap3A_63, %swap3A_64], %swap3A_67 {strides = array<i32>} : memref<1x26x64x1024xf32, #tpu.memory_space<vmem>>, vector<1x1x64x1024xf32>,
    %slice3A_68 = vector.extract_strided_slice %transpose3A {offsets = [128, 0], sizes = [64, 1024], strides = [1, 1]} : vector<512x1024xf32> to vector<64x1024xf32>
    %slice3A_69 = vector.extract_strided_slice %transpose3A {offsets = [192, 0], sizes = [64, 1024], strides = [1, 1]} : vector<512x1024xf32> to vector<64x1024xf32>
    %get3A_70 = arith.constant 1 : index
    %get3A_71 = arith.constant 0 : index
    %get3A_72 = arith.constant 0 : index
    %get3A_73 = arith.constant 0 : index
    %get3A_74 = vector.load %arg4[%get3A_70, %get3A_71, %get3A_72, %get3A_73] : memref<4x1x1x1024xf32, #tpu.memory_space<vmem>>, vector<1x1x1x1024xf32>
    %get3A_75 = vector.shape_cast %get3A_74 : vector<1x1x1x1024xf32> to vector<1x1024xf32>
    %gt3A_76 = arith.constant 5.000000e-01 : f32
    %gt3A_77 = vector.broadcast %gt3A_76 : f32 to vector<1x1024xf32>
    %gt3A_78 = arith.cmpf ogt, %get3A_75, %gt3A_77 : vector<1x1024xf32>
    %broadcast_in_dim3A_79 = vector.shape_cast %gt3A_78 : vector<1x1024xi1> to vector<1x1024xi1>
    %broadcast_in_dim3A_80 = vector.broadcast %broadcast_in_dim3A_79 : vector<1x1024xi1> to vector<64x1024xi1>
    %select_n3A_81 = arith.select %broadcast_in_dim3A_80, %slice3A_69, %slice3A_68 : vector<64x1024xi1>, vector<64x1024xf32>
    %abs3A_82 = math.absf %select_n3A_81 : vector<64x1024xf32>
    %mul3A_83 = arith.constant 0.707106769 : f32
    %mul3A_84 = vector.broadcast %mul3A_83 : f32 to vector<64x1024xf32>
    %mul3A_85 = arith.mulf %abs3A_82, %mul3A_84 : vector<64x1024xf32>
    %mul3A_86 = arith.constant 0.327591091 : f32
    %mul3A_87 = vector.broadcast %mul3A_86 : f32 to vector<64x1024xf32>
    %mul3A_88 = arith.mulf %mul3A_87, %mul3A_85 : vector<64x1024xf32>
    %add3A_89 = arith.constant 1.000000e+00 : f32
    %add3A_90 = vector.broadcast %add3A_89 : f32 to vector<64x1024xf32>
    %add3A_91 = arith.addf %add3A_90, %mul3A_88 : vector<64x1024xf32>
    %div3A_92 = arith.constant 1.000000e+00 : f32
    %div3A_93 = vector.broadcast %div3A_92 : f32 to vector<64x1024xf32>
    %div3A_94 = arith.divf %div3A_93, %add3A_91 : vector<64x1024xf32>
    %mul3A_95 = arith.constant 1.06140542 : f32
    %mul3A_96 = vector.broadcast %mul3A_95 : f32 to vector<64x1024xf32>
    %mul3A_97 = arith.mulf %div3A_94, %mul3A_96 : vector<64x1024xf32>
    %add3A_98 = arith.constant -1.45315206 : f32
    %add3A_99 = vector.broadcast %add3A_98 : f32 to vector<64x1024xf32>
    %add3A_100 = arith.addf %add3A_99, %mul3A_97 : vector<64x1024xf32>
    %mul3A_101 = arith.mulf %div3A_94, %add3A_100 : vector<64x1024xf32>
    %add3A_102 = arith.constant 1.42141378 : f32
    %add3A_103 = vector.broadcast %add3A_102 : f32 to vector<64x1024xf32>
    %add3A_104 = arith.addf %add3A_103, %mul3A_101 : vector<64x1024xf32>
    %mul3A_105 = arith.mulf %div3A_94, %add3A_104 : vector<64x1024xf32>
    %add3A_106 = arith.constant -0.284496725 : f32
    %add3A_107 = vector.broadcast %add3A_106 : f32 to vector<64x1024xf32>
    %add3A_108 = arith.addf %add3A_107, %mul3A_105 : vector<64x1024xf32>
    %mul3A_109 = arith.mulf %div3A_94, %add3A_108 : vector<64x1024xf32>
    %add3A_110 = arith.constant 0.254829586 : f32
    %add3A_111 = vector.broadcast %add3A_110 : f32 to vector<64x1024xf32>
    %add3A_112 = arith.addf %add3A_111, %mul3A_109 : vector<64x1024xf32>
    %mul3A_113 = arith.mulf %div3A_94, %add3A_112 : vector<64x1024xf32>
    %neg3A_114 = arith.constant 0.000000e+00 : f32
    %neg3A_115 = vector.broadcast %neg3A_114 : f32 to vector<64x1024xf32>
    %neg3A_116 = arith.subf %neg3A_115, %mul3A_85 : vector<64x1024xf32>
    %mul3A_117 = arith.mulf %neg3A_116, %mul3A_85 : vector<64x1024xf32>
    %exp3A_118 = math.exp %mul3A_117 : vector<64x1024xf32>
    %mul3A_119 = arith.mulf %mul3A_113, %exp3A_118 : vector<64x1024xf32>
    %sub3A_120 = arith.constant 1.000000e+00 : f32
    %sub3A_121 = vector.broadcast %sub3A_120 : f32 to vector<64x1024xf32>
    %sub3A_122 = arith.subf %sub3A_121, %mul3A_119 : vector<64x1024xf32>
    %ge3A_123 = arith.constant 0.000000e+00 : f32
    %ge3A_124 = vector.broadcast %ge3A_123 : f32 to vector<64x1024xf32>
    %ge3A_125 = arith.cmpf oge, %select_n3A_81, %ge3A_124 : vector<64x1024xf32>
    %neg3A_126 = arith.constant 0.000000e+00 : f32
    %neg3A_127 = vector.broadcast %neg3A_126 : f32 to vector<64x1024xf32>
    %neg3A_128 = arith.subf %neg3A_127, %sub3A_122 : vector<64x1024xf32>
    %select_n3A_129 = arith.select %ge3A_125, %sub3A_122, %neg3A_128 : vector<64x1024xi1>, vector<64x1024xf32>
    %mul3A_130 = arith.constant 5.000000e-01 : f32
    %mul3A_131 = vector.broadcast %mul3A_130 : f32 to vector<64x1024xf32>
    %mul3A_132 = arith.mulf %mul3A_131, %select_n3A_81 : vector<64x1024xf32>
    %add3A_133 = arith.constant 1.000000e+00 : f32
    %add3A_134 = vector.broadcast %add3A_133 : f32 to vector<64x1024xf32>
    %add3A_135 = arith.addf %add3A_134, %select_n3A_129 : vector<64x1024xf32>
    %mul3A_136 = arith.mulf %mul3A_132, %add3A_135 : vector<64x1024xf32>
    %swap3A_137 = arith.constant 0 : index
    %swap3A_138 = arith.constant 1 : index
    %swap3A_139 = arith.constant 0 : index
    %swap3A_140 = arith.constant 0 : index
    %swap3A_141 = vector.load %arg15[%swap3A_137, %swap3A_138, %swap3A_139, %swap3A_140] : memref<1x26x64x1024xf32, #tpu.memory_space<vmem>>, vector<1x1x64x1024xf32>
    %swap3A_142 = vector.shape_cast %swap3A_141 : vector<1x1x64x1024xf32> to vector<64x1024xf32>
    %swap3A_143 = vector.shape_cast %mul3A_136 : vector<64x1024xf32> to vector<1x1x64x1024xf32>
    tpu.vector_store %arg15[%swap3A_137, %swap3A_138, %swap3A_139, %swap3A_140], %swap3A_143 {strides = array<i32>} : memref<1x26x64x1024xf32, #tpu.memory_space<vmem>>, vector<1x1x64x1024xf32>,
    %slice3A_144 = vector.extract_strided_slice %transpose3A {offsets = [256, 0], sizes = [64, 1024], strides = [1, 1]} : vector<512x1024xf32> to vector<64x1024xf32>
    %slice3A_145 = vector.extract_strided_slice %transpose3A {offsets = [320, 0], sizes = [64, 1024], strides = [1, 1]} : vector<512x1024xf32> to vector<64x1024xf32>
    %get3A_146 = arith.constant 2 : index
    %get3A_147 = arith.constant 0 : index
    %get3A_148 = arith.constant 0 : index
    %get3A_149 = arith.constant 0 : index
    %get3A_150 = vector.load %arg4[%get3A_146, %get3A_147, %get3A_148, %get3A_149] : memref<4x1x1x1024xf32, #tpu.memory_space<vmem>>, vector<1x1x1x1024xf32>
    %get3A_151 = vector.shape_cast %get3A_150 : vector<1x1x1x1024xf32> to vector<1x1024xf32>
    %gt3A_152 = arith.constant 5.000000e-01 : f32
    %gt3A_153 = vector.broadcast %gt3A_152 : f32 to vector<1x1024xf32>
    %gt3A_154 = arith.cmpf ogt, %get3A_151, %gt3A_153 : vector<1x1024xf32>
    %broadcast_in_dim3A_155 = vector.shape_cast %gt3A_154 : vector<1x1024xi1> to vector<1x1024xi1>
    %broadcast_in_dim3A_156 = vector.broadcast %broadcast_in_dim3A_155 : vector<1x1024xi1> to vector<64x1024xi1>
    %select_n3A_157 = arith.select %broadcast_in_dim3A_156, %slice3A_145, %slice3A_144 : vector<64x1024xi1>, vector<64x1024xf32>
    %abs3A_158 = math.absf %select_n3A_157 : vector<64x1024xf32>
    %mul3A_159 = arith.constant 0.707106769 : f32
    %mul3A_160 = vector.broadcast %mul3A_159 : f32 to vector<64x1024xf32>
    %mul3A_161 = arith.mulf %abs3A_158, %mul3A_160 : vector<64x1024xf32>
    %mul3A_162 = arith.constant 0.327591091 : f32
    %mul3A_163 = vector.broadcast %mul3A_162 : f32 to vector<64x1024xf32>
    %mul3A_164 = arith.mulf %mul3A_163, %mul3A_161 : vector<64x1024xf32>
    %add3A_165 = arith.constant 1.000000e+00 : f32
    %add3A_166 = vector.broadcast %add3A_165 : f32 to vector<64x1024xf32>
    %add3A_167 = arith.addf %add3A_166, %mul3A_164 : vector<64x1024xf32>
    %div3A_168 = arith.constant 1.000000e+00 : f32
    %div3A_169 = vector.broadcast %div3A_168 : f32 to vector<64x1024xf32>
    %div3A_170 = arith.divf %div3A_169, %add3A_167 : vector<64x1024xf32>
    %mul3A_171 = arith.constant 1.06140542 : f32
    %mul3A_172 = vector.broadcast %mul3A_171 : f32 to vector<64x1024xf32>
    %mul3A_173 = arith.mulf %div3A_170, %mul3A_172 : vector<64x1024xf32>
    %add3A_174 = arith.constant -1.45315206 : f32
    %add3A_175 = vector.broadcast %add3A_174 : f32 to vector<64x1024xf32>
    %add3A_176 = arith.addf %add3A_175, %mul3A_173 : vector<64x1024xf32>
    %mul3A_177 = arith.mulf %div3A_170, %add3A_176 : vector<64x1024xf32>
    %add3A_178 = arith.constant 1.42141378 : f32
    %add3A_179 = vector.broadcast %add3A_178 : f32 to vector<64x1024xf32>
    %add3A_180 = arith.addf %add3A_179, %mul3A_177 : vector<64x1024xf32>
    %mul3A_181 = arith.mulf %div3A_170, %add3A_180 : vector<64x1024xf32>
    %add3A_182 = arith.constant -0.284496725 : f32
    %add3A_183 = vector.broadcast %add3A_182 : f32 to vector<64x1024xf32>
    %add3A_184 = arith.addf %add3A_183, %mul3A_181 : vector<64x1024xf32>
    %mul3A_185 = arith.mulf %div3A_170, %add3A_184 : vector<64x1024xf32>
    %add3A_186 = arith.constant 0.254829586 : f32
    %add3A_187 = vector.broadcast %add3A_186 : f32 to vector<64x1024xf32>
    %add3A_188 = arith.addf %add3A_187, %mul3A_185 : vector<64x1024xf32>
    %mul3A_189 = arith.mulf %div3A_170, %add3A_188 : vector<64x1024xf32>
    %neg3A_190 = arith.constant 0.000000e+00 : f32
    %neg3A_191 = vector.broadcast %neg3A_190 : f32 to vector<64x1024xf32>
    %neg3A_192 = arith.subf %neg3A_191, %mul3A_161 : vector<64x1024xf32>
    %mul3A_193 = arith.mulf %neg3A_192, %mul3A_161 : vector<64x1024xf32>
    %exp3A_194 = math.exp %mul3A_193 : vector<64x1024xf32>
    %mul3A_195 = arith.mulf %mul3A_189, %exp3A_194 : vector<64x1024xf32>
    %sub3A_196 = arith.constant 1.000000e+00 : f32
    %sub3A_197 = vector.broadcast %sub3A_196 : f32 to vector<64x1024xf32>
    %sub3A_198 = arith.subf %sub3A_197, %mul3A_195 : vector<64x1024xf32>
    %ge3A_199 = arith.constant 0.000000e+00 : f32
    %ge3A_200 = vector.broadcast %ge3A_199 : f32 to vector<64x1024xf32>
    %ge3A_201 = arith.cmpf oge, %select_n3A_157, %ge3A_200 : vector<64x1024xf32>
    %neg3A_202 = arith.constant 0.000000e+00 : f32
    %neg3A_203 = vector.broadcast %neg3A_202 : f32 to vector<64x1024xf32>
    %neg3A_204 = arith.subf %neg3A_203, %sub3A_198 : vector<64x1024xf32>
    %select_n3A_205 = arith.select %ge3A_201, %sub3A_198, %neg3A_204 : vector<64x1024xi1>, vector<64x1024xf32>
    %mul3A_206 = arith.constant 5.000000e-01 : f32
    %mul3A_207 = vector.broadcast %mul3A_206 : f32 to vector<64x1024xf32>
    %mul3A_208 = arith.mulf %mul3A_207, %select_n3A_157 : vector<64x1024xf32>
    %add3A_209 = arith.constant 1.000000e+00 : f32
    %add3A_210 = vector.broadcast %add3A_209 : f32 to vector<64x1024xf32>
    %add3A_211 = arith.addf %add3A_210, %select_n3A_205 : vector<64x1024xf32>
    %mul3A_212 = arith.mulf %mul3A_208, %add3A_211 : vector<64x1024xf32>
    %swap3A_213 = arith.constant 0 : index
    %swap3A_214 = arith.constant 2 : index
    %swap3A_215 = arith.constant 0 : index
    %swap3A_216 = arith.constant 0 : index
    %swap3A_217 = vector.load %arg15[%swap3A_213, %swap3A_214, %swap3A_215, %swap3A_216] : memref<1x26x64x1024xf32, #tpu.memory_space<vmem>>, vector<1x1x64x1024xf32>
    %swap3A_218 = vector.shape_cast %swap3A_217 : vector<1x1x64x1024xf32> to vector<64x1024xf32>
    %swap3A_219 = vector.shape_cast %mul3A_212 : vector<64x1024xf32> to vector<1x1x64x1024xf32>
    tpu.vector_store %arg15[%swap3A_213, %swap3A_214, %swap3A_215, %swap3A_216], %swap3A_219 {strides = array<i32>} : memref<1x26x64x1024xf32, #tpu.memory_space<vmem>>, vector<1x1x64x1024xf32>,
    %slice3A_220 = vector.extract_strided_slice %transpose3A {offsets = [384, 0], sizes = [64, 1024], strides = [1, 1]} : vector<512x1024xf32> to vector<64x1024xf32>
    %slice3A_221 = vector.extract_strided_slice %transpose3A {offsets = [448, 0], sizes = [64, 1024], strides = [1, 1]} : vector<512x1024xf32> to vector<64x1024xf32>
    %get3A_222 = arith.constant 3 : index
    %get3A_223 = arith.constant 0 : index
    %get3A_224 = arith.constant 0 : index
    %get3A_225 = arith.constant 0 : index
    %get3A_226 = vector.load %arg4[%get3A_222, %get3A_223, %get3A_224, %get3A_225] : memref<4x1x1x1024xf32, #tpu.memory_space<vmem>>, vector<1x1x1x1024xf32>
    %get3A_227 = vector.shape_cast %get3A_226 : vector<1x1x1x1024xf32> to vector<1x1024xf32>
    %gt3A_228 = arith.constant 5.000000e-01 : f32
    %gt3A_229 = vector.broadcast %gt3A_228 : f32 to vector<1x1024xf32>
    %gt3A_230 = arith.cmpf ogt, %get3A_227, %gt3A_229 : vector<1x1024xf32>
    %broadcast_in_dim3A_231 = vector.shape_cast %gt3A_230 : vector<1x1024xi1> to vector<1x1024xi1>
    %broadcast_in_dim3A_232 = vector.broadcast %broadcast_in_dim3A_231 : vector<1x1024xi1> to vector<64x1024xi1>
    %select_n3A_233 = arith.select %broadcast_in_dim3A_232, %slice3A_221, %slice3A_220 : vector<64x1024xi1>, vector<64x1024xf32>
    %abs3A_234 = math.absf %select_n3A_233 : vector<64x1024xf32>
    %mul3A_235 = arith.constant 0.707106769 : f32
    %mul3A_236 = vector.broadcast %mul3A_235 : f32 to vector<64x1024xf32>
    %mul3A_237 = arith.mulf %abs3A_234, %mul3A_236 : vector<64x1024xf32>
    %mul3A_238 = arith.constant 0.327591091 : f32
    %mul3A_239 = vector.broadcast %mul3A_238 : f32 to vector<64x1024xf32>
    %mul3A_240 = arith.mulf %mul3A_239, %mul3A_237 : vector<64x1024xf32>
    %add3A_241 = arith.constant 1.000000e+00 : f32
    %add3A_242 = vector.broadcast %add3A_241 : f32 to vector<64x1024xf32>
    %add3A_243 = arith.addf %add3A_242, %mul3A_240 : vector<64x1024xf32>
    %div3A_244 = arith.constant 1.000000e+00 : f32
    %div3A_245 = vector.broadcast %div3A_244 : f32 to vector<64x1024xf32>
    %div3A_246 = arith.divf %div3A_245, %add3A_243 : vector<64x1024xf32>
    %mul3A_247 = arith.constant 1.06140542 : f32
    %mul3A_248 = vector.broadcast %mul3A_247 : f32 to vector<64x1024xf32>
    %mul3A_249 = arith.mulf %div3A_246, %mul3A_248 : vector<64x1024xf32>
    %add3A_250 = arith.constant -1.45315206 : f32
    %add3A_251 = vector.broadcast %add3A_250 : f32 to vector<64x1024xf32>
    %add3A_252 = arith.addf %add3A_251, %mul3A_249 : vector<64x1024xf32>
    %mul3A_253 = arith.mulf %div3A_246, %add3A_252 : vector<64x1024xf32>
    %add3A_254 = arith.constant 1.42141378 : f32
    %add3A_255 = vector.broadcast %add3A_254 : f32 to vector<64x1024xf32>
    %add3A_256 = arith.addf %add3A_255, %mul3A_253 : vector<64x1024xf32>
    %mul3A_257 = arith.mulf %div3A_246, %add3A_256 : vector<64x1024xf32>
    %add3A_258 = arith.constant -0.284496725 : f32
    %add3A_259 = vector.broadcast %add3A_258 : f32 to vector<64x1024xf32>
    %add3A_260 = arith.addf %add3A_259, %mul3A_257 : vector<64x1024xf32>
    %mul3A_261 = arith.mulf %div3A_246, %add3A_260 : vector<64x1024xf32>
    %add3A_262 = arith.constant 0.254829586 : f32
    %add3A_263 = vector.broadcast %add3A_262 : f32 to vector<64x1024xf32>
    %add3A_264 = arith.addf %add3A_263, %mul3A_261 : vector<64x1024xf32>
    %mul3A_265 = arith.mulf %div3A_246, %add3A_264 : vector<64x1024xf32>
    %neg3A_266 = arith.constant 0.000000e+00 : f32
    %neg3A_267 = vector.broadcast %neg3A_266 : f32 to vector<64x1024xf32>
    %neg3A_268 = arith.subf %neg3A_267, %mul3A_237 : vector<64x1024xf32>
    %mul3A_269 = arith.mulf %neg3A_268, %mul3A_237 : vector<64x1024xf32>
    %exp3A_270 = math.exp %mul3A_269 : vector<64x1024xf32>
    %mul3A_271 = arith.mulf %mul3A_265, %exp3A_270 : vector<64x1024xf32>
    %sub3A_272 = arith.constant 1.000000e+00 : f32
    %sub3A_273 = vector.broadcast %sub3A_272 : f32 to vector<64x1024xf32>
    %sub3A_274 = arith.subf %sub3A_273, %mul3A_271 : vector<64x1024xf32>
    %ge3A_275 = arith.constant 0.000000e+00 : f32
    %ge3A_276 = vector.broadcast %ge3A_275 : f32 to vector<64x1024xf32>
    %ge3A_277 = arith.cmpf oge, %select_n3A_233, %ge3A_276 : vector<64x1024xf32>
    %neg3A_278 = arith.constant 0.000000e+00 : f32
    %neg3A_279 = vector.broadcast %neg3A_278 : f32 to vector<64x1024xf32>
    %neg3A_280 = arith.subf %neg3A_279, %sub3A_274 : vector<64x1024xf32>
    %select_n3A_281 = arith.select %ge3A_277, %sub3A_274, %neg3A_280 : vector<64x1024xi1>, vector<64x1024xf32>
    %mul3A_282 = arith.constant 5.000000e-01 : f32
    %mul3A_283 = vector.broadcast %mul3A_282 : f32 to vector<64x1024xf32>
    %mul3A_284 = arith.mulf %mul3A_283, %select_n3A_233 : vector<64x1024xf32>
    %add3A_285 = arith.constant 1.000000e+00 : f32
    %add3A_286 = vector.broadcast %add3A_285 : f32 to vector<64x1024xf32>
    %add3A_287 = arith.addf %add3A_286, %select_n3A_281 : vector<64x1024xf32>
    %mul3A_288 = arith.mulf %mul3A_284, %add3A_287 : vector<64x1024xf32>
    %swap3A_289 = arith.constant 0 : index
    %swap3A_290 = arith.constant 3 : index
    %swap3A_291 = arith.constant 0 : index
    %swap3A_292 = arith.constant 0 : index
    %swap3A_293 = vector.load %arg15[%swap3A_289, %swap3A_290, %swap3A_291, %swap3A_292] : memref<1x26x64x1024xf32, #tpu.memory_space<vmem>>, vector<1x1x64x1024xf32>
    %swap3A_294 = vector.shape_cast %swap3A_293 : vector<1x1x64x1024xf32> to vector<64x1024xf32>
    %swap3A_295 = vector.shape_cast %mul3A_288 : vector<64x1024xf32> to vector<1x1x64x1024xf32>
    tpu.vector_store %arg15[%swap3A_289, %swap3A_290, %swap3A_291, %swap3A_292], %swap3A_295 {strides = array<i32>} : memref<1x26x64x1024xf32, #tpu.memory_space<vmem>>, vector<1x1x64x1024xf32>,
    %get3A_296 = arith.constant 0 : index
    %get3A_297 = arith.constant 0 : index
    %get3A_298 = vector.load %arg9[%get3A_296, %get3A_297] : memref<64x1xf32, #tpu.memory_space<vmem>>, vector<64x1xf32>
    %get3A_299 = arith.constant 4 : index
    %get3A_300 = arith.constant 0 : index
    %get3A_301 = arith.constant 0 : index
    %get3A_302 = arith.constant 0 : index
    %get3A_303 = vector.load %arg6[%get3A_299, %get3A_300, %get3A_301, %get3A_302] : memref<26x1x1x1024xf32, #tpu.memory_space<vmem>>, vector<1x1x1x1024xf32>
    %get3A_304 = vector.shape_cast %get3A_303 : vector<1x1x1x1024xf32> to vector<1x1024xf32>
    %mul3A_305 = vector.broadcast %get3A_304 : vector<1x1024xf32> to vector<64x1024xf32>
    %mul3A_306 = vector.broadcast %get3A_298 : vector<64x1xf32> to vector<64x1024xf32>
    %mul3A_307 = arith.mulf %mul3A_305, %mul3A_306 : vector<64x1024xf32>
    %get3A_308 = arith.constant 0 : index
    %get3A_309 = arith.constant 0 : index
    %get3A_310 = arith.constant 0 : index
    %get3A_311 = vector.load %arg10[%get3A_308, %get3A_309, %get3A_310] : memref<22x64x1xf32, #tpu.memory_space<vmem>>, vector<1x64x1xf32>
    %get3A_312 = vector.shape_cast %get3A_311 : vector<1x64x1xf32> to vector<64x1xf32>
    %add3A_313 = vector.broadcast %get3A_312 : vector<64x1xf32> to vector<64x1024xf32>
    %add3A_314 = arith.addf %mul3A_307, %add3A_313 : vector<64x1024xf32>
    %swap3A_315 = arith.constant 0 : index
    %swap3A_316 = arith.constant 4 : index
    %swap3A_317 = arith.constant 0 : index
    %swap3A_318 = arith.constant 0 : index
    %swap3A_319 = vector.load %arg15[%swap3A_315, %swap3A_316, %swap3A_317, %swap3A_318] : memref<1x26x64x1024xf32, #tpu.memory_space<vmem>>, vector<1x1x64x1024xf32>
    %swap3A_320 = vector.shape_cast %swap3A_319 : vector<1x1x64x1024xf32> to vector<64x1024xf32>
    %swap3A_321 = vector.shape_cast %add3A_314 : vector<64x1024xf32> to vector<1x1x64x1024xf32>
    tpu.vector_store %arg15[%swap3A_315, %swap3A_316, %swap3A_317, %swap3A_318], %swap3A_321 {strides = array<i32>} : memref<1x26x64x1024xf32, #tpu.memory_space<vmem>>, vector<1x1x64x1024xf32>,
    %get3A_322 = arith.constant 5 : index
    %get3A_323 = arith.constant 0 : index
    %get3A_324 = arith.constant 0 : index
    %get3A_325 = arith.constant 0 : index
    %get3A_326 = vector.load %arg6[%get3A_322, %get3A_323, %get3A_324, %get3A_325] : memref<26x1x1x1024xf32, #tpu.memory_space<vmem>>, vector<1x1x1x1024xf32>
    %get3A_327 = vector.shape_cast %get3A_326 : vector<1x1x1x1024xf32> to vector<1x1024xf32>
    %mul3A_328 = vector.broadcast %get3A_327 : vector<1x1024xf32> to vector<64x1024xf32>
    %mul3A_329 = vector.broadcast %get3A_298 : vector<64x1xf32> to vector<64x1024xf32>
    %mul3A_330 = arith.mulf %mul3A_328, %mul3A_329 : vector<64x1024xf32>
    %get3A_331 = arith.constant 1 : index
    %get3A_332 = arith.constant 0 : index
    %get3A_333 = arith.constant 0 : index
    %get3A_334 = vector.load %arg10[%get3A_331, %get3A_332, %get3A_333] : memref<22x64x1xf32, #tpu.memory_space<vmem>>, vector<1x64x1xf32>
    %get3A_335 = vector.shape_cast %get3A_334 : vector<1x64x1xf32> to vector<64x1xf32>
    %add3A_336 = vector.broadcast %get3A_335 : vector<64x1xf32> to vector<64x1024xf32>
    %add3A_337 = arith.addf %mul3A_330, %add3A_336 : vector<64x1024xf32>
    %swap3A_338 = arith.constant 0 : index
    %swap3A_339 = arith.constant 5 : index
    %swap3A_340 = arith.constant 0 : index
    %swap3A_341 = arith.constant 0 : index
    %swap3A_342 = vector.load %arg15[%swap3A_338, %swap3A_339, %swap3A_340, %swap3A_341] : memref<1x26x64x1024xf32, #tpu.memory_space<vmem>>, vector<1x1x64x1024xf32>
    %swap3A_343 = vector.shape_cast %swap3A_342 : vector<1x1x64x1024xf32> to vector<64x1024xf32>
    %swap3A_344 = vector.shape_cast %add3A_337 : vector<64x1024xf32> to vector<1x1x64x1024xf32>
    tpu.vector_store %arg15[%swap3A_338, %swap3A_339, %swap3A_340, %swap3A_341], %swap3A_344 {strides = array<i32>} : memref<1x26x64x1024xf32, #tpu.memory_space<vmem>>, vector<1x1x64x1024xf32>,
    %get3A_345 = arith.constant 6 : index
    %get3A_346 = arith.constant 0 : index
    %get3A_347 = arith.constant 0 : index
    %get3A_348 = arith.constant 0 : index
    %get3A_349 = vector.load %arg6[%get3A_345, %get3A_346, %get3A_347, %get3A_348] : memref<26x1x1x1024xf32, #tpu.memory_space<vmem>>, vector<1x1x1x1024xf32>
    %get3A_350 = vector.shape_cast %get3A_349 : vector<1x1x1x1024xf32> to vector<1x1024xf32>
    %mul3A_351 = vector.broadcast %get3A_350 : vector<1x1024xf32> to vector<64x1024xf32>
    %mul3A_352 = vector.broadcast %get3A_298 : vector<64x1xf32> to vector<64x1024xf32>
    %mul3A_353 = arith.mulf %mul3A_351, %mul3A_352 : vector<64x1024xf32>
    %get3A_354 = arith.constant 2 : index
    %get3A_355 = arith.constant 0 : index
    %get3A_356 = arith.constant 0 : index
    %get3A_357 = vector.load %arg10[%get3A_354, %get3A_355, %get3A_356] : memref<22x64x1xf32, #tpu.memory_space<vmem>>, vector<1x64x1xf32>
    %get3A_358 = vector.shape_cast %get3A_357 : vector<1x64x1xf32> to vector<64x1xf32>
    %add3A_359 = vector.broadcast %get3A_358 : vector<64x1xf32> to vector<64x1024xf32>
    %add3A_360 = arith.addf %mul3A_353, %add3A_359 : vector<64x1024xf32>
    %swap3A_361 = arith.constant 0 : index
    %swap3A_362 = arith.constant 6 : index
    %swap3A_363 = arith.constant 0 : index
    %swap3A_364 = arith.constant 0 : index
    %swap3A_365 = vector.load %arg15[%swap3A_361, %swap3A_362, %swap3A_363, %swap3A_364] : memref<1x26x64x1024xf32, #tpu.memory_space<vmem>>, vector<1x1x64x1024xf32>
    %swap3A_366 = vector.shape_cast %swap3A_365 : vector<1x1x64x1024xf32> to vector<64x1024xf32>
    %swap3A_367 = vector.shape_cast %add3A_360 : vector<64x1024xf32> to vector<1x1x64x1024xf32>
    tpu.vector_store %arg15[%swap3A_361, %swap3A_362, %swap3A_363, %swap3A_364], %swap3A_367 {strides = array<i32>} : memref<1x26x64x1024xf32, #tpu.memory_space<vmem>>, vector<1x1x64x1024xf32>,
    %get3A_368 = arith.constant 7 : index
    %get3A_369 = arith.constant 0 : index
    %get3A_370 = arith.constant 0 : index
    %get3A_371 = arith.constant 0 : index
    %get3A_372 = vector.load %arg6[%get3A_368, %get3A_369, %get3A_370, %get3A_371] : memref<26x1x1x1024xf32, #tpu.memory_space<vmem>>, vector<1x1x1x1024xf32>
    %get3A_373 = vector.shape_cast %get3A_372 : vector<1x1x1x1024xf32> to vector<1x1024xf32>
    %mul3A_374 = vector.broadcast %get3A_373 : vector<1x1024xf32> to vector<64x1024xf32>
    %mul3A_375 = vector.broadcast %get3A_298 : vector<64x1xf32> to vector<64x1024xf32>
    %mul3A_376 = arith.mulf %mul3A_374, %mul3A_375 : vector<64x1024xf32>
    %get3A_377 = arith.constant 3 : index
    %get3A_378 = arith.constant 0 : index
    %get3A_379 = arith.constant 0 : index
    %get3A_380 = vector.load %arg10[%get3A_377, %get3A_378, %get3A_379] : memref<22x64x1xf32, #tpu.memory_space<vmem>>, vector<1x64x1xf32>
    %get3A_381 = vector.shape_cast %get3A_380 : vector<1x64x1xf32> to vector<64x1xf32>
    %add3A_382 = vector.broadcast %get3A_381 : vector<64x1xf32> to vector<64x1024xf32>
    %add3A_383 = arith.addf %mul3A_376, %add3A_382 : vector<64x1024xf32>
    %swap3A_384 = arith.constant 0 : index
    %swap3A_385 = arith.constant 7 : index
    %swap3A_386 = arith.constant 0 : index
    %swap3A_387 = arith.constant 0 : index
    %swap3A_388 = vector.load %arg15[%swap3A_384, %swap3A_385, %swap3A_386, %swap3A_387] : memref<1x26x64x1024xf32, #tpu.memory_space<vmem>>, vector<1x1x64x1024xf32>
    %swap3A_389 = vector.shape_cast %swap3A_388 : vector<1x1x64x1024xf32> to vector<64x1024xf32>
    %swap3A_390 = vector.shape_cast %add3A_383 : vector<64x1024xf32> to vector<1x1x64x1024xf32>
    tpu.vector_store %arg15[%swap3A_384, %swap3A_385, %swap3A_386, %swap3A_387], %swap3A_390 {strides = array<i32>} : memref<1x26x64x1024xf32, #tpu.memory_space<vmem>>, vector<1x1x64x1024xf32>,
    %get3A_391 = arith.constant 8 : index
    %get3A_392 = arith.constant 0 : index
    %get3A_393 = arith.constant 0 : index
    %get3A_394 = arith.constant 0 : index
    %get3A_395 = vector.load %arg6[%get3A_391, %get3A_392, %get3A_393, %get3A_394] : memref<26x1x1x1024xf32, #tpu.memory_space<vmem>>, vector<1x1x1x1024xf32>
    %get3A_396 = vector.shape_cast %get3A_395 : vector<1x1x1x1024xf32> to vector<1x1024xf32>
    %mul3A_397 = vector.broadcast %get3A_396 : vector<1x1024xf32> to vector<64x1024xf32>
    %mul3A_398 = vector.broadcast %get3A_298 : vector<64x1xf32> to vector<64x1024xf32>
    %mul3A_399 = arith.mulf %mul3A_397, %mul3A_398 : vector<64x1024xf32>
    %get3A_400 = arith.constant 4 : index
    %get3A_401 = arith.constant 0 : index
    %get3A_402 = arith.constant 0 : index
    %get3A_403 = vector.load %arg10[%get3A_400, %get3A_401, %get3A_402] : memref<22x64x1xf32, #tpu.memory_space<vmem>>, vector<1x64x1xf32>
    %get3A_404 = vector.shape_cast %get3A_403 : vector<1x64x1xf32> to vector<64x1xf32>
    %add3A_405 = vector.broadcast %get3A_404 : vector<64x1xf32> to vector<64x1024xf32>
    %add3A_406 = arith.addf %mul3A_399, %add3A_405 : vector<64x1024xf32>
    %swap3A_407 = arith.constant 0 : index
    %swap3A_408 = arith.constant 8 : index
    %swap3A_409 = arith.constant 0 : index
    %swap3A_410 = arith.constant 0 : index
    %swap3A_411 = vector.load %arg15[%swap3A_407, %swap3A_408, %swap3A_409, %swap3A_410] : memref<1x26x64x1024xf32, #tpu.memory_space<vmem>>, vector<1x1x64x1024xf32>
    %swap3A_412 = vector.shape_cast %swap3A_411 : vector<1x1x64x1024xf32> to vector<64x1024xf32>
    %swap3A_413 = vector.shape_cast %add3A_406 : vector<64x1024xf32> to vector<1x1x64x1024xf32>
    tpu.vector_store %arg15[%swap3A_407, %swap3A_408, %swap3A_409, %swap3A_410], %swap3A_413 {strides = array<i32>} : memref<1x26x64x1024xf32, #tpu.memory_space<vmem>>, vector<1x1x64x1024xf32>,
    %get3A_414 = arith.constant 9 : index
    %get3A_415 = arith.constant 0 : index
    %get3A_416 = arith.constant 0 : index
    %get3A_417 = arith.constant 0 : index
    %get3A_418 = vector.load %arg6[%get3A_414, %get3A_415, %get3A_416, %get3A_417] : memref<26x1x1x1024xf32, #tpu.memory_space<vmem>>, vector<1x1x1x1024xf32>
    %get3A_419 = vector.shape_cast %get3A_418 : vector<1x1x1x1024xf32> to vector<1x1024xf32>
    %mul3A_420 = vector.broadcast %get3A_419 : vector<1x1024xf32> to vector<64x1024xf32>
    %mul3A_421 = vector.broadcast %get3A_298 : vector<64x1xf32> to vector<64x1024xf32>
    %mul3A_422 = arith.mulf %mul3A_420, %mul3A_421 : vector<64x1024xf32>
    %get3A_423 = arith.constant 5 : index
    %get3A_424 = arith.constant 0 : index
    %get3A_425 = arith.constant 0 : index
    %get3A_426 = vector.load %arg10[%get3A_423, %get3A_424, %get3A_425] : memref<22x64x1xf32, #tpu.memory_space<vmem>>, vector<1x64x1xf32>
    %get3A_427 = vector.shape_cast %get3A_426 : vector<1x64x1xf32> to vector<64x1xf32>
    %add3A_428 = vector.broadcast %get3A_427 : vector<64x1xf32> to vector<64x1024xf32>
    %add3A_429 = arith.addf %mul3A_422, %add3A_428 : vector<64x1024xf32>
    %swap3A_430 = arith.constant 0 : index
    %swap3A_431 = arith.constant 9 : index
    %swap3A_432 = arith.constant 0 : index
    %swap3A_433 = arith.constant 0 : index
    %swap3A_434 = vector.load %arg15[%swap3A_430, %swap3A_431, %swap3A_432, %swap3A_433] : memref<1x26x64x1024xf32, #tpu.memory_space<vmem>>, vector<1x1x64x1024xf32>
    %swap3A_435 = vector.shape_cast %swap3A_434 : vector<1x1x64x1024xf32> to vector<64x1024xf32>
    %swap3A_436 = vector.shape_cast %add3A_429 : vector<64x1024xf32> to vector<1x1x64x1024xf32>
    tpu.vector_store %arg15[%swap3A_430, %swap3A_431, %swap3A_432, %swap3A_433], %swap3A_436 {strides = array<i32>} : memref<1x26x64x1024xf32, #tpu.memory_space<vmem>>, vector<1x1x64x1024xf32>,
    %get3A_437 = arith.constant 10 : index
    %get3A_438 = arith.constant 0 : index
    %get3A_439 = arith.constant 0 : index
    %get3A_440 = arith.constant 0 : index
    %get3A_441 = vector.load %arg6[%get3A_437, %get3A_438, %get3A_439, %get3A_440] : memref<26x1x1x1024xf32, #tpu.memory_space<vmem>>, vector<1x1x1x1024xf32>
    %get3A_442 = vector.shape_cast %get3A_441 : vector<1x1x1x1024xf32> to vector<1x1024xf32>
    %mul3A_443 = vector.broadcast %get3A_442 : vector<1x1024xf32> to vector<64x1024xf32>
    %mul3A_444 = vector.broadcast %get3A_298 : vector<64x1xf32> to vector<64x1024xf32>
    %mul3A_445 = arith.mulf %mul3A_443, %mul3A_444 : vector<64x1024xf32>
    %get3A_446 = arith.constant 6 : index
    %get3A_447 = arith.constant 0 : index
    %get3A_448 = arith.constant 0 : index
    %get3A_449 = vector.load %arg10[%get3A_446, %get3A_447, %get3A_448] : memref<22x64x1xf32, #tpu.memory_space<vmem>>, vector<1x64x1xf32>
    %get3A_450 = vector.shape_cast %get3A_449 : vector<1x64x1xf32> to vector<64x1xf32>
    %add3A_451 = vector.broadcast %get3A_450 : vector<64x1xf32> to vector<64x1024xf32>
    %add3A_452 = arith.addf %mul3A_445, %add3A_451 : vector<64x1024xf32>
    %swap3A_453 = arith.constant 0 : index
    %swap3A_454 = arith.constant 10 : index
    %swap3A_455 = arith.constant 0 : index
    %swap3A_456 = arith.constant 0 : index
    %swap3A_457 = vector.load %arg15[%swap3A_453, %swap3A_454, %swap3A_455, %swap3A_456] : memref<1x26x64x1024xf32, #tpu.memory_space<vmem>>, vector<1x1x64x1024xf32>
    %swap3A_458 = vector.shape_cast %swap3A_457 : vector<1x1x64x1024xf32> to vector<64x1024xf32>
    %swap3A_459 = vector.shape_cast %add3A_452 : vector<64x1024xf32> to vector<1x1x64x1024xf32>
    tpu.vector_store %arg15[%swap3A_453, %swap3A_454, %swap3A_455, %swap3A_456], %swap3A_459 {strides = array<i32>} : memref<1x26x64x1024xf32, #tpu.memory_space<vmem>>, vector<1x1x64x1024xf32>,
    %get3A_460 = arith.constant 11 : index
    %get3A_461 = arith.constant 0 : index
    %get3A_462 = arith.constant 0 : index
    %get3A_463 = arith.constant 0 : index
    %get3A_464 = vector.load %arg6[%get3A_460, %get3A_461, %get3A_462, %get3A_463] : memref<26x1x1x1024xf32, #tpu.memory_space<vmem>>, vector<1x1x1x1024xf32>
    %get3A_465 = vector.shape_cast %get3A_464 : vector<1x1x1x1024xf32> to vector<1x1024xf32>
    %mul3A_466 = vector.broadcast %get3A_465 : vector<1x1024xf32> to vector<64x1024xf32>
    %mul3A_467 = vector.broadcast %get3A_298 : vector<64x1xf32> to vector<64x1024xf32>
    %mul3A_468 = arith.mulf %mul3A_466, %mul3A_467 : vector<64x1024xf32>
    %get3A_469 = arith.constant 7 : index
    %get3A_470 = arith.constant 0 : index
    %get3A_471 = arith.constant 0 : index
    %get3A_472 = vector.load %arg10[%get3A_469, %get3A_470, %get3A_471] : memref<22x64x1xf32, #tpu.memory_space<vmem>>, vector<1x64x1xf32>
    %get3A_473 = vector.shape_cast %get3A_472 : vector<1x64x1xf32> to vector<64x1xf32>
    %add3A_474 = vector.broadcast %get3A_473 : vector<64x1xf32> to vector<64x1024xf32>
    %add3A_475 = arith.addf %mul3A_468, %add3A_474 : vector<64x1024xf32>
    %swap3A_476 = arith.constant 0 : index
    %swap3A_477 = arith.constant 11 : index
    %swap3A_478 = arith.constant 0 : index
    %swap3A_479 = arith.constant 0 : index
    %swap3A_480 = vector.load %arg15[%swap3A_476, %swap3A_477, %swap3A_478, %swap3A_479] : memref<1x26x64x1024xf32, #tpu.memory_space<vmem>>, vector<1x1x64x1024xf32>
    %swap3A_481 = vector.shape_cast %swap3A_480 : vector<1x1x64x1024xf32> to vector<64x1024xf32>
    %swap3A_482 = vector.shape_cast %add3A_475 : vector<64x1024xf32> to vector<1x1x64x1024xf32>
    tpu.vector_store %arg15[%swap3A_476, %swap3A_477, %swap3A_478, %swap3A_479], %swap3A_482 {strides = array<i32>} : memref<1x26x64x1024xf32, #tpu.memory_space<vmem>>, vector<1x1x64x1024xf32>,
    %get3A_483 = arith.constant 12 : index
    %get3A_484 = arith.constant 0 : index
    %get3A_485 = arith.constant 0 : index
    %get3A_486 = arith.constant 0 : index
    %get3A_487 = vector.load %arg6[%get3A_483, %get3A_484, %get3A_485, %get3A_486] : memref<26x1x1x1024xf32, #tpu.memory_space<vmem>>, vector<1x1x1x1024xf32>
    %get3A_488 = vector.shape_cast %get3A_487 : vector<1x1x1x1024xf32> to vector<1x1024xf32>
    %mul3A_489 = vector.broadcast %get3A_488 : vector<1x1024xf32> to vector<64x1024xf32>
    %mul3A_490 = vector.broadcast %get3A_298 : vector<64x1xf32> to vector<64x1024xf32>
    %mul3A_491 = arith.mulf %mul3A_489, %mul3A_490 : vector<64x1024xf32>
    %get3A_492 = arith.constant 8 : index
    %get3A_493 = arith.constant 0 : index
    %get3A_494 = arith.constant 0 : index
    %get3A_495 = vector.load %arg10[%get3A_492, %get3A_493, %get3A_494] : memref<22x64x1xf32, #tpu.memory_space<vmem>>, vector<1x64x1xf32>
    %get3A_496 = vector.shape_cast %get3A_495 : vector<1x64x1xf32> to vector<64x1xf32>
    %add3A_497 = vector.broadcast %get3A_496 : vector<64x1xf32> to vector<64x1024xf32>
    %add3A_498 = arith.addf %mul3A_491, %add3A_497 : vector<64x1024xf32>
    %swap3A_499 = arith.constant 0 : index
    %swap3A_500 = arith.constant 12 : index
    %swap3A_501 = arith.constant 0 : index
    %swap3A_502 = arith.constant 0 : index
    %swap3A_503 = vector.load %arg15[%swap3A_499, %swap3A_500, %swap3A_501, %swap3A_502] : memref<1x26x64x1024xf32, #tpu.memory_space<vmem>>, vector<1x1x64x1024xf32>
    %swap3A_504 = vector.shape_cast %swap3A_503 : vector<1x1x64x1024xf32> to vector<64x1024xf32>
    %swap3A_505 = vector.shape_cast %add3A_498 : vector<64x1024xf32> to vector<1x1x64x1024xf32>
    tpu.vector_store %arg15[%swap3A_499, %swap3A_500, %swap3A_501, %swap3A_502], %swap3A_505 {strides = array<i32>} : memref<1x26x64x1024xf32, #tpu.memory_space<vmem>>, vector<1x1x64x1024xf32>,
    %get3A_506 = arith.constant 13 : index
    %get3A_507 = arith.constant 0 : index
    %get3A_508 = arith.constant 0 : index
    %get3A_509 = arith.constant 0 : index
    %get3A_510 = vector.load %arg6[%get3A_506, %get3A_507, %get3A_508, %get3A_509] : memref<26x1x1x1024xf32, #tpu.memory_space<vmem>>, vector<1x1x1x1024xf32>
    %get3A_511 = vector.shape_cast %get3A_510 : vector<1x1x1x1024xf32> to vector<1x1024xf32>
    %mul3A_512 = vector.broadcast %get3A_511 : vector<1x1024xf32> to vector<64x1024xf32>
    %mul3A_513 = vector.broadcast %get3A_298 : vector<64x1xf32> to vector<64x1024xf32>
    %mul3A_514 = arith.mulf %mul3A_512, %mul3A_513 : vector<64x1024xf32>
    %get3A_515 = arith.constant 9 : index
    %get3A_516 = arith.constant 0 : index
    %get3A_517 = arith.constant 0 : index
    %get3A_518 = vector.load %arg10[%get3A_515, %get3A_516, %get3A_517] : memref<22x64x1xf32, #tpu.memory_space<vmem>>, vector<1x64x1xf32>
    %get3A_519 = vector.shape_cast %get3A_518 : vector<1x64x1xf32> to vector<64x1xf32>
    %add3A_520 = vector.broadcast %get3A_519 : vector<64x1xf32> to vector<64x1024xf32>
    %add3A_521 = arith.addf %mul3A_514, %add3A_520 : vector<64x1024xf32>
    %swap3A_522 = arith.constant 0 : index
    %swap3A_523 = arith.constant 13 : index
    %swap3A_524 = arith.constant 0 : index
    %swap3A_525 = arith.constant 0 : index
    %swap3A_526 = vector.load %arg15[%swap3A_522, %swap3A_523, %swap3A_524, %swap3A_525] : memref<1x26x64x1024xf32, #tpu.memory_space<vmem>>, vector<1x1x64x1024xf32>
    %swap3A_527 = vector.shape_cast %swap3A_526 : vector<1x1x64x1024xf32> to vector<64x1024xf32>
    %swap3A_528 = vector.shape_cast %add3A_521 : vector<64x1024xf32> to vector<1x1x64x1024xf32>
    tpu.vector_store %arg15[%swap3A_522, %swap3A_523, %swap3A_524, %swap3A_525], %swap3A_528 {strides = array<i32>} : memref<1x26x64x1024xf32, #tpu.memory_space<vmem>>, vector<1x1x64x1024xf32>,
    %get3A_529 = arith.constant 14 : index
    %get3A_530 = arith.constant 0 : index
    %get3A_531 = arith.constant 0 : index
    %get3A_532 = arith.constant 0 : index
    %get3A_533 = vector.load %arg6[%get3A_529, %get3A_530, %get3A_531, %get3A_532] : memref<26x1x1x1024xf32, #tpu.memory_space<vmem>>, vector<1x1x1x1024xf32>
    %get3A_534 = vector.shape_cast %get3A_533 : vector<1x1x1x1024xf32> to vector<1x1024xf32>
    %mul3A_535 = vector.broadcast %get3A_534 : vector<1x1024xf32> to vector<64x1024xf32>
    %mul3A_536 = vector.broadcast %get3A_298 : vector<64x1xf32> to vector<64x1024xf32>
    %mul3A_537 = arith.mulf %mul3A_535, %mul3A_536 : vector<64x1024xf32>
    %get3A_538 = arith.constant 10 : index
    %get3A_539 = arith.constant 0 : index
    %get3A_540 = arith.constant 0 : index
    %get3A_541 = vector.load %arg10[%get3A_538, %get3A_539, %get3A_540] : memref<22x64x1xf32, #tpu.memory_space<vmem>>, vector<1x64x1xf32>
    %get3A_542 = vector.shape_cast %get3A_541 : vector<1x64x1xf32> to vector<64x1xf32>
    %add3A_543 = vector.broadcast %get3A_542 : vector<64x1xf32> to vector<64x1024xf32>
    %add3A_544 = arith.addf %mul3A_537, %add3A_543 : vector<64x1024xf32>
    %swap3A_545 = arith.constant 0 : index
    %swap3A_546 = arith.constant 14 : index
    %swap3A_547 = arith.constant 0 : index
    %swap3A_548 = arith.constant 0 : index
    %swap3A_549 = vector.load %arg15[%swap3A_545, %swap3A_546, %swap3A_547, %swap3A_548] : memref<1x26x64x1024xf32, #tpu.memory_space<vmem>>, vector<1x1x64x1024xf32>
    %swap3A_550 = vector.shape_cast %swap3A_549 : vector<1x1x64x1024xf32> to vector<64x1024xf32>
    %swap3A_551 = vector.shape_cast %add3A_544 : vector<64x1024xf32> to vector<1x1x64x1024xf32>
    tpu.vector_store %arg15[%swap3A_545, %swap3A_546, %swap3A_547, %swap3A_548], %swap3A_551 {strides = array<i32>} : memref<1x26x64x1024xf32, #tpu.memory_space<vmem>>, vector<1x1x64x1024xf32>,
    %get3A_552 = arith.constant 15 : index
    %get3A_553 = arith.constant 0 : index
    %get3A_554 = arith.constant 0 : index
    %get3A_555 = arith.constant 0 : index
    %get3A_556 = vector.load %arg6[%get3A_552, %get3A_553, %get3A_554, %get3A_555] : memref<26x1x1x1024xf32, #tpu.memory_space<vmem>>, vector<1x1x1x1024xf32>
    %get3A_557 = vector.shape_cast %get3A_556 : vector<1x1x1x1024xf32> to vector<1x1024xf32>
    %mul3A_558 = vector.broadcast %get3A_557 : vector<1x1024xf32> to vector<64x1024xf32>
    %mul3A_559 = vector.broadcast %get3A_298 : vector<64x1xf32> to vector<64x1024xf32>
    %mul3A_560 = arith.mulf %mul3A_558, %mul3A_559 : vector<64x1024xf32>
    %get3A_561 = arith.constant 11 : index
    %get3A_562 = arith.constant 0 : index
    %get3A_563 = arith.constant 0 : index
    %get3A_564 = vector.load %arg10[%get3A_561, %get3A_562, %get3A_563] : memref<22x64x1xf32, #tpu.memory_space<vmem>>, vector<1x64x1xf32>
    %get3A_565 = vector.shape_cast %get3A_564 : vector<1x64x1xf32> to vector<64x1xf32>
    %add3A_566 = vector.broadcast %get3A_565 : vector<64x1xf32> to vector<64x1024xf32>
    %add3A_567 = arith.addf %mul3A_560, %add3A_566 : vector<64x1024xf32>
    %swap3A_568 = arith.constant 0 : index
    %swap3A_569 = arith.constant 15 : index
    %swap3A_570 = arith.constant 0 : index
    %swap3A_571 = arith.constant 0 : index
    %swap3A_572 = vector.load %arg15[%swap3A_568, %swap3A_569, %swap3A_570, %swap3A_571] : memref<1x26x64x1024xf32, #tpu.memory_space<vmem>>, vector<1x1x64x1024xf32>
    %swap3A_573 = vector.shape_cast %swap3A_572 : vector<1x1x64x1024xf32> to vector<64x1024xf32>
    %swap3A_574 = vector.shape_cast %add3A_567 : vector<64x1024xf32> to vector<1x1x64x1024xf32>
    tpu.vector_store %arg15[%swap3A_568, %swap3A_569, %swap3A_570, %swap3A_571], %swap3A_574 {strides = array<i32>} : memref<1x26x64x1024xf32, #tpu.memory_space<vmem>>, vector<1x1x64x1024xf32>,
    %get3A_575 = arith.constant 16 : index
    %get3A_576 = arith.constant 0 : index
    %get3A_577 = arith.constant 0 : index
    %get3A_578 = arith.constant 0 : index
    %get3A_579 = vector.load %arg6[%get3A_575, %get3A_576, %get3A_577, %get3A_578] : memref<26x1x1x1024xf32, #tpu.memory_space<vmem>>, vector<1x1x1x1024xf32>
    %get3A_580 = vector.shape_cast %get3A_579 : vector<1x1x1x1024xf32> to vector<1x1024xf32>
    %mul3A_581 = vector.broadcast %get3A_580 : vector<1x1024xf32> to vector<64x1024xf32>
    %mul3A_582 = vector.broadcast %get3A_298 : vector<64x1xf32> to vector<64x1024xf32>
    %mul3A_583 = arith.mulf %mul3A_581, %mul3A_582 : vector<64x1024xf32>
    %get3A_584 = arith.constant 12 : index
    %get3A_585 = arith.constant 0 : index
    %get3A_586 = arith.constant 0 : index
    %get3A_587 = vector.load %arg10[%get3A_584, %get3A_585, %get3A_586] : memref<22x64x1xf32, #tpu.memory_space<vmem>>, vector<1x64x1xf32>
    %get3A_588 = vector.shape_cast %get3A_587 : vector<1x64x1xf32> to vector<64x1xf32>
    %add3A_589 = vector.broadcast %get3A_588 : vector<64x1xf32> to vector<64x1024xf32>
    %add3A_590 = arith.addf %mul3A_583, %add3A_589 : vector<64x1024xf32>
    %swap3A_591 = arith.constant 0 : index
    %swap3A_592 = arith.constant 16 : index
    %swap3A_593 = arith.constant 0 : index
    %swap3A_594 = arith.constant 0 : index
    %swap3A_595 = vector.load %arg15[%swap3A_591, %swap3A_592, %swap3A_593, %swap3A_594] : memref<1x26x64x1024xf32, #tpu.memory_space<vmem>>, vector<1x1x64x1024xf32>
    %swap3A_596 = vector.shape_cast %swap3A_595 : vector<1x1x64x1024xf32> to vector<64x1024xf32>
    %swap3A_597 = vector.shape_cast %add3A_590 : vector<64x1024xf32> to vector<1x1x64x1024xf32>
    tpu.vector_store %arg15[%swap3A_591, %swap3A_592, %swap3A_593, %swap3A_594], %swap3A_597 {strides = array<i32>} : memref<1x26x64x1024xf32, #tpu.memory_space<vmem>>, vector<1x1x64x1024xf32>,
    %get3A_598 = arith.constant 17 : index
    %get3A_599 = arith.constant 0 : index
    %get3A_600 = arith.constant 0 : index
    %get3A_601 = arith.constant 0 : index
    %get3A_602 = vector.load %arg6[%get3A_598, %get3A_599, %get3A_600, %get3A_601] : memref<26x1x1x1024xf32, #tpu.memory_space<vmem>>, vector<1x1x1x1024xf32>
    %get3A_603 = vector.shape_cast %get3A_602 : vector<1x1x1x1024xf32> to vector<1x1024xf32>
    %mul3A_604 = vector.broadcast %get3A_603 : vector<1x1024xf32> to vector<64x1024xf32>
    %mul3A_605 = vector.broadcast %get3A_298 : vector<64x1xf32> to vector<64x1024xf32>
    %mul3A_606 = arith.mulf %mul3A_604, %mul3A_605 : vector<64x1024xf32>
    %get3A_607 = arith.constant 13 : index
    %get3A_608 = arith.constant 0 : index
    %get3A_609 = arith.constant 0 : index
    %get3A_610 = vector.load %arg10[%get3A_607, %get3A_608, %get3A_609] : memref<22x64x1xf32, #tpu.memory_space<vmem>>, vector<1x64x1xf32>
    %get3A_611 = vector.shape_cast %get3A_610 : vector<1x64x1xf32> to vector<64x1xf32>
    %add3A_612 = vector.broadcast %get3A_611 : vector<64x1xf32> to vector<64x1024xf32>
    %add3A_613 = arith.addf %mul3A_606, %add3A_612 : vector<64x1024xf32>
    %swap3A_614 = arith.constant 0 : index
    %swap3A_615 = arith.constant 17 : index
    %swap3A_616 = arith.constant 0 : index
    %swap3A_617 = arith.constant 0 : index
    %swap3A_618 = vector.load %arg15[%swap3A_614, %swap3A_615, %swap3A_616, %swap3A_617] : memref<1x26x64x1024xf32, #tpu.memory_space<vmem>>, vector<1x1x64x1024xf32>
    %swap3A_619 = vector.shape_cast %swap3A_618 : vector<1x1x64x1024xf32> to vector<64x1024xf32>
    %swap3A_620 = vector.shape_cast %add3A_613 : vector<64x1024xf32> to vector<1x1x64x1024xf32>
    tpu.vector_store %arg15[%swap3A_614, %swap3A_615, %swap3A_616, %swap3A_617], %swap3A_620 {strides = array<i32>} : memref<1x26x64x1024xf32, #tpu.memory_space<vmem>>, vector<1x1x64x1024xf32>,
    %get3A_621 = arith.constant 18 : index
    %get3A_622 = arith.constant 0 : index
    %get3A_623 = arith.constant 0 : index
    %get3A_624 = arith.constant 0 : index
    %get3A_625 = vector.load %arg6[%get3A_621, %get3A_622, %get3A_623, %get3A_624] : memref<26x1x1x1024xf32, #tpu.memory_space<vmem>>, vector<1x1x1x1024xf32>
    %get3A_626 = vector.shape_cast %get3A_625 : vector<1x1x1x1024xf32> to vector<1x1024xf32>
    %mul3A_627 = vector.broadcast %get3A_626 : vector<1x1024xf32> to vector<64x1024xf32>
    %mul3A_628 = vector.broadcast %get3A_298 : vector<64x1xf32> to vector<64x1024xf32>
    %mul3A_629 = arith.mulf %mul3A_627, %mul3A_628 : vector<64x1024xf32>
    %get3A_630 = arith.constant 14 : index
    %get3A_631 = arith.constant 0 : index
    %get3A_632 = arith.constant 0 : index
    %get3A_633 = vector.load %arg10[%get3A_630, %get3A_631, %get3A_632] : memref<22x64x1xf32, #tpu.memory_space<vmem>>, vector<1x64x1xf32>
    %get3A_634 = vector.shape_cast %get3A_633 : vector<1x64x1xf32> to vector<64x1xf32>
    %add3A_635 = vector.broadcast %get3A_634 : vector<64x1xf32> to vector<64x1024xf32>
    %add3A_636 = arith.addf %mul3A_629, %add3A_635 : vector<64x1024xf32>
    %swap3A_637 = arith.constant 0 : index
    %swap3A_638 = arith.constant 18 : index
    %swap3A_639 = arith.constant 0 : index
    %swap3A_640 = arith.constant 0 : index
    %swap3A_641 = vector.load %arg15[%swap3A_637, %swap3A_638, %swap3A_639, %swap3A_640] : memref<1x26x64x1024xf32, #tpu.memory_space<vmem>>, vector<1x1x64x1024xf32>
    %swap3A_642 = vector.shape_cast %swap3A_641 : vector<1x1x64x1024xf32> to vector<64x1024xf32>
    %swap3A_643 = vector.shape_cast %add3A_636 : vector<64x1024xf32> to vector<1x1x64x1024xf32>
    tpu.vector_store %arg15[%swap3A_637, %swap3A_638, %swap3A_639, %swap3A_640], %swap3A_643 {strides = array<i32>} : memref<1x26x64x1024xf32, #tpu.memory_space<vmem>>, vector<1x1x64x1024xf32>,
    %get3A_644 = arith.constant 19 : index
    %get3A_645 = arith.constant 0 : index
    %get3A_646 = arith.constant 0 : index
    %get3A_647 = arith.constant 0 : index
    %get3A_648 = vector.load %arg6[%get3A_644, %get3A_645, %get3A_646, %get3A_647] : memref<26x1x1x1024xf32, #tpu.memory_space<vmem>>, vector<1x1x1x1024xf32>
    %get3A_649 = vector.shape_cast %get3A_648 : vector<1x1x1x1024xf32> to vector<1x1024xf32>
    %mul3A_650 = vector.broadcast %get3A_649 : vector<1x1024xf32> to vector<64x1024xf32>
    %mul3A_651 = vector.broadcast %get3A_298 : vector<64x1xf32> to vector<64x1024xf32>
    %mul3A_652 = arith.mulf %mul3A_650, %mul3A_651 : vector<64x1024xf32>
    %get3A_653 = arith.constant 15 : index
    %get3A_654 = arith.constant 0 : index
    %get3A_655 = arith.constant 0 : index
    %get3A_656 = vector.load %arg10[%get3A_653, %get3A_654, %get3A_655] : memref<22x64x1xf32, #tpu.memory_space<vmem>>, vector<1x64x1xf32>
    %get3A_657 = vector.shape_cast %get3A_656 : vector<1x64x1xf32> to vector<64x1xf32>
    %add3A_658 = vector.broadcast %get3A_657 : vector<64x1xf32> to vector<64x1024xf32>
    %add3A_659 = arith.addf %mul3A_652, %add3A_658 : vector<64x1024xf32>
    %swap3A_660 = arith.constant 0 : index
    %swap3A_661 = arith.constant 19 : index
    %swap3A_662 = arith.constant 0 : index
    %swap3A_663 = arith.constant 0 : index
    %swap3A_664 = vector.load %arg15[%swap3A_660, %swap3A_661, %swap3A_662, %swap3A_663] : memref<1x26x64x1024xf32, #tpu.memory_space<vmem>>, vector<1x1x64x1024xf32>
    %swap3A_665 = vector.shape_cast %swap3A_664 : vector<1x1x64x1024xf32> to vector<64x1024xf32>
    %swap3A_666 = vector.shape_cast %add3A_659 : vector<64x1024xf32> to vector<1x1x64x1024xf32>
    tpu.vector_store %arg15[%swap3A_660, %swap3A_661, %swap3A_662, %swap3A_663], %swap3A_666 {strides = array<i32>} : memref<1x26x64x1024xf32, #tpu.memory_space<vmem>>, vector<1x1x64x1024xf32>,
    %get3A_667 = arith.constant 20 : index
    %get3A_668 = arith.constant 0 : index
    %get3A_669 = arith.constant 0 : index
    %get3A_670 = arith.constant 0 : index
    %get3A_671 = vector.load %arg6[%get3A_667, %get3A_668, %get3A_669, %get3A_670] : memref<26x1x1x1024xf32, #tpu.memory_space<vmem>>, vector<1x1x1x1024xf32>
    %get3A_672 = vector.shape_cast %get3A_671 : vector<1x1x1x1024xf32> to vector<1x1024xf32>
    %mul3A_673 = vector.broadcast %get3A_672 : vector<1x1024xf32> to vector<64x1024xf32>
    %mul3A_674 = vector.broadcast %get3A_298 : vector<64x1xf32> to vector<64x1024xf32>
    %mul3A_675 = arith.mulf %mul3A_673, %mul3A_674 : vector<64x1024xf32>
    %get3A_676 = arith.constant 16 : index
    %get3A_677 = arith.constant 0 : index
    %get3A_678 = arith.constant 0 : index
    %get3A_679 = vector.load %arg10[%get3A_676, %get3A_677, %get3A_678] : memref<22x64x1xf32, #tpu.memory_space<vmem>>, vector<1x64x1xf32>
    %get3A_680 = vector.shape_cast %get3A_679 : vector<1x64x1xf32> to vector<64x1xf32>
    %add3A_681 = vector.broadcast %get3A_680 : vector<64x1xf32> to vector<64x1024xf32>
    %add3A_682 = arith.addf %mul3A_675, %add3A_681 : vector<64x1024xf32>
    %swap3A_683 = arith.constant 0 : index
    %swap3A_684 = arith.constant 20 : index
    %swap3A_685 = arith.constant 0 : index
    %swap3A_686 = arith.constant 0 : index
    %swap3A_687 = vector.load %arg15[%swap3A_683, %swap3A_684, %swap3A_685, %swap3A_686] : memref<1x26x64x1024xf32, #tpu.memory_space<vmem>>, vector<1x1x64x1024xf32>
    %swap3A_688 = vector.shape_cast %swap3A_687 : vector<1x1x64x1024xf32> to vector<64x1024xf32>
    %swap3A_689 = vector.shape_cast %add3A_682 : vector<64x1024xf32> to vector<1x1x64x1024xf32>
    tpu.vector_store %arg15[%swap3A_683, %swap3A_684, %swap3A_685, %swap3A_686], %swap3A_689 {strides = array<i32>} : memref<1x26x64x1024xf32, #tpu.memory_space<vmem>>, vector<1x1x64x1024xf32>,
    %get3A_690 = arith.constant 21 : index
    %get3A_691 = arith.constant 0 : index
    %get3A_692 = arith.constant 0 : index
    %get3A_693 = arith.constant 0 : index
    %get3A_694 = vector.load %arg6[%get3A_690, %get3A_691, %get3A_692, %get3A_693] : memref<26x1x1x1024xf32, #tpu.memory_space<vmem>>, vector<1x1x1x1024xf32>
    %get3A_695 = vector.shape_cast %get3A_694 : vector<1x1x1x1024xf32> to vector<1x1024xf32>
    %mul3A_696 = vector.broadcast %get3A_695 : vector<1x1024xf32> to vector<64x1024xf32>
    %mul3A_697 = vector.broadcast %get3A_298 : vector<64x1xf32> to vector<64x1024xf32>
    %mul3A_698 = arith.mulf %mul3A_696, %mul3A_697 : vector<64x1024xf32>
    %get3A_699 = arith.constant 17 : index
    %get3A_700 = arith.constant 0 : index
    %get3A_701 = arith.constant 0 : index
    %get3A_702 = vector.load %arg10[%get3A_699, %get3A_700, %get3A_701] : memref<22x64x1xf32, #tpu.memory_space<vmem>>, vector<1x64x1xf32>
    %get3A_703 = vector.shape_cast %get3A_702 : vector<1x64x1xf32> to vector<64x1xf32>
    %add3A_704 = vector.broadcast %get3A_703 : vector<64x1xf32> to vector<64x1024xf32>
    %add3A_705 = arith.addf %mul3A_698, %add3A_704 : vector<64x1024xf32>
    %swap3A_706 = arith.constant 0 : index
    %swap3A_707 = arith.constant 21 : index
    %swap3A_708 = arith.constant 0 : index
    %swap3A_709 = arith.constant 0 : index
    %swap3A_710 = vector.load %arg15[%swap3A_706, %swap3A_707, %swap3A_708, %swap3A_709] : memref<1x26x64x1024xf32, #tpu.memory_space<vmem>>, vector<1x1x64x1024xf32>
    %swap3A_711 = vector.shape_cast %swap3A_710 : vector<1x1x64x1024xf32> to vector<64x1024xf32>
    %swap3A_712 = vector.shape_cast %add3A_705 : vector<64x1024xf32> to vector<1x1x64x1024xf32>
    tpu.vector_store %arg15[%swap3A_706, %swap3A_707, %swap3A_708, %swap3A_709], %swap3A_712 {strides = array<i32>} : memref<1x26x64x1024xf32, #tpu.memory_space<vmem>>, vector<1x1x64x1024xf32>,
    %get3A_713 = arith.constant 22 : index
    %get3A_714 = arith.constant 0 : index
    %get3A_715 = arith.constant 0 : index
    %get3A_716 = arith.constant 0 : index
    %get3A_717 = vector.load %arg6[%get3A_713, %get3A_714, %get3A_715, %get3A_716] : memref<26x1x1x1024xf32, #tpu.memory_space<vmem>>, vector<1x1x1x1024xf32>
    %get3A_718 = vector.shape_cast %get3A_717 : vector<1x1x1x1024xf32> to vector<1x1024xf32>
    %mul3A_719 = vector.broadcast %get3A_718 : vector<1x1024xf32> to vector<64x1024xf32>
    %mul3A_720 = vector.broadcast %get3A_298 : vector<64x1xf32> to vector<64x1024xf32>
    %mul3A_721 = arith.mulf %mul3A_719, %mul3A_720 : vector<64x1024xf32>
    %get3A_722 = arith.constant 18 : index
    %get3A_723 = arith.constant 0 : index
    %get3A_724 = arith.constant 0 : index
    %get3A_725 = vector.load %arg10[%get3A_722, %get3A_723, %get3A_724] : memref<22x64x1xf32, #tpu.memory_space<vmem>>, vector<1x64x1xf32>
    %get3A_726 = vector.shape_cast %get3A_725 : vector<1x64x1xf32> to vector<64x1xf32>
    %add3A_727 = vector.broadcast %get3A_726 : vector<64x1xf32> to vector<64x1024xf32>
    %add3A_728 = arith.addf %mul3A_721, %add3A_727 : vector<64x1024xf32>
    %swap3A_729 = arith.constant 0 : index
    %swap3A_730 = arith.constant 22 : index
    %swap3A_731 = arith.constant 0 : index
    %swap3A_732 = arith.constant 0 : index
    %swap3A_733 = vector.load %arg15[%swap3A_729, %swap3A_730, %swap3A_731, %swap3A_732] : memref<1x26x64x1024xf32, #tpu.memory_space<vmem>>, vector<1x1x64x1024xf32>
    %swap3A_734 = vector.shape_cast %swap3A_733 : vector<1x1x64x1024xf32> to vector<64x1024xf32>
    %swap3A_735 = vector.shape_cast %add3A_728 : vector<64x1024xf32> to vector<1x1x64x1024xf32>
    tpu.vector_store %arg15[%swap3A_729, %swap3A_730, %swap3A_731, %swap3A_732], %swap3A_735 {strides = array<i32>} : memref<1x26x64x1024xf32, #tpu.memory_space<vmem>>, vector<1x1x64x1024xf32>,
    %get3A_736 = arith.constant 23 : index
    %get3A_737 = arith.constant 0 : index
    %get3A_738 = arith.constant 0 : index
    %get3A_739 = arith.constant 0 : index
    %get3A_740 = vector.load %arg6[%get3A_736, %get3A_737, %get3A_738, %get3A_739] : memref<26x1x1x1024xf32, #tpu.memory_space<vmem>>, vector<1x1x1x1024xf32>
    %get3A_741 = vector.shape_cast %get3A_740 : vector<1x1x1x1024xf32> to vector<1x1024xf32>
    %mul3A_742 = vector.broadcast %get3A_741 : vector<1x1024xf32> to vector<64x1024xf32>
    %mul3A_743 = vector.broadcast %get3A_298 : vector<64x1xf32> to vector<64x1024xf32>
    %mul3A_744 = arith.mulf %mul3A_742, %mul3A_743 : vector<64x1024xf32>
    %get3A_745 = arith.constant 19 : index
    %get3A_746 = arith.constant 0 : index
    %get3A_747 = arith.constant 0 : index
    %get3A_748 = vector.load %arg10[%get3A_745, %get3A_746, %get3A_747] : memref<22x64x1xf32, #tpu.memory_space<vmem>>, vector<1x64x1xf32>
    %get3A_749 = vector.shape_cast %get3A_748 : vector<1x64x1xf32> to vector<64x1xf32>
    %add3A_750 = vector.broadcast %get3A_749 : vector<64x1xf32> to vector<64x1024xf32>
    %add3A_751 = arith.addf %mul3A_744, %add3A_750 : vector<64x1024xf32>
    %swap3A_752 = arith.constant 0 : index
    %swap3A_753 = arith.constant 23 : index
    %swap3A_754 = arith.constant 0 : index
    %swap3A_755 = arith.constant 0 : index
    %swap3A_756 = vector.load %arg15[%swap3A_752, %swap3A_753, %swap3A_754, %swap3A_755] : memref<1x26x64x1024xf32, #tpu.memory_space<vmem>>, vector<1x1x64x1024xf32>
    %swap3A_757 = vector.shape_cast %swap3A_756 : vector<1x1x64x1024xf32> to vector<64x1024xf32>
    %swap3A_758 = vector.shape_cast %add3A_751 : vector<64x1024xf32> to vector<1x1x64x1024xf32>
    tpu.vector_store %arg15[%swap3A_752, %swap3A_753, %swap3A_754, %swap3A_755], %swap3A_758 {strides = array<i32>} : memref<1x26x64x1024xf32, #tpu.memory_space<vmem>>, vector<1x1x64x1024xf32>,
    %get3A_759 = arith.constant 24 : index
    %get3A_760 = arith.constant 0 : index
    %get3A_761 = arith.constant 0 : index
    %get3A_762 = arith.constant 0 : index
    %get3A_763 = vector.load %arg6[%get3A_759, %get3A_760, %get3A_761, %get3A_762] : memref<26x1x1x1024xf32, #tpu.memory_space<vmem>>, vector<1x1x1x1024xf32>
    %get3A_764 = vector.shape_cast %get3A_763 : vector<1x1x1x1024xf32> to vector<1x1024xf32>
    %mul3A_765 = vector.broadcast %get3A_764 : vector<1x1024xf32> to vector<64x1024xf32>
    %mul3A_766 = vector.broadcast %get3A_298 : vector<64x1xf32> to vector<64x1024xf32>
    %mul3A_767 = arith.mulf %mul3A_765, %mul3A_766 : vector<64x1024xf32>
    %get3A_768 = arith.constant 20 : index
    %get3A_769 = arith.constant 0 : index
    %get3A_770 = arith.constant 0 : index
    %get3A_771 = vector.load %arg10[%get3A_768, %get3A_769, %get3A_770] : memref<22x64x1xf32, #tpu.memory_space<vmem>>, vector<1x64x1xf32>
    %get3A_772 = vector.shape_cast %get3A_771 : vector<1x64x1xf32> to vector<64x1xf32>
    %add3A_773 = vector.broadcast %get3A_772 : vector<64x1xf32> to vector<64x1024xf32>
    %add3A_774 = arith.addf %mul3A_767, %add3A_773 : vector<64x1024xf32>
    %swap3A_775 = arith.constant 0 : index
    %swap3A_776 = arith.constant 24 : index
    %swap3A_777 = arith.constant 0 : index
    %swap3A_778 = arith.constant 0 : index
    %swap3A_779 = vector.load %arg15[%swap3A_775, %swap3A_776, %swap3A_777, %swap3A_778] : memref<1x26x64x1024xf32, #tpu.memory_space<vmem>>, vector<1x1x64x1024xf32>
    %swap3A_780 = vector.shape_cast %swap3A_779 : vector<1x1x64x1024xf32> to vector<64x1024xf32>
    %swap3A_781 = vector.shape_cast %add3A_774 : vector<64x1024xf32> to vector<1x1x64x1024xf32>
    tpu.vector_store %arg15[%swap3A_775, %swap3A_776, %swap3A_777, %swap3A_778], %swap3A_781 {strides = array<i32>} : memref<1x26x64x1024xf32, #tpu.memory_space<vmem>>, vector<1x1x64x1024xf32>,
    %get3A_782 = arith.constant 25 : index
    %get3A_783 = arith.constant 0 : index
    %get3A_784 = arith.constant 0 : index
    %get3A_785 = arith.constant 0 : index
    %get3A_786 = vector.load %arg6[%get3A_782, %get3A_783, %get3A_784, %get3A_785] : memref<26x1x1x1024xf32, #tpu.memory_space<vmem>>, vector<1x1x1x1024xf32>
    %get3A_787 = vector.shape_cast %get3A_786 : vector<1x1x1x1024xf32> to vector<1x1024xf32>
    %mul3A_788 = vector.broadcast %get3A_787 : vector<1x1024xf32> to vector<64x1024xf32>
    %mul3A_789 = vector.broadcast %get3A_298 : vector<64x1xf32> to vector<64x1024xf32>
    %mul3A_790 = arith.mulf %mul3A_788, %mul3A_789 : vector<64x1024xf32>
    %get3A_791 = arith.constant 21 : index
    %get3A_792 = arith.constant 0 : index
    %get3A_793 = arith.constant 0 : index
    %get3A_794 = vector.load %arg10[%get3A_791, %get3A_792, %get3A_793] : memref<22x64x1xf32, #tpu.memory_space<vmem>>, vector<1x64x1xf32>
    %get3A_795 = vector.shape_cast %get3A_794 : vector<1x64x1xf32> to vector<64x1xf32>
    %add3A_796 = vector.broadcast %get3A_795 : vector<64x1xf32> to vector<64x1024xf32>
    %add3A_797 = arith.addf %mul3A_790, %add3A_796 : vector<64x1024xf32>
    %swap3A_798 = arith.constant 0 : index
    %swap3A_799 = arith.constant 25 : index
    %swap3A_800 = arith.constant 0 : index
    %swap3A_801 = arith.constant 0 : index
    %swap3A_802 = vector.load %arg15[%swap3A_798, %swap3A_799, %swap3A_800, %swap3A_801] : memref<1x26x64x1024xf32, #tpu.memory_space<vmem>>, vector<1x1x64x1024xf32>
    %swap3A_803 = vector.shape_cast %swap3A_802 : vector<1x1x64x1024xf32> to vector<64x1024xf32>
    %swap3A_804 = vector.shape_cast %add3A_797 : vector<64x1024xf32> to vector<1x1x64x1024xf32>
    tpu.vector_store %arg15[%swap3A_798, %swap3A_799, %swap3A_800, %swap3A_801], %swap3A_804 {strides = array<i32>} : memref<1x26x64x1024xf32, #tpu.memory_space<vmem>>, vector<1x1x64x1024xf32>,
    %eq3A = arith.constant 0 : i32
    %eq3A_805 = arith.cmpi eq, %arg1, %eq3A : i32
    %convert_element_type3A = arith.extui %eq3A_805 : i1 to i32
    %cond3A = arith.constant 0 : i32
    %cond3A_806 = arith.cmpi ne, %convert_element_type3A, %cond3A : i32
    scf.if %cond3A_806 {
      %get3A_829 = arith.constant 0 : index
      %get3A_830 = arith.constant 0 : index
      %get3A_831 = vector.load %arg3[%get3A_829, %get3A_830] : memref<1024x512xf32, #tpu.memory_space<vmem>>, vector<1024x512xf32>
      %transpose3A_832 = tpu.transpose %get3A_831, [1, 0] : vector<1024x512xf32> -> vector<512x1024xf32>
      %slice3A_833 = vector.extract_strided_slice %transpose3A_832 {offsets = [0, 0], sizes = [64, 1024], strides = [1, 1]} : vector<512x1024xf32> to vector<64x1024xf32>
      %slice3A_834 = vector.extract_strided_slice %transpose3A_832 {offsets = [64, 0], sizes = [64, 1024], strides = [1, 1]} : vector<512x1024xf32> to vector<64x1024xf32>
      %get3A_835 = arith.constant 0 : index
      %get3A_836 = arith.constant 0 : index
      %get3A_837 = vector.load %arg5[%get3A_835, %get3A_836] : memref<4x1024xf32, #tpu.memory_space<vmem>>, vector<1x1024xf32>
      %gt3A_838 = arith.constant 5.000000e-01 : f32
      %gt3A_839 = vector.broadcast %gt3A_838 : f32 to vector<1x1024xf32>
      %gt3A_840 = arith.cmpf ogt, %get3A_837, %gt3A_839 : vector<1x1024xf32>
      %broadcast_in_dim3A_841 = vector.shape_cast %gt3A_840 : vector<1x1024xi1> to vector<1x1024xi1>
      %broadcast_in_dim3A_842 = vector.broadcast %broadcast_in_dim3A_841 : vector<1x1024xi1> to vector<64x1024xi1>
      %select_n3A_843 = arith.select %broadcast_in_dim3A_842, %slice3A_834, %slice3A_833 : vector<64x1024xi1>, vector<64x1024xf32>
      %abs3A_844 = math.absf %select_n3A_843 : vector<64x1024xf32>
      %mul3A_845 = arith.constant 0.707106769 : f32
      %mul3A_846 = vector.broadcast %mul3A_845 : f32 to vector<64x1024xf32>
      %mul3A_847 = arith.mulf %abs3A_844, %mul3A_846 : vector<64x1024xf32>
      %mul3A_848 = arith.constant 0.327591091 : f32
      %mul3A_849 = vector.broadcast %mul3A_848 : f32 to vector<64x1024xf32>
      %mul3A_850 = arith.mulf %mul3A_849, %mul3A_847 : vector<64x1024xf32>
      %add3A_851 = arith.constant 1.000000e+00 : f32
      %add3A_852 = vector.broadcast %add3A_851 : f32 to vector<64x1024xf32>
      %add3A_853 = arith.addf %add3A_852, %mul3A_850 : vector<64x1024xf32>
      %div3A_854 = arith.constant 1.000000e+00 : f32
      %div3A_855 = vector.broadcast %div3A_854 : f32 to vector<64x1024xf32>
      %div3A_856 = arith.divf %div3A_855, %add3A_853 : vector<64x1024xf32>
      %mul3A_857 = arith.constant 1.06140542 : f32
      %mul3A_858 = vector.broadcast %mul3A_857 : f32 to vector<64x1024xf32>
      %mul3A_859 = arith.mulf %div3A_856, %mul3A_858 : vector<64x1024xf32>
      %add3A_860 = arith.constant -1.45315206 : f32
      %add3A_861 = vector.broadcast %add3A_860 : f32 to vector<64x1024xf32>
      %add3A_862 = arith.addf %add3A_861, %mul3A_859 : vector<64x1024xf32>
      %mul3A_863 = arith.mulf %div3A_856, %add3A_862 : vector<64x1024xf32>
      %add3A_864 = arith.constant 1.42141378 : f32
      %add3A_865 = vector.broadcast %add3A_864 : f32 to vector<64x1024xf32>
      %add3A_866 = arith.addf %add3A_865, %mul3A_863 : vector<64x1024xf32>
      %mul3A_867 = arith.mulf %div3A_856, %add3A_866 : vector<64x1024xf32>
      %add3A_868 = arith.constant -0.284496725 : f32
      %add3A_869 = vector.broadcast %add3A_868 : f32 to vector<64x1024xf32>
      %add3A_870 = arith.addf %add3A_869, %mul3A_867 : vector<64x1024xf32>
      %mul3A_871 = arith.mulf %div3A_856, %add3A_870 : vector<64x1024xf32>
      %add3A_872 = arith.constant 0.254829586 : f32
      %add3A_873 = vector.broadcast %add3A_872 : f32 to vector<64x1024xf32>
      %add3A_874 = arith.addf %add3A_873, %mul3A_871 : vector<64x1024xf32>
      %mul3A_875 = arith.mulf %div3A_856, %add3A_874 : vector<64x1024xf32>
      %neg3A_876 = arith.constant 0.000000e+00 : f32
      %neg3A_877 = vector.broadcast %neg3A_876 : f32 to vector<64x1024xf32>
      %neg3A_878 = arith.subf %neg3A_877, %mul3A_847 : vector<64x1024xf32>
      %mul3A_879 = arith.mulf %neg3A_878, %mul3A_847 : vector<64x1024xf32>
      %exp3A_880 = math.exp %mul3A_879 : vector<64x1024xf32>
      %mul3A_881 = arith.mulf %mul3A_875, %exp3A_880 : vector<64x1024xf32>
      %sub3A_882 = arith.constant 1.000000e+00 : f32
      %sub3A_883 = vector.broadcast %sub3A_882 : f32 to vector<64x1024xf32>
      %sub3A_884 = arith.subf %sub3A_883, %mul3A_881 : vector<64x1024xf32>
      %ge3A_885 = arith.constant 0.000000e+00 : f32
      %ge3A_886 = vector.broadcast %ge3A_885 : f32 to vector<64x1024xf32>
      %ge3A_887 = arith.cmpf oge, %select_n3A_843, %ge3A_886 : vector<64x1024xf32>
      %neg3A_888 = arith.constant 0.000000e+00 : f32
      %neg3A_889 = vector.broadcast %neg3A_888 : f32 to vector<64x1024xf32>
      %neg3A_890 = arith.subf %neg3A_889, %sub3A_884 : vector<64x1024xf32>
      %select_n3A_891 = arith.select %ge3A_887, %sub3A_884, %neg3A_890 : vector<64x1024xi1>, vector<64x1024xf32>
      %mul3A_892 = arith.constant 5.000000e-01 : f32
      %mul3A_893 = vector.broadcast %mul3A_892 : f32 to vector<64x1024xf32>
      %mul3A_894 = arith.mulf %mul3A_893, %select_n3A_843 : vector<64x1024xf32>
      %add3A_895 = arith.constant 1.000000e+00 : f32
      %add3A_896 = vector.broadcast %add3A_895 : f32 to vector<64x1024xf32>
      %add3A_897 = arith.addf %add3A_896, %select_n3A_891 : vector<64x1024xf32>
      %mul3A_898 = arith.mulf %mul3A_894, %add3A_897 : vector<64x1024xf32>
      %swap3A_899 = arith.constant 0 : index
      %swap3A_900 = arith.constant 0 : index
      %swap3A_901 = arith.constant 0 : index
      %swap3A_902 = vector.load %arg16[%swap3A_899, %swap3A_900, %swap3A_901] : memref<26x64x1024xf32, #tpu.memory_space<vmem>>, vector<1x64x1024xf32>
      %swap3A_903 = vector.shape_cast %swap3A_902 : vector<1x64x1024xf32> to vector<64x1024xf32>
      %swap3A_904 = vector.shape_cast %mul3A_898 : vector<64x1024xf32> to vector<1x64x1024xf32>
      tpu.vector_store %arg16[%swap3A_899, %swap3A_900, %swap3A_901], %swap3A_904 {strides = array<i32>} : memref<26x64x1024xf32, #tpu.memory_space<vmem>>, vector<1x64x1024xf32>,
      %slice3A_905 = vector.extract_strided_slice %transpose3A_832 {offsets = [128, 0], sizes = [64, 1024], strides = [1, 1]} : vector<512x1024xf32> to vector<64x1024xf32>
      %slice3A_906 = vector.extract_strided_slice %transpose3A_832 {offsets = [192, 0], sizes = [64, 1024], strides = [1, 1]} : vector<512x1024xf32> to vector<64x1024xf32>
      %get3A_907 = arith.constant 1 : index
      %get3A_908 = arith.constant 0 : index
      %get3A_909 = vector.load %arg5[%get3A_907, %get3A_908] : memref<4x1024xf32, #tpu.memory_space<vmem>>, vector<1x1024xf32>
      %gt3A_910 = arith.constant 5.000000e-01 : f32
      %gt3A_911 = vector.broadcast %gt3A_910 : f32 to vector<1x1024xf32>
      %gt3A_912 = arith.cmpf ogt, %get3A_909, %gt3A_911 : vector<1x1024xf32>
      %broadcast_in_dim3A_913 = vector.shape_cast %gt3A_912 : vector<1x1024xi1> to vector<1x1024xi1>
      %broadcast_in_dim3A_914 = vector.broadcast %broadcast_in_dim3A_913 : vector<1x1024xi1> to vector<64x1024xi1>
      %select_n3A_915 = arith.select %broadcast_in_dim3A_914, %slice3A_906, %slice3A_905 : vector<64x1024xi1>, vector<64x1024xf32>
      %abs3A_916 = math.absf %select_n3A_915 : vector<64x1024xf32>
      %mul3A_917 = arith.constant 0.707106769 : f32
      %mul3A_918 = vector.broadcast %mul3A_917 : f32 to vector<64x1024xf32>
      %mul3A_919 = arith.mulf %abs3A_916, %mul3A_918 : vector<64x1024xf32>
      %mul3A_920 = arith.constant 0.327591091 : f32
      %mul3A_921 = vector.broadcast %mul3A_920 : f32 to vector<64x1024xf32>
      %mul3A_922 = arith.mulf %mul3A_921, %mul3A_919 : vector<64x1024xf32>
      %add3A_923 = arith.constant 1.000000e+00 : f32
      %add3A_924 = vector.broadcast %add3A_923 : f32 to vector<64x1024xf32>
      %add3A_925 = arith.addf %add3A_924, %mul3A_922 : vector<64x1024xf32>
      %div3A_926 = arith.constant 1.000000e+00 : f32
      %div3A_927 = vector.broadcast %div3A_926 : f32 to vector<64x1024xf32>
      %div3A_928 = arith.divf %div3A_927, %add3A_925 : vector<64x1024xf32>
      %mul3A_929 = arith.constant 1.06140542 : f32
      %mul3A_930 = vector.broadcast %mul3A_929 : f32 to vector<64x1024xf32>
      %mul3A_931 = arith.mulf %div3A_928, %mul3A_930 : vector<64x1024xf32>
      %add3A_932 = arith.constant -1.45315206 : f32
      %add3A_933 = vector.broadcast %add3A_932 : f32 to vector<64x1024xf32>
      %add3A_934 = arith.addf %add3A_933, %mul3A_931 : vector<64x1024xf32>
      %mul3A_935 = arith.mulf %div3A_928, %add3A_934 : vector<64x1024xf32>
      %add3A_936 = arith.constant 1.42141378 : f32
      %add3A_937 = vector.broadcast %add3A_936 : f32 to vector<64x1024xf32>
      %add3A_938 = arith.addf %add3A_937, %mul3A_935 : vector<64x1024xf32>
      %mul3A_939 = arith.mulf %div3A_928, %add3A_938 : vector<64x1024xf32>
      %add3A_940 = arith.constant -0.284496725 : f32
      %add3A_941 = vector.broadcast %add3A_940 : f32 to vector<64x1024xf32>
      %add3A_942 = arith.addf %add3A_941, %mul3A_939 : vector<64x1024xf32>
      %mul3A_943 = arith.mulf %div3A_928, %add3A_942 : vector<64x1024xf32>
      %add3A_944 = arith.constant 0.254829586 : f32
      %add3A_945 = vector.broadcast %add3A_944 : f32 to vector<64x1024xf32>
      %add3A_946 = arith.addf %add3A_945, %mul3A_943 : vector<64x1024xf32>
      %mul3A_947 = arith.mulf %div3A_928, %add3A_946 : vector<64x1024xf32>
      %neg3A_948 = arith.constant 0.000000e+00 : f32
      %neg3A_949 = vector.broadcast %neg3A_948 : f32 to vector<64x1024xf32>
      %neg3A_950 = arith.subf %neg3A_949, %mul3A_919 : vector<64x1024xf32>
      %mul3A_951 = arith.mulf %neg3A_950, %mul3A_919 : vector<64x1024xf32>
      %exp3A_952 = math.exp %mul3A_951 : vector<64x1024xf32>
      %mul3A_953 = arith.mulf %mul3A_947, %exp3A_952 : vector<64x1024xf32>
      %sub3A_954 = arith.constant 1.000000e+00 : f32
      %sub3A_955 = vector.broadcast %sub3A_954 : f32 to vector<64x1024xf32>
      %sub3A_956 = arith.subf %sub3A_955, %mul3A_953 : vector<64x1024xf32>
      %ge3A_957 = arith.constant 0.000000e+00 : f32
      %ge3A_958 = vector.broadcast %ge3A_957 : f32 to vector<64x1024xf32>
      %ge3A_959 = arith.cmpf oge, %select_n3A_915, %ge3A_958 : vector<64x1024xf32>
      %neg3A_960 = arith.constant 0.000000e+00 : f32
      %neg3A_961 = vector.broadcast %neg3A_960 : f32 to vector<64x1024xf32>
      %neg3A_962 = arith.subf %neg3A_961, %sub3A_956 : vector<64x1024xf32>
      %select_n3A_963 = arith.select %ge3A_959, %sub3A_956, %neg3A_962 : vector<64x1024xi1>, vector<64x1024xf32>
      %mul3A_964 = arith.constant 5.000000e-01 : f32
      %mul3A_965 = vector.broadcast %mul3A_964 : f32 to vector<64x1024xf32>
      %mul3A_966 = arith.mulf %mul3A_965, %select_n3A_915 : vector<64x1024xf32>
      %add3A_967 = arith.constant 1.000000e+00 : f32
      %add3A_968 = vector.broadcast %add3A_967 : f32 to vector<64x1024xf32>
      %add3A_969 = arith.addf %add3A_968, %select_n3A_963 : vector<64x1024xf32>
      %mul3A_970 = arith.mulf %mul3A_966, %add3A_969 : vector<64x1024xf32>
      %swap3A_971 = arith.constant 1 : index
      %swap3A_972 = arith.constant 0 : index
      %swap3A_973 = arith.constant 0 : index
      %swap3A_974 = vector.load %arg16[%swap3A_971, %swap3A_972, %swap3A_973] : memref<26x64x1024xf32, #tpu.memory_space<vmem>>, vector<1x64x1024xf32>
      %swap3A_975 = vector.shape_cast %swap3A_974 : vector<1x64x1024xf32> to vector<64x1024xf32>
      %swap3A_976 = vector.shape_cast %mul3A_970 : vector<64x1024xf32> to vector<1x64x1024xf32>
      tpu.vector_store %arg16[%swap3A_971, %swap3A_972, %swap3A_973], %swap3A_976 {strides = array<i32>} : memref<26x64x1024xf32, #tpu.memory_space<vmem>>, vector<1x64x1024xf32>,
      %slice3A_977 = vector.extract_strided_slice %transpose3A_832 {offsets = [256, 0], sizes = [64, 1024], strides = [1, 1]} : vector<512x1024xf32> to vector<64x1024xf32>
      %slice3A_978 = vector.extract_strided_slice %transpose3A_832 {offsets = [320, 0], sizes = [64, 1024], strides = [1, 1]} : vector<512x1024xf32> to vector<64x1024xf32>
      %get3A_979 = arith.constant 2 : index
      %get3A_980 = arith.constant 0 : index
      %get3A_981 = vector.load %arg5[%get3A_979, %get3A_980] : memref<4x1024xf32, #tpu.memory_space<vmem>>, vector<1x1024xf32>
      %gt3A_982 = arith.constant 5.000000e-01 : f32
      %gt3A_983 = vector.broadcast %gt3A_982 : f32 to vector<1x1024xf32>
      %gt3A_984 = arith.cmpf ogt, %get3A_981, %gt3A_983 : vector<1x1024xf32>
      %broadcast_in_dim3A_985 = vector.shape_cast %gt3A_984 : vector<1x1024xi1> to vector<1x1024xi1>
      %broadcast_in_dim3A_986 = vector.broadcast %broadcast_in_dim3A_985 : vector<1x1024xi1> to vector<64x1024xi1>
      %select_n3A_987 = arith.select %broadcast_in_dim3A_986, %slice3A_978, %slice3A_977 : vector<64x1024xi1>, vector<64x1024xf32>
      %abs3A_988 = math.absf %select_n3A_987 : vector<64x1024xf32>
      %mul3A_989 = arith.constant 0.707106769 : f32
      %mul3A_990 = vector.broadcast %mul3A_989 : f32 to vector<64x1024xf32>
      %mul3A_991 = arith.mulf %abs3A_988, %mul3A_990 : vector<64x1024xf32>
      %mul3A_992 = arith.constant 0.327591091 : f32
      %mul3A_993 = vector.broadcast %mul3A_992 : f32 to vector<64x1024xf32>
      %mul3A_994 = arith.mulf %mul3A_993, %mul3A_991 : vector<64x1024xf32>
      %add3A_995 = arith.constant 1.000000e+00 : f32
      %add3A_996 = vector.broadcast %add3A_995 : f32 to vector<64x1024xf32>
      %add3A_997 = arith.addf %add3A_996, %mul3A_994 : vector<64x1024xf32>
      %div3A_998 = arith.constant 1.000000e+00 : f32
      %div3A_999 = vector.broadcast %div3A_998 : f32 to vector<64x1024xf32>
      %div3A_1000 = arith.divf %div3A_999, %add3A_997 : vector<64x1024xf32>
      %mul3A_1001 = arith.constant 1.06140542 : f32
      %mul3A_1002 = vector.broadcast %mul3A_1001 : f32 to vector<64x1024xf32>
      %mul3A_1003 = arith.mulf %div3A_1000, %mul3A_1002 : vector<64x1024xf32>
      %add3A_1004 = arith.constant -1.45315206 : f32
      %add3A_1005 = vector.broadcast %add3A_1004 : f32 to vector<64x1024xf32>
      %add3A_1006 = arith.addf %add3A_1005, %mul3A_1003 : vector<64x1024xf32>
      %mul3A_1007 = arith.mulf %div3A_1000, %add3A_1006 : vector<64x1024xf32>
      %add3A_1008 = arith.constant 1.42141378 : f32
      %add3A_1009 = vector.broadcast %add3A_1008 : f32 to vector<64x1024xf32>
      %add3A_1010 = arith.addf %add3A_1009, %mul3A_1007 : vector<64x1024xf32>
      %mul3A_1011 = arith.mulf %div3A_1000, %add3A_1010 : vector<64x1024xf32>
      %add3A_1012 = arith.constant -0.284496725 : f32
      %add3A_1013 = vector.broadcast %add3A_1012 : f32 to vector<64x1024xf32>
      %add3A_1014 = arith.addf %add3A_1013, %mul3A_1011 : vector<64x1024xf32>
      %mul3A_1015 = arith.mulf %div3A_1000, %add3A_1014 : vector<64x1024xf32>
      %add3A_1016 = arith.constant 0.254829586 : f32
      %add3A_1017 = vector.broadcast %add3A_1016 : f32 to vector<64x1024xf32>
      %add3A_1018 = arith.addf %add3A_1017, %mul3A_1015 : vector<64x1024xf32>
      %mul3A_1019 = arith.mulf %div3A_1000, %add3A_1018 : vector<64x1024xf32>
      %neg3A_1020 = arith.constant 0.000000e+00 : f32
      %neg3A_1021 = vector.broadcast %neg3A_1020 : f32 to vector<64x1024xf32>
      %neg3A_1022 = arith.subf %neg3A_1021, %mul3A_991 : vector<64x1024xf32>
      %mul3A_1023 = arith.mulf %neg3A_1022, %mul3A_991 : vector<64x1024xf32>
      %exp3A_1024 = math.exp %mul3A_1023 : vector<64x1024xf32>
      %mul3A_1025 = arith.mulf %mul3A_1019, %exp3A_1024 : vector<64x1024xf32>
      %sub3A_1026 = arith.constant 1.000000e+00 : f32
      %sub3A_1027 = vector.broadcast %sub3A_1026 : f32 to vector<64x1024xf32>
      %sub3A_1028 = arith.subf %sub3A_1027, %mul3A_1025 : vector<64x1024xf32>
      %ge3A_1029 = arith.constant 0.000000e+00 : f32
      %ge3A_1030 = vector.broadcast %ge3A_1029 : f32 to vector<64x1024xf32>
      %ge3A_1031 = arith.cmpf oge, %select_n3A_987, %ge3A_1030 : vector<64x1024xf32>
      %neg3A_1032 = arith.constant 0.000000e+00 : f32
      %neg3A_1033 = vector.broadcast %neg3A_1032 : f32 to vector<64x1024xf32>
      %neg3A_1034 = arith.subf %neg3A_1033, %sub3A_1028 : vector<64x1024xf32>
      %select_n3A_1035 = arith.select %ge3A_1031, %sub3A_1028, %neg3A_1034 : vector<64x1024xi1>, vector<64x1024xf32>
      %mul3A_1036 = arith.constant 5.000000e-01 : f32
      %mul3A_1037 = vector.broadcast %mul3A_1036 : f32 to vector<64x1024xf32>
      %mul3A_1038 = arith.mulf %mul3A_1037, %select_n3A_987 : vector<64x1024xf32>
      %add3A_1039 = arith.constant 1.000000e+00 : f32
      %add3A_1040 = vector.broadcast %add3A_1039 : f32 to vector<64x1024xf32>
      %add3A_1041 = arith.addf %add3A_1040, %select_n3A_1035 : vector<64x1024xf32>
      %mul3A_1042 = arith.mulf %mul3A_1038, %add3A_1041 : vector<64x1024xf32>
      %swap3A_1043 = arith.constant 2 : index
      %swap3A_1044 = arith.constant 0 : index
      %swap3A_1045 = arith.constant 0 : index
      %swap3A_1046 = vector.load %arg16[%swap3A_1043, %swap3A_1044, %swap3A_1045] : memref<26x64x1024xf32, #tpu.memory_space<vmem>>, vector<1x64x1024xf32>
      %swap3A_1047 = vector.shape_cast %swap3A_1046 : vector<1x64x1024xf32> to vector<64x1024xf32>
      %swap3A_1048 = vector.shape_cast %mul3A_1042 : vector<64x1024xf32> to vector<1x64x1024xf32>
      tpu.vector_store %arg16[%swap3A_1043, %swap3A_1044, %swap3A_1045], %swap3A_1048 {strides = array<i32>} : memref<26x64x1024xf32, #tpu.memory_space<vmem>>, vector<1x64x1024xf32>,
      %slice3A_1049 = vector.extract_strided_slice %transpose3A_832 {offsets = [384, 0], sizes = [64, 1024], strides = [1, 1]} : vector<512x1024xf32> to vector<64x1024xf32>
      %slice3A_1050 = vector.extract_strided_slice %transpose3A_832 {offsets = [448, 0], sizes = [64, 1024], strides = [1, 1]} : vector<512x1024xf32> to vector<64x1024xf32>
      %get3A_1051 = arith.constant 3 : index
      %get3A_1052 = arith.constant 0 : index
      %get3A_1053 = vector.load %arg5[%get3A_1051, %get3A_1052] : memref<4x1024xf32, #tpu.memory_space<vmem>>, vector<1x1024xf32>
      %gt3A_1054 = arith.constant 5.000000e-01 : f32
      %gt3A_1055 = vector.broadcast %gt3A_1054 : f32 to vector<1x1024xf32>
      %gt3A_1056 = arith.cmpf ogt, %get3A_1053, %gt3A_1055 : vector<1x1024xf32>
      %broadcast_in_dim3A_1057 = vector.shape_cast %gt3A_1056 : vector<1x1024xi1> to vector<1x1024xi1>
      %broadcast_in_dim3A_1058 = vector.broadcast %broadcast_in_dim3A_1057 : vector<1x1024xi1> to vector<64x1024xi1>
      %select_n3A_1059 = arith.select %broadcast_in_dim3A_1058, %slice3A_1050, %slice3A_1049 : vector<64x1024xi1>, vector<64x1024xf32>
      %abs3A_1060 = math.absf %select_n3A_1059 : vector<64x1024xf32>
      %mul3A_1061 = arith.constant 0.707106769 : f32
      %mul3A_1062 = vector.broadcast %mul3A_1061 : f32 to vector<64x1024xf32>
      %mul3A_1063 = arith.mulf %abs3A_1060, %mul3A_1062 : vector<64x1024xf32>
      %mul3A_1064 = arith.constant 0.327591091 : f32
      %mul3A_1065 = vector.broadcast %mul3A_1064 : f32 to vector<64x1024xf32>
      %mul3A_1066 = arith.mulf %mul3A_1065, %mul3A_1063 : vector<64x1024xf32>
      %add3A_1067 = arith.constant 1.000000e+00 : f32
      %add3A_1068 = vector.broadcast %add3A_1067 : f32 to vector<64x1024xf32>
      %add3A_1069 = arith.addf %add3A_1068, %mul3A_1066 : vector<64x1024xf32>
      %div3A_1070 = arith.constant 1.000000e+00 : f32
      %div3A_1071 = vector.broadcast %div3A_1070 : f32 to vector<64x1024xf32>
      %div3A_1072 = arith.divf %div3A_1071, %add3A_1069 : vector<64x1024xf32>
      %mul3A_1073 = arith.constant 1.06140542 : f32
      %mul3A_1074 = vector.broadcast %mul3A_1073 : f32 to vector<64x1024xf32>
      %mul3A_1075 = arith.mulf %div3A_1072, %mul3A_1074 : vector<64x1024xf32>
      %add3A_1076 = arith.constant -1.45315206 : f32
      %add3A_1077 = vector.broadcast %add3A_1076 : f32 to vector<64x1024xf32>
      %add3A_1078 = arith.addf %add3A_1077, %mul3A_1075 : vector<64x1024xf32>
      %mul3A_1079 = arith.mulf %div3A_1072, %add3A_1078 : vector<64x1024xf32>
      %add3A_1080 = arith.constant 1.42141378 : f32
      %add3A_1081 = vector.broadcast %add3A_1080 : f32 to vector<64x1024xf32>
      %add3A_1082 = arith.addf %add3A_1081, %mul3A_1079 : vector<64x1024xf32>
      %mul3A_1083 = arith.mulf %div3A_1072, %add3A_1082 : vector<64x1024xf32>
      %add3A_1084 = arith.constant -0.284496725 : f32
      %add3A_1085 = vector.broadcast %add3A_1084 : f32 to vector<64x1024xf32>
      %add3A_1086 = arith.addf %add3A_1085, %mul3A_1083 : vector<64x1024xf32>
      %mul3A_1087 = arith.mulf %div3A_1072, %add3A_1086 : vector<64x1024xf32>
      %add3A_1088 = arith.constant 0.254829586 : f32
      %add3A_1089 = vector.broadcast %add3A_1088 : f32 to vector<64x1024xf32>
      %add3A_1090 = arith.addf %add3A_1089, %mul3A_1087 : vector<64x1024xf32>
      %mul3A_1091 = arith.mulf %div3A_1072, %add3A_1090 : vector<64x1024xf32>
      %neg3A_1092 = arith.constant 0.000000e+00 : f32
      %neg3A_1093 = vector.broadcast %neg3A_1092 : f32 to vector<64x1024xf32>
      %neg3A_1094 = arith.subf %neg3A_1093, %mul3A_1063 : vector<64x1024xf32>
      %mul3A_1095 = arith.mulf %neg3A_1094, %mul3A_1063 : vector<64x1024xf32>
      %exp3A_1096 = math.exp %mul3A_1095 : vector<64x1024xf32>
      %mul3A_1097 = arith.mulf %mul3A_1091, %exp3A_1096 : vector<64x1024xf32>
      %sub3A_1098 = arith.constant 1.000000e+00 : f32
      %sub3A_1099 = vector.broadcast %sub3A_1098 : f32 to vector<64x1024xf32>
      %sub3A_1100 = arith.subf %sub3A_1099, %mul3A_1097 : vector<64x1024xf32>
      %ge3A_1101 = arith.constant 0.000000e+00 : f32
      %ge3A_1102 = vector.broadcast %ge3A_1101 : f32 to vector<64x1024xf32>
      %ge3A_1103 = arith.cmpf oge, %select_n3A_1059, %ge3A_1102 : vector<64x1024xf32>
      %neg3A_1104 = arith.constant 0.000000e+00 : f32
      %neg3A_1105 = vector.broadcast %neg3A_1104 : f32 to vector<64x1024xf32>
      %neg3A_1106 = arith.subf %neg3A_1105, %sub3A_1100 : vector<64x1024xf32>
      %select_n3A_1107 = arith.select %ge3A_1103, %sub3A_1100, %neg3A_1106 : vector<64x1024xi1>, vector<64x1024xf32>
      %mul3A_1108 = arith.constant 5.000000e-01 : f32
      %mul3A_1109 = vector.broadcast %mul3A_1108 : f32 to vector<64x1024xf32>
      %mul3A_1110 = arith.mulf %mul3A_1109, %select_n3A_1059 : vector<64x1024xf32>
      %add3A_1111 = arith.constant 1.000000e+00 : f32
      %add3A_1112 = vector.broadcast %add3A_1111 : f32 to vector<64x1024xf32>
      %add3A_1113 = arith.addf %add3A_1112, %select_n3A_1107 : vector<64x1024xf32>
      %mul3A_1114 = arith.mulf %mul3A_1110, %add3A_1113 : vector<64x1024xf32>
      %swap3A_1115 = arith.constant 3 : index
      %swap3A_1116 = arith.constant 0 : index
      %swap3A_1117 = arith.constant 0 : index
      %swap3A_1118 = vector.load %arg16[%swap3A_1115, %swap3A_1116, %swap3A_1117] : memref<26x64x1024xf32, #tpu.memory_space<vmem>>, vector<1x64x1024xf32>
      %swap3A_1119 = vector.shape_cast %swap3A_1118 : vector<1x64x1024xf32> to vector<64x1024xf32>
      %swap3A_1120 = vector.shape_cast %mul3A_1114 : vector<64x1024xf32> to vector<1x64x1024xf32>
      tpu.vector_store %arg16[%swap3A_1115, %swap3A_1116, %swap3A_1117], %swap3A_1120 {strides = array<i32>} : memref<26x64x1024xf32, #tpu.memory_space<vmem>>, vector<1x64x1024xf32>,
      %get3A_1121 = arith.constant 0 : index
      %get3A_1122 = arith.constant 0 : index
      %get3A_1123 = vector.load %arg11[%get3A_1121, %get3A_1122] : memref<1408x26xf32, #tpu.memory_space<vmem>>, vector<1408x26xf32>
      %get3A_1124 = arith.constant 0 : index
      %get3A_1125 = arith.constant 0 : index
      %get3A_1126 = vector.load %arg7[%get3A_1124, %get3A_1125] : memref<26x1024xf32, #tpu.memory_space<vmem>>, vector<26x1024xf32>
      %dot_general3A = arith.constant dense<0.000000e+00> : vector<1408x1024xf32>
      %dot_general3A_1127 = tpu.matmul %get3A_1123, %get3A_1126, %dot_general3A {dimension_numbers = #tpu.dot_dimension_numbers<[1], [0], [0], [1], [0, 0, 1, 1], [], []>, precision = #tpu.contract_precision<fp32>, transpose_lhs_hint = false} : vector<1408x26xf32>, vector<26x1024xf32>, vector<1408x1024xf32> -> vector<1408x1024xf32>
      %get3A_1128 = arith.constant 0 : index
      %get3A_1129 = arith.constant 0 : index
      %get3A_1130 = vector.load %arg12[%get3A_1128, %get3A_1129] : memref<1408x1xf32, #tpu.memory_space<vmem>>, vector<1408x1xf32>
      %add3A_1131 = vector.broadcast %get3A_1130 : vector<1408x1xf32> to vector<1408x1024xf32>
      %add3A_1132 = arith.addf %dot_general3A_1127, %add3A_1131 : vector<1408x1024xf32>
      %slice3A_1133 = vector.extract_strided_slice %add3A_1132 {offsets = [0, 0], sizes = [64, 1024], strides = [1, 1]} : vector<1408x1024xf32> to vector<64x1024xf32>
      %swap3A_1134 = arith.constant 4 : index
      %swap3A_1135 = arith.constant 0 : index
      %swap3A_1136 = arith.constant 0 : index
      %swap3A_1137 = vector.load %arg16[%swap3A_1134, %swap3A_1135, %swap3A_1136] : memref<26x64x1024xf32, #tpu.memory_space<vmem>>, vector<1x64x1024xf32>
      %swap3A_1138 = vector.shape_cast %swap3A_1137 : vector<1x64x1024xf32> to vector<64x1024xf32>
      %swap3A_1139 = vector.shape_cast %slice3A_1133 : vector<64x1024xf32> to vector<1x64x1024xf32>
      tpu.vector_store %arg16[%swap3A_1134, %swap3A_1135, %swap3A_1136], %swap3A_1139 {strides = array<i32>} : memref<26x64x1024xf32, #tpu.memory_space<vmem>>, vector<1x64x1024xf32>,
      %slice3A_1140 = vector.extract_strided_slice %add3A_1132 {offsets = [64, 0], sizes = [64, 1024], strides = [1, 1]} : vector<1408x1024xf32> to vector<64x1024xf32>
      %swap3A_1141 = arith.constant 5 : index
      %swap3A_1142 = arith.constant 0 : index
      %swap3A_1143 = arith.constant 0 : index
      %swap3A_1144 = vector.load %arg16[%swap3A_1141, %swap3A_1142, %swap3A_1143] : memref<26x64x1024xf32, #tpu.memory_space<vmem>>, vector<1x64x1024xf32>
      %swap3A_1145 = vector.shape_cast %swap3A_1144 : vector<1x64x1024xf32> to vector<64x1024xf32>
      %swap3A_1146 = vector.shape_cast %slice3A_1140 : vector<64x1024xf32> to vector<1x64x1024xf32>
      tpu.vector_store %arg16[%swap3A_1141, %swap3A_1142, %swap3A_1143], %swap3A_1146 {strides = array<i32>} : memref<26x64x1024xf32, #tpu.memory_space<vmem>>, vector<1x64x1024xf32>,
      %slice3A_1147 = vector.extract_strided_slice %add3A_1132 {offsets = [128, 0], sizes = [64, 1024], strides = [1, 1]} : vector<1408x1024xf32> to vector<64x1024xf32>
      %swap3A_1148 = arith.constant 6 : index
      %swap3A_1149 = arith.constant 0 : index
      %swap3A_1150 = arith.constant 0 : index
      %swap3A_1151 = vector.load %arg16[%swap3A_1148, %swap3A_1149, %swap3A_1150] : memref<26x64x1024xf32, #tpu.memory_space<vmem>>, vector<1x64x1024xf32>
      %swap3A_1152 = vector.shape_cast %swap3A_1151 : vector<1x64x1024xf32> to vector<64x1024xf32>
      %swap3A_1153 = vector.shape_cast %slice3A_1147 : vector<64x1024xf32> to vector<1x64x1024xf32>
      tpu.vector_store %arg16[%swap3A_1148, %swap3A_1149, %swap3A_1150], %swap3A_1153 {strides = array<i32>} : memref<26x64x1024xf32, #tpu.memory_space<vmem>>, vector<1x64x1024xf32>,
      %slice3A_1154 = vector.extract_strided_slice %add3A_1132 {offsets = [192, 0], sizes = [64, 1024], strides = [1, 1]} : vector<1408x1024xf32> to vector<64x1024xf32>
      %swap3A_1155 = arith.constant 7 : index
      %swap3A_1156 = arith.constant 0 : index
      %swap3A_1157 = arith.constant 0 : index
      %swap3A_1158 = vector.load %arg16[%swap3A_1155, %swap3A_1156, %swap3A_1157] : memref<26x64x1024xf32, #tpu.memory_space<vmem>>, vector<1x64x1024xf32>
      %swap3A_1159 = vector.shape_cast %swap3A_1158 : vector<1x64x1024xf32> to vector<64x1024xf32>
      %swap3A_1160 = vector.shape_cast %slice3A_1154 : vector<64x1024xf32> to vector<1x64x1024xf32>
      tpu.vector_store %arg16[%swap3A_1155, %swap3A_1156, %swap3A_1157], %swap3A_1160 {strides = array<i32>} : memref<26x64x1024xf32, #tpu.memory_space<vmem>>, vector<1x64x1024xf32>,
      %slice3A_1161 = vector.extract_strided_slice %add3A_1132 {offsets = [256, 0], sizes = [64, 1024], strides = [1, 1]} : vector<1408x1024xf32> to vector<64x1024xf32>
      %swap3A_1162 = arith.constant 8 : index
      %swap3A_1163 = arith.constant 0 : index
      %swap3A_1164 = arith.constant 0 : index
      %swap3A_1165 = vector.load %arg16[%swap3A_1162, %swap3A_1163, %swap3A_1164] : memref<26x64x1024xf32, #tpu.memory_space<vmem>>, vector<1x64x1024xf32>
      %swap3A_1166 = vector.shape_cast %swap3A_1165 : vector<1x64x1024xf32> to vector<64x1024xf32>
      %swap3A_1167 = vector.shape_cast %slice3A_1161 : vector<64x1024xf32> to vector<1x64x1024xf32>
      tpu.vector_store %arg16[%swap3A_1162, %swap3A_1163, %swap3A_1164], %swap3A_1167 {strides = array<i32>} : memref<26x64x1024xf32, #tpu.memory_space<vmem>>, vector<1x64x1024xf32>,
      %slice3A_1168 = vector.extract_strided_slice %add3A_1132 {offsets = [320, 0], sizes = [64, 1024], strides = [1, 1]} : vector<1408x1024xf32> to vector<64x1024xf32>
      %swap3A_1169 = arith.constant 9 : index
      %swap3A_1170 = arith.constant 0 : index
      %swap3A_1171 = arith.constant 0 : index
      %swap3A_1172 = vector.load %arg16[%swap3A_1169, %swap3A_1170, %swap3A_1171] : memref<26x64x1024xf32, #tpu.memory_space<vmem>>, vector<1x64x1024xf32>
      %swap3A_1173 = vector.shape_cast %swap3A_1172 : vector<1x64x1024xf32> to vector<64x1024xf32>
      %swap3A_1174 = vector.shape_cast %slice3A_1168 : vector<64x1024xf32> to vector<1x64x1024xf32>
      tpu.vector_store %arg16[%swap3A_1169, %swap3A_1170, %swap3A_1171], %swap3A_1174 {strides = array<i32>} : memref<26x64x1024xf32, #tpu.memory_space<vmem>>, vector<1x64x1024xf32>,
      %slice3A_1175 = vector.extract_strided_slice %add3A_1132 {offsets = [384, 0], sizes = [64, 1024], strides = [1, 1]} : vector<1408x1024xf32> to vector<64x1024xf32>
      %swap3A_1176 = arith.constant 10 : index
      %swap3A_1177 = arith.constant 0 : index
      %swap3A_1178 = arith.constant 0 : index
      %swap3A_1179 = vector.load %arg16[%swap3A_1176, %swap3A_1177, %swap3A_1178] : memref<26x64x1024xf32, #tpu.memory_space<vmem>>, vector<1x64x1024xf32>
      %swap3A_1180 = vector.shape_cast %swap3A_1179 : vector<1x64x1024xf32> to vector<64x1024xf32>
      %swap3A_1181 = vector.shape_cast %slice3A_1175 : vector<64x1024xf32> to vector<1x64x1024xf32>
      tpu.vector_store %arg16[%swap3A_1176, %swap3A_1177, %swap3A_1178], %swap3A_1181 {strides = array<i32>} : memref<26x64x1024xf32, #tpu.memory_space<vmem>>, vector<1x64x1024xf32>,
      %slice3A_1182 = vector.extract_strided_slice %add3A_1132 {offsets = [448, 0], sizes = [64, 1024], strides = [1, 1]} : vector<1408x1024xf32> to vector<64x1024xf32>
      %swap3A_1183 = arith.constant 11 : index
      %swap3A_1184 = arith.constant 0 : index
      %swap3A_1185 = arith.constant 0 : index
      %swap3A_1186 = vector.load %arg16[%swap3A_1183, %swap3A_1184, %swap3A_1185] : memref<26x64x1024xf32, #tpu.memory_space<vmem>>, vector<1x64x1024xf32>
      %swap3A_1187 = vector.shape_cast %swap3A_1186 : vector<1x64x1024xf32> to vector<64x1024xf32>
      %swap3A_1188 = vector.shape_cast %slice3A_1182 : vector<64x1024xf32> to vector<1x64x1024xf32>
      tpu.vector_store %arg16[%swap3A_1183, %swap3A_1184, %swap3A_1185], %swap3A_1188 {strides = array<i32>} : memref<26x64x1024xf32, #tpu.memory_space<vmem>>, vector<1x64x1024xf32>,
      %slice3A_1189 = vector.extract_strided_slice %add3A_1132 {offsets = [512, 0], sizes = [64, 1024], strides = [1, 1]} : vector<1408x1024xf32> to vector<64x1024xf32>
      %swap3A_1190 = arith.constant 12 : index
      %swap3A_1191 = arith.constant 0 : index
      %swap3A_1192 = arith.constant 0 : index
      %swap3A_1193 = vector.load %arg16[%swap3A_1190, %swap3A_1191, %swap3A_1192] : memref<26x64x1024xf32, #tpu.memory_space<vmem>>, vector<1x64x1024xf32>
      %swap3A_1194 = vector.shape_cast %swap3A_1193 : vector<1x64x1024xf32> to vector<64x1024xf32>
      %swap3A_1195 = vector.shape_cast %slice3A_1189 : vector<64x1024xf32> to vector<1x64x1024xf32>
      tpu.vector_store %arg16[%swap3A_1190, %swap3A_1191, %swap3A_1192], %swap3A_1195 {strides = array<i32>} : memref<26x64x1024xf32, #tpu.memory_space<vmem>>, vector<1x64x1024xf32>,
      %slice3A_1196 = vector.extract_strided_slice %add3A_1132 {offsets = [576, 0], sizes = [64, 1024], strides = [1, 1]} : vector<1408x1024xf32> to vector<64x1024xf32>
      %swap3A_1197 = arith.constant 13 : index
      %swap3A_1198 = arith.constant 0 : index
      %swap3A_1199 = arith.constant 0 : index
      %swap3A_1200 = vector.load %arg16[%swap3A_1197, %swap3A_1198, %swap3A_1199] : memref<26x64x1024xf32, #tpu.memory_space<vmem>>, vector<1x64x1024xf32>
      %swap3A_1201 = vector.shape_cast %swap3A_1200 : vector<1x64x1024xf32> to vector<64x1024xf32>
      %swap3A_1202 = vector.shape_cast %slice3A_1196 : vector<64x1024xf32> to vector<1x64x1024xf32>
      tpu.vector_store %arg16[%swap3A_1197, %swap3A_1198, %swap3A_1199], %swap3A_1202 {strides = array<i32>} : memref<26x64x1024xf32, #tpu.memory_space<vmem>>, vector<1x64x1024xf32>,
      %slice3A_1203 = vector.extract_strided_slice %add3A_1132 {offsets = [640, 0], sizes = [64, 1024], strides = [1, 1]} : vector<1408x1024xf32> to vector<64x1024xf32>
      %swap3A_1204 = arith.constant 14 : index
      %swap3A_1205 = arith.constant 0 : index
      %swap3A_1206 = arith.constant 0 : index
      %swap3A_1207 = vector.load %arg16[%swap3A_1204, %swap3A_1205, %swap3A_1206] : memref<26x64x1024xf32, #tpu.memory_space<vmem>>, vector<1x64x1024xf32>
      %swap3A_1208 = vector.shape_cast %swap3A_1207 : vector<1x64x1024xf32> to vector<64x1024xf32>
      %swap3A_1209 = vector.shape_cast %slice3A_1203 : vector<64x1024xf32> to vector<1x64x1024xf32>
      tpu.vector_store %arg16[%swap3A_1204, %swap3A_1205, %swap3A_1206], %swap3A_1209 {strides = array<i32>} : memref<26x64x1024xf32, #tpu.memory_space<vmem>>, vector<1x64x1024xf32>,
      %slice3A_1210 = vector.extract_strided_slice %add3A_1132 {offsets = [704, 0], sizes = [64, 1024], strides = [1, 1]} : vector<1408x1024xf32> to vector<64x1024xf32>
      %swap3A_1211 = arith.constant 15 : index
      %swap3A_1212 = arith.constant 0 : index
      %swap3A_1213 = arith.constant 0 : index
      %swap3A_1214 = vector.load %arg16[%swap3A_1211, %swap3A_1212, %swap3A_1213] : memref<26x64x1024xf32, #tpu.memory_space<vmem>>, vector<1x64x1024xf32>
      %swap3A_1215 = vector.shape_cast %swap3A_1214 : vector<1x64x1024xf32> to vector<64x1024xf32>
      %swap3A_1216 = vector.shape_cast %slice3A_1210 : vector<64x1024xf32> to vector<1x64x1024xf32>
      tpu.vector_store %arg16[%swap3A_1211, %swap3A_1212, %swap3A_1213], %swap3A_1216 {strides = array<i32>} : memref<26x64x1024xf32, #tpu.memory_space<vmem>>, vector<1x64x1024xf32>,
      %slice3A_1217 = vector.extract_strided_slice %add3A_1132 {offsets = [768, 0], sizes = [64, 1024], strides = [1, 1]} : vector<1408x1024xf32> to vector<64x1024xf32>
      %swap3A_1218 = arith.constant 16 : index
      %swap3A_1219 = arith.constant 0 : index
      %swap3A_1220 = arith.constant 0 : index
      %swap3A_1221 = vector.load %arg16[%swap3A_1218, %swap3A_1219, %swap3A_1220] : memref<26x64x1024xf32, #tpu.memory_space<vmem>>, vector<1x64x1024xf32>
      %swap3A_1222 = vector.shape_cast %swap3A_1221 : vector<1x64x1024xf32> to vector<64x1024xf32>
      %swap3A_1223 = vector.shape_cast %slice3A_1217 : vector<64x1024xf32> to vector<1x64x1024xf32>
      tpu.vector_store %arg16[%swap3A_1218, %swap3A_1219, %swap3A_1220], %swap3A_1223 {strides = array<i32>} : memref<26x64x1024xf32, #tpu.memory_space<vmem>>, vector<1x64x1024xf32>,
      %slice3A_1224 = vector.extract_strided_slice %add3A_1132 {offsets = [832, 0], sizes = [64, 1024], strides = [1, 1]} : vector<1408x1024xf32> to vector<64x1024xf32>
      %swap3A_1225 = arith.constant 17 : index
      %swap3A_1226 = arith.constant 0 : index
      %swap3A_1227 = arith.constant 0 : index
      %swap3A_1228 = vector.load %arg16[%swap3A_1225, %swap3A_1226, %swap3A_1227] : memref<26x64x1024xf32, #tpu.memory_space<vmem>>, vector<1x64x1024xf32>
      %swap3A_1229 = vector.shape_cast %swap3A_1228 : vector<1x64x1024xf32> to vector<64x1024xf32>
      %swap3A_1230 = vector.shape_cast %slice3A_1224 : vector<64x1024xf32> to vector<1x64x1024xf32>
      tpu.vector_store %arg16[%swap3A_1225, %swap3A_1226, %swap3A_1227], %swap3A_1230 {strides = array<i32>} : memref<26x64x1024xf32, #tpu.memory_space<vmem>>, vector<1x64x1024xf32>,
      %slice3A_1231 = vector.extract_strided_slice %add3A_1132 {offsets = [896, 0], sizes = [64, 1024], strides = [1, 1]} : vector<1408x1024xf32> to vector<64x1024xf32>
      %swap3A_1232 = arith.constant 18 : index
      %swap3A_1233 = arith.constant 0 : index
      %swap3A_1234 = arith.constant 0 : index
      %swap3A_1235 = vector.load %arg16[%swap3A_1232, %swap3A_1233, %swap3A_1234] : memref<26x64x1024xf32, #tpu.memory_space<vmem>>, vector<1x64x1024xf32>
      %swap3A_1236 = vector.shape_cast %swap3A_1235 : vector<1x64x1024xf32> to vector<64x1024xf32>
      %swap3A_1237 = vector.shape_cast %slice3A_1231 : vector<64x1024xf32> to vector<1x64x1024xf32>
      tpu.vector_store %arg16[%swap3A_1232, %swap3A_1233, %swap3A_1234], %swap3A_1237 {strides = array<i32>} : memref<26x64x1024xf32, #tpu.memory_space<vmem>>, vector<1x64x1024xf32>,
      %slice3A_1238 = vector.extract_strided_slice %add3A_1132 {offsets = [960, 0], sizes = [64, 1024], strides = [1, 1]} : vector<1408x1024xf32> to vector<64x1024xf32>
      %swap3A_1239 = arith.constant 19 : index
      %swap3A_1240 = arith.constant 0 : index
      %swap3A_1241 = arith.constant 0 : index
      %swap3A_1242 = vector.load %arg16[%swap3A_1239, %swap3A_1240, %swap3A_1241] : memref<26x64x1024xf32, #tpu.memory_space<vmem>>, vector<1x64x1024xf32>
      %swap3A_1243 = vector.shape_cast %swap3A_1242 : vector<1x64x1024xf32> to vector<64x1024xf32>
      %swap3A_1244 = vector.shape_cast %slice3A_1238 : vector<64x1024xf32> to vector<1x64x1024xf32>
      tpu.vector_store %arg16[%swap3A_1239, %swap3A_1240, %swap3A_1241], %swap3A_1244 {strides = array<i32>} : memref<26x64x1024xf32, #tpu.memory_space<vmem>>, vector<1x64x1024xf32>,
      %slice3A_1245 = vector.extract_strided_slice %add3A_1132 {offsets = [1024, 0], sizes = [64, 1024], strides = [1, 1]} : vector<1408x1024xf32> to vector<64x1024xf32>
      %swap3A_1246 = arith.constant 20 : index
      %swap3A_1247 = arith.constant 0 : index
      %swap3A_1248 = arith.constant 0 : index
      %swap3A_1249 = vector.load %arg16[%swap3A_1246, %swap3A_1247, %swap3A_1248] : memref<26x64x1024xf32, #tpu.memory_space<vmem>>, vector<1x64x1024xf32>
      %swap3A_1250 = vector.shape_cast %swap3A_1249 : vector<1x64x1024xf32> to vector<64x1024xf32>
      %swap3A_1251 = vector.shape_cast %slice3A_1245 : vector<64x1024xf32> to vector<1x64x1024xf32>
      tpu.vector_store %arg16[%swap3A_1246, %swap3A_1247, %swap3A_1248], %swap3A_1251 {strides = array<i32>} : memref<26x64x1024xf32, #tpu.memory_space<vmem>>, vector<1x64x1024xf32>,
      %slice3A_1252 = vector.extract_strided_slice %add3A_1132 {offsets = [1088, 0], sizes = [64, 1024], strides = [1, 1]} : vector<1408x1024xf32> to vector<64x1024xf32>
      %swap3A_1253 = arith.constant 21 : index
      %swap3A_1254 = arith.constant 0 : index
      %swap3A_1255 = arith.constant 0 : index
      %swap3A_1256 = vector.load %arg16[%swap3A_1253, %swap3A_1254, %swap3A_1255] : memref<26x64x1024xf32, #tpu.memory_space<vmem>>, vector<1x64x1024xf32>
      %swap3A_1257 = vector.shape_cast %swap3A_1256 : vector<1x64x1024xf32> to vector<64x1024xf32>
      %swap3A_1258 = vector.shape_cast %slice3A_1252 : vector<64x1024xf32> to vector<1x64x1024xf32>
      tpu.vector_store %arg16[%swap3A_1253, %swap3A_1254, %swap3A_1255], %swap3A_1258 {strides = array<i32>} : memref<26x64x1024xf32, #tpu.memory_space<vmem>>, vector<1x64x1024xf32>,
      %slice3A_1259 = vector.extract_strided_slice %add3A_1132 {offsets = [1152, 0], sizes = [64, 1024], strides = [1, 1]} : vector<1408x1024xf32> to vector<64x1024xf32>
      %swap3A_1260 = arith.constant 22 : index
      %swap3A_1261 = arith.constant 0 : index
      %swap3A_1262 = arith.constant 0 : index
      %swap3A_1263 = vector.load %arg16[%swap3A_1260, %swap3A_1261, %swap3A_1262] : memref<26x64x1024xf32, #tpu.memory_space<vmem>>, vector<1x64x1024xf32>
      %swap3A_1264 = vector.shape_cast %swap3A_1263 : vector<1x64x1024xf32> to vector<64x1024xf32>
      %swap3A_1265 = vector.shape_cast %slice3A_1259 : vector<64x1024xf32> to vector<1x64x1024xf32>
      tpu.vector_store %arg16[%swap3A_1260, %swap3A_1261, %swap3A_1262], %swap3A_1265 {strides = array<i32>} : memref<26x64x1024xf32, #tpu.memory_space<vmem>>, vector<1x64x1024xf32>,
      %slice3A_1266 = vector.extract_strided_slice %add3A_1132 {offsets = [1216, 0], sizes = [64, 1024], strides = [1, 1]} : vector<1408x1024xf32> to vector<64x1024xf32>
      %swap3A_1267 = arith.constant 23 : index
      %swap3A_1268 = arith.constant 0 : index
      %swap3A_1269 = arith.constant 0 : index
      %swap3A_1270 = vector.load %arg16[%swap3A_1267, %swap3A_1268, %swap3A_1269] : memref<26x64x1024xf32, #tpu.memory_space<vmem>>, vector<1x64x1024xf32>
      %swap3A_1271 = vector.shape_cast %swap3A_1270 : vector<1x64x1024xf32> to vector<64x1024xf32>
      %swap3A_1272 = vector.shape_cast %slice3A_1266 : vector<64x1024xf32> to vector<1x64x1024xf32>
      tpu.vector_store %arg16[%swap3A_1267, %swap3A_1268, %swap3A_1269], %swap3A_1272 {strides = array<i32>} : memref<26x64x1024xf32, #tpu.memory_space<vmem>>, vector<1x64x1024xf32>,
      %slice3A_1273 = vector.extract_strided_slice %add3A_1132 {offsets = [1280, 0], sizes = [64, 1024], strides = [1, 1]} : vector<1408x1024xf32> to vector<64x1024xf32>
      %swap3A_1274 = arith.constant 24 : index
      %swap3A_1275 = arith.constant 0 : index
      %swap3A_1276 = arith.constant 0 : index
      %swap3A_1277 = vector.load %arg16[%swap3A_1274, %swap3A_1275, %swap3A_1276] : memref<26x64x1024xf32, #tpu.memory_space<vmem>>, vector<1x64x1024xf32>
      %swap3A_1278 = vector.shape_cast %swap3A_1277 : vector<1x64x1024xf32> to vector<64x1024xf32>
      %swap3A_1279 = vector.shape_cast %slice3A_1273 : vector<64x1024xf32> to vector<1x64x1024xf32>
      tpu.vector_store %arg16[%swap3A_1274, %swap3A_1275, %swap3A_1276], %swap3A_1279 {strides = array<i32>} : memref<26x64x1024xf32, #tpu.memory_space<vmem>>, vector<1x64x1024xf32>,
      %slice3A_1280 = vector.extract_strided_slice %add3A_1132 {offsets = [1344, 0], sizes = [64, 1024], strides = [1, 1]} : vector<1408x1024xf32> to vector<64x1024xf32>
      %swap3A_1281 = arith.constant 25 : index
      %swap3A_1282 = arith.constant 0 : index
      %swap3A_1283 = arith.constant 0 : index
      %swap3A_1284 = vector.load %arg16[%swap3A_1281, %swap3A_1282, %swap3A_1283] : memref<26x64x1024xf32, #tpu.memory_space<vmem>>, vector<1x64x1024xf32>
      %swap3A_1285 = vector.shape_cast %swap3A_1284 : vector<1x64x1024xf32> to vector<64x1024xf32>
      %swap3A_1286 = vector.shape_cast %slice3A_1280 : vector<64x1024xf32> to vector<1x64x1024xf32>
      tpu.vector_store %arg16[%swap3A_1281, %swap3A_1282, %swap3A_1283], %swap3A_1286 {strides = array<i32>} : memref<26x64x1024xf32, #tpu.memory_space<vmem>>, vector<1x64x1024xf32>,
    } else {
    }
    %get3A_807 = arith.constant 0 : index
    %get3A_808 = arith.constant 0 : index
    %get3A_809 = arith.constant 0 : index
    %get3A_810 = vector.load %arg8[%get3A_807, %get3A_808, %get3A_809] : memref<1x1x1024xf32, #tpu.memory_space<vmem>>, vector<1x1x1024xf32>
    %get3A_811 = vector.shape_cast %get3A_810 : vector<1x1x1024xf32> to vector<1x1024xf32>
    %get3A_812 = arith.constant 0 : index
    %get3A_813 = arith.constant 0 : index
    %get3A_814 = vector.load %arg13[%get3A_812, %get3A_813] : memref<64x1xf32, #tpu.memory_space<vmem>>, vector<64x1xf32>
    %mul3A_815 = vector.broadcast %get3A_811 : vector<1x1024xf32> to vector<64x1024xf32>
    %mul3A_816 = vector.broadcast %get3A_814 : vector<64x1xf32> to vector<64x1024xf32>
    %mul3A_817 = arith.mulf %mul3A_815, %mul3A_816 : vector<64x1024xf32>
    %get3A_818 = arith.constant 0 : index
    %get3A_819 = arith.constant 0 : index
    %get3A_820 = vector.load %arg14[%get3A_818, %get3A_819] : memref<64x1xf32, #tpu.memory_space<vmem>>, vector<64x1xf32>
    %add3A_821 = vector.broadcast %get3A_820 : vector<64x1xf32> to vector<64x1024xf32>
    %add3A_822 = arith.addf %mul3A_817, %add3A_821 : vector<64x1024xf32>
    %swap3A_823 = arith.constant 0 : index
    %swap3A_824 = arith.constant 0 : index
    %swap3A_825 = arith.constant 0 : index
    %swap3A_826 = vector.load %arg17[%swap3A_823, %swap3A_824, %swap3A_825] : memref<1x64x1024xf32, #tpu.memory_space<vmem>>, vector<1x64x1024xf32>
    %swap3A_827 = vector.shape_cast %swap3A_826 : vector<1x64x1024xf32> to vector<64x1024xf32>
    %swap3A_828 = vector.shape_cast %add3A_822 : vector<64x1024xf32> to vector<1x64x1024xf32>
    tpu.vector_store %arg17[%swap3A_823, %swap3A_824, %swap3A_825], %swap3A_828 {strides = array<i32>} : memref<1x64x1024xf32, #tpu.memory_space<vmem>>, vector<1x64x1024xf32>,
    return
  }
  func.func @transform_0(%arg0: i32, %arg1: i32) -> (i32, i32, i32, i32) {
    %c0_i32 = arith.constant 0 : i32
    %c0_i32_0 = arith.constant 0 : i32
    %c0_i32_1 = arith.constant 0 : i32
    return %arg0, %arg1, %c0_i32, %c0_i32_0 : i32, i32, i32, i32
  }
  func.func @transform_1(%arg0: i32, %arg1: i32) -> (i32, i32) {
    %c0_i32 = arith.constant 0 : i32
    %c0_i32_0 = arith.constant 0 : i32
    return %arg0, %c0_i32 : i32, i32
  }
  func.func @transform_2(%arg0: i32, %arg1: i32) -> (i32, i32, i32, i32) {
    %c0_i32 = arith.constant 0 : i32
    %c0_i32_0 = arith.constant 0 : i32
    %c0_i32_1 = arith.constant 0 : i32
    return %c0_i32, %arg1, %c0_i32_0, %arg0 : i32, i32, i32, i32
  }
  func.func @transform_3(%arg0: i32, %arg1: i32) -> (i32, i32) {
    %c0_i32 = arith.constant 0 : i32
    %c0_i32_0 = arith.constant 0 : i32
    return %c0_i32, %arg0 : i32, i32
  }
  func.func @transform_4(%arg0: i32, %arg1: i32) -> (i32, i32, i32, i32) {
    %c0_i32 = arith.constant 0 : i32
    %c0_i32_0 = arith.constant 0 : i32
    %c0_i32_1 = arith.constant 0 : i32
    return %c0_i32, %arg1, %c0_i32_0, %arg0 : i32, i32, i32, i32
  }
  func.func @transform_5(%arg0: i32, %arg1: i32) -> (i32, i32) {
    %c0_i32 = arith.constant 0 : i32
    %c0_i32_0 = arith.constant 0 : i32
    return %c0_i32, %arg0 : i32, i32
  }
  func.func @transform_6(%arg0: i32, %arg1: i32) -> (i32, i32, i32) {
    %c0_i32 = arith.constant 0 : i32
    %c0_i32_0 = arith.constant 0 : i32
    return %arg1, %c0_i32, %arg0 : i32, i32, i32
  }
  func.func @transform_7(%arg0: i32, %arg1: i32) -> (i32, i32) {
    %c0_i32 = arith.constant 0 : i32
    %c0_i32_0 = arith.constant 0 : i32
    %c0_i32_1 = arith.constant 0 : i32
    return %c0_i32, %c0_i32_0 : i32, i32
  }
  func.func @transform_8(%arg0: i32, %arg1: i32) -> (i32, i32, i32) {
    %c0_i32 = arith.constant 0 : i32
    %c0_i32_0 = arith.constant 0 : i32
    %c0_i32_1 = arith.constant 0 : i32
    %c0_i32_2 = arith.constant 0 : i32
    return %c0_i32, %c0_i32_0, %c0_i32_1 : i32, i32, i32
  }
  func.func @transform_9(%arg0: i32, %arg1: i32) -> (i32, i32) {
    %c0_i32 = arith.constant 0 : i32
    %c0_i32_0 = arith.constant 0 : i32
    %c0_i32_1 = arith.constant 0 : i32
    return %c0_i32, %c0_i32_0 : i32, i32
  }
  func.func @transform_10(%arg0: i32, %arg1: i32) -> (i32, i32) {
    %c0_i32 = arith.constant 0 : i32
    %c0_i32_0 = arith.constant 0 : i32
    %c0_i32_1 = arith.constant 0 : i32
    return %c0_i32, %c0_i32_0 : i32, i32
  }
  func.func @transform_11(%arg0: i32, %arg1: i32) -> (i32, i32) {
    %c0_i32 = arith.constant 0 : i32
    %c0_i32_0 = arith.constant 0 : i32
    %c0_i32_1 = arith.constant 0 : i32
    return %c0_i32, %c0_i32_0 : i32, i32
  }
  func.func @transform_12(%arg0: i32, %arg1: i32) -> (i32, i32) {
    %c0_i32 = arith.constant 0 : i32
    %c0_i32_0 = arith.constant 0 : i32
    %c0_i32_1 = arith.constant 0 : i32
    return %c0_i32, %c0_i32_0 : i32, i32
  }
  func.func @transform_13(%arg0: i32, %arg1: i32) -> (i32, i32, i32, i32) {
    %c0_i32 = arith.constant 0 : i32
    %c0_i32_0 = arith.constant 0 : i32
    %c0_i32_1 = arith.constant 0 : i32
    return %arg1, %c0_i32, %c0_i32_0, %arg0 : i32, i32, i32, i32
  }
  func.func @transform_14(%arg0: i32, %arg1: i32) -> (i32, i32, i32) {
    %c0_i32 = arith.constant 0 : i32
    %c0_i32_0 = arith.constant 0 : i32
    %c0_i32_1 = arith.constant 0 : i32
    return %c0_i32, %c0_i32_0, %arg0 : i32, i32, i32
  }
  func.func @transform_15(%arg0: i32, %arg1: i32) -> (i32, i32, i32) {
    %c0_i32 = arith.constant 0 : i32
    %c0_i32_0 = arith.constant 0 : i32
    return %arg1, %c0_i32, %arg0 : i32, i32, i32
  }
}

</mosaic_0001>

<sc_bundles>
// kernel: kernel.4.cloned.1.call-start
scs
__scs_entry_jumppad:
0x0: {  	(pc) =	sbr.rel $0x88, $3  }
0x1: {  	(tag) =	ssettag $0x0;
	lr =	simm.s32 $0x1  }
0x2: {  	[smem:$0x3F96] =	sst lr;
	_ =	strace $0xD0000000  }
0x3: {  	_ = 	snop  }
0x4: {  	_ = 	snop  }
0x5: {  	_ = 	snop  }
0x6: {  	_ = 	snop  }
0x7: {  	_ = 	snop  }
__scs_overlays_trampoline_lowered:
0x8: {  	[smem:$0x3FA5] =	sst s0  }
0x9: {  	[smem:$0x3FA6] =	sst s1  }
0xa: {  	[smem:$0x3FA7] =	sst s2  }
0xb: {  	[smem:$0x3FA8] =	sst s3  }
0xc: {  	[smem:$0x3FA9] =	sst s4  }
0xd: {  	[smem:$0x3FAA] =	sst s5  }
0xe: {  	[smem:$0x3FAB] =	sst s6  }
0xf: {  	[smem:$0x3FAC] =	sst s7  }
0x10: {  	[smem:$0x3FAD] =	sst s8  }
0x11: {  	[smem:$0x3FAE] =	sst s9;
	s0 =	simm.s32 @!p0 $0x0  }
0x12: {  	s1 =	sld [smem:$0x3F94];
	s0 =	simm.s32 @p0 $0x1  }
0x13: {  	[smem:$0x3FAF] =	sst s0;
	s0 =	simm.s32 @!p1 $0x0  }
0x14: {  	s2 =	sld [smem:$0x3F93];
	s0 =	simm.s32 @p1 $0x1  }
0x15: {  	[smem:$0x3FB0] =	sst s0;
	s0 =	simm.s32 @!p2 $0x0  }
0x16: {  	s3 =	sld [smem:$0x3FDB];
	s0 =	simm.s32 @p2 $0x1  }
0x17: {  	s4 =	simm.s32 $0x1BF5;
	[smem:$0x3FB2] =	sst s0  }
0x18: {  	s0 =	sld [smem:$0x3F95];
	_ =	swait.ge [sflag:s4], $0x0  }
0x19: {  	s7 =	sld [smem:$0x3F96]  }
0x1a: {  	s8 =	sadd.s32 $0xFFFFE003, lr  }
0x1b: {  	s9 =	sadd.s32 $0xFFFFFEF7, lr;
	s5 =	simm.s32 $0xFFFFFFFF;
	p2 =	slt.u32 s8, $0xFFFFF086  }
0x1c: {  	p1 =	slt.u32 s9, $0xF7A;
	s5 =	simm.s32 @!p2 $0x0  }
0x1d: {  	s5 =	simm.s32 @p1 $0x1;
	p0 =	seq.s32 s7, s2  }
0x1e: {  	s7 =	smul.u32 @!p0 $0xF7A, s2;
	p2 =	seq.s32 @!p0 s5, $0x0  }
0x1f: {  	s9 =	smul.u32 $0xF7A, s1;
	s8 =	simm.s32 @!p0 $0x1BF5;
	p2 =	por !p2, p0  }
0x20: {  	[sflag:s8] =	ssyncset.s32 @!p0 $0xFFFFF086;
	s6 =	sadd.s32 @!p0 s3, s7;
	s7 =	simm.s32 @!p0 $0x108  }
0x21: {  	s3 =	sadd.s32 s3, s9;
	s6 =	sadd.s32 @!p0 $0x88, s6;
	s7 =	simm.s32 @p2 $0x1082  }
0x22: {  	[simem:s7], [sflag:s8] =	dma.local @!p0 [hbm:s6], $0xF7A  }
0x23: {  	s9 =	sor.u32 $0xD0000000, s2;
	s6 =	simm.s32 $0x108;
	_ =	swait.ge @!p0 [sflag:s8], $0x0  }
0x24: {  	s3 =	sadd.s32 $0x88, s3;
	s6 =	simm.s32 @!p1 $0x1082;
	[sflag:s4] =	ssyncset.s32 $0xFFFFF086  }
0x25: {  	[simem:s6], [sflag:s4] =	dma.local [hbm:s3], $0xF7A  }
0x26: {  	[smem:$0x3F96] =	sst s1;
	(tag) =	ssettag s2;
	_ =	strace s9  }
0x27: {  	s1 =	sld [smem:$0x3FA6]  }
0x28: {  	s2 =	sld [smem:$0x3FA7]  }
0x29: {  	s4 =	sld [smem:$0x3FA9]  }
0x2a: {  	p0 =	seq.s32 s5, $0x0;
	s5 =	sld [smem:$0x3FAA]  }
0x2b: {  	s6 =	sld [smem:$0x3FAB]  }
0x2c: {  	s7 =	sld [smem:$0x3FAC]  }
0x2d: {  	s3 =	simm.s32 $0x108;
	s8 =	sld [smem:$0x3FAD]  }
0x2e: {  	s3 =	simm.s32 @!p0 $0x1082;
	s9 =	sld [smem:$0x3FAE]  }
0x2f: {  	lr =	sadd.s32 s0, s3;
	s0 =	sld [smem:$0x3FA5]  }
0x30: {  	s3 =	sld [smem:$0x3FA8]  }
0x31: {  	[smem:$0x3FB1] =	sst s10  }
0x32: {  	s10 =	sld [smem:$0x3FAF];
	_ =	sdelay $0x3  }
0x33: {  	p0 =	seq.s32 s10, $0x1;
	s10 =	sld [smem:$0x3FB1];
	_ =	sdelay $0x3  }
0x34: {  	[smem:$0x3FB1] =	sst s10  }
0x35: {  	s10 =	sld [smem:$0x3FB0];
	_ =	sdelay $0x3  }
0x36: {  	p1 =	seq.s32 s10, $0x1;
	s10 =	sld [smem:$0x3FB1];
	_ =	sdelay $0x3  }
0x37: {  	[smem:$0x3FB1] =	sst s10  }
0x38: {  	s10 =	sld [smem:$0x3FB2]  }
0x39: {  	_ = 	snop;
	(pc) =	sbr.ind lr, $3  }
0x3a: {  	_ = 	snop  }
0x3b: {  	_ = 	snop  }
0x3c: {  	p2 =	seq.s32 s10, $0x1;
	s10 =	sld [smem:$0x3FB1]  }
0x3d: {  	_ =	shalt  }
0x3e: {  	_ =	shalt  }
0x3f: {  	_ =	shalt  }
0x40: {  	_ =	shalt  }
0x41: {  	_ =	shalt  }
0x42: {  	_ =	shalt  }
0x43: {  	_ =	shalt  }
0x44: {  	_ =	shalt  }
0x45: {  	_ =	shalt  }
0x46: {  	_ =	shalt  }
0x47: {  	_ =	shalt  }
0x48: {  	_ =	shalt  }
0x49: {  	_ =	shalt  }
0x4a: {  	_ =	shalt  }
0x4b: {  	_ =	shalt  }
0x4c: {  	_ =	shalt  }
0x4d: {  	_ =	shalt  }
0x4e: {  	_ =	shalt  }
0x4f: {  	_ =	shalt  }
0x50: {  	_ =	shalt  }
0x51: {  	_ =	shalt  }
0x52: {  	_ =	shalt  }
0x53: {  	_ =	shalt  }
0x54: {  	_ =	shalt  }
0x55: {  	_ =	shalt  }
0x56: {  	_ =	shalt  }
0x57: {  	_ =	shalt  }
0x58: {  	_ =	shalt  }
0x59: {  	_ =	shalt  }
0x5a: {  	_ =	shalt  }
0x5b: {  	_ =	shalt  }
0x5c: {  	_ =	shalt  }
0x5d: {  	_ =	shalt  }
0x5e: {  	_ =	shalt  }
0x5f: {  	_ =	shalt  }
0x60: {  	_ =	shalt  }
0x61: {  	_ =	shalt  }
0x62: {  	_ =	shalt  }
0x63: {  	_ =	shalt  }
0x64: {  	_ =	shalt  }
0x65: {  	_ =	shalt  }
0x66: {  	_ =	shalt  }
0x67: {  	_ =	shalt  }
0x68: {  	_ =	shalt  }
0x69: {  	_ =	shalt  }
0x6a: {  	_ =	shalt  }
0x6b: {  	_ =	shalt  }
0x6c: {  	_ =	shalt  }
0x6d: {  	_ =	shalt  }
0x6e: {  	_ =	shalt  }
0x6f: {  	_ =	shalt  }
0x70: {  	_ =	shalt  }
0x71: {  	_ =	shalt  }
0x72: {  	_ =	shalt  }
0x73: {  	_ =	shalt  }
0x74: {  	_ =	shalt  }
0x75: {  	_ =	shalt  }
0x76: {  	_ =	shalt  }
0x77: {  	_ =	shalt  }
0x78: {  	_ =	shalt  }
0x79: {  	_ =	shalt  }
0x7a: {  	_ =	shalt  }
0x7b: {  	_ =	shalt  }
0x7c: {  	_ =	shalt  }
0x7d: {  	_ =	shalt  }
0x7e: {  	_ =	shalt  }
0x7f: {  	_ =	shalt  }
0x80: {  	_ =	shalt  }
0x81: {  	_ =	shalt  }
0x82: {  	_ =	shalt  }
0x83: {  	_ =	shalt  }
0x84: {  	_ =	shalt  }
0x85: {  	_ =	shalt  }
0x86: {  	_ =	shalt  }
0x87: {  	_ =	shalt  }
.Lfunc_end0:
.L_simem_size_0:
called_computation_lowered:
.L_overlay_start_0:
0x88: {  	s2 =	sld [smem:$0x3FD9]  }
0x89: {  	s3 =	sld [smem:$0x3FFE];
	_ =	sdelay $0x1  }
0x8a: {  	s1 =	srdreg.scid  }
0x8b: {  	s0 =	sand.u32 $0x1, s1  }
0x8c: {  	s14 =	sshll.u32 s0, $0xA;
	s2 =	sadd.s32 s3, s2  }
0x8d: {  	s2 =	sadd.s32 s2, s14  }
0x8e: {  	[smem:$0x3FBD] =	sst s2  }
0x8f: {  	_ = 	snop  }
0x90: {  	s2 =	sld [smem:$0x3FD0];
	_ =	sdelay $0x2  }
0x91: {  	s15 =	simm.s32 $0xA;
	s4 =	simm.s32 $0x10  }
0x92: {  	[smem:s4], [sflag:s15] =	dma.local [hbm:s2], $0x1  }
0x93: {  	_ =	swait.eq [sflag:s15], $0x1  }
0x94: {  	s16 =	sld [smem:$0x10];
	[sflag:s15] =	ssyncset.done $0x0  }
0x95: {  	s17 =	sld [smem:$0x11];
	[sflag:s15] =	ssyncadd.s32 $0xFFFFFFFF  }
0x96: {  	s18 =	sld [smem:$0x12];
	(tm) =	ssettm $0x1  }
0x97: {  	s5 =	sld [smem:$0x3FFB];
	_ =	sdelay $0x3  }
0x98: {  	_ =	strace s5  }
0x99: {  	s5 =	sld [smem:$0x3FFC];
	_ =	sdelay $0x3  }
0x9a: {  	_ =	strace s5  }
0x9b: {  	s5 =	sld [smem:$0x3FFD];
	_ =	sdelay $0x3  }
0x9c: {  	_ =	strace s5  }
0x9d: {  	_ =	strace $0x8FFFFFFF  }
0x9e: {  	s19 =	sld [smem:$0x3FDB];
	_ =	sdelay $0x1  }
0x9f: {  	s6 =	simm.s32 $_scs_section_size  }
0xa0: {  	s7 =	simm.s32 $_size__tile_overlayer_lowered;
	s8 =	simm.s32 $_tile_overlayer_lowered  }
0xa1: {  	s22 =	simm.s32 $0x1BFF;
	s21 =	sshll.u32 s8, $0x1;
	s5 =	sadd.s32 s6, s19  }
0xa2: {  	s9 =	simm.s32 $0x0;
	s20 =	sshll.u32 s7, $0x1;
	s7 =	sadd.s32 s21, s5  }
0xa3: {  	[timem:s9], [sflag:s22] =	dma.local [hbm:s7], s20  }
0xa4: {  	_ =	swait.ge [sflag:s22], s20  }
0xa5: {  	s6 =	ssub.s32 $0x0, s20;
	[sflag:s22] =	ssyncset.done $0x0  }
0xa6: {  	[sflag:s22] =	ssyncadd.s32 s6;
	_ =	sdelay $0x1  }
0xa7: {  	s23 =	simm.s32 $0x1B8B  }
0xa8: {  	_ =	swait.ge [sflag:s23], $0x1  }
0xa9: {  	[sflag:s23] =	ssyncset.done $0x0  }
0xaa: {  	s25 =	simm.s32 $0x1B8E;
	s24 =	sld [smem:$0x3FFE];
	[sflag:s23] =	ssyncadd.s32 $0xFFFFFFFF  }
0xab: {  	s26 =	simm.s32 $execute0_lowered;
	[smem:$0x3FD2] =	sst s25  }
0xac: {  	s7 =	sshll.u32 s26, $0x1;
	_ =	strace $0x80000046;
	[dreg:$0x1] =	wrdreg $0xFFFFFFFF  }
0xad: {  	s28 =	simm.s32 $_size_execute0_lowered;
	s5 =	sadd.s32 s5, s7;
	[dreg:$0x0] =	wrdreg $0x0  }
0xae: {  	s7 =	sshll.u32 s28, $0x1;
	[dreg:$0x2] =	wrdreg s5  }
0xaf: {  	[dreg:$0x3] =	wrdreg s7  }
0xb0: {  	[dreg:$0x4] =	wrdreg $0xC0  }
0xb1: {  	_ =	task [dreg:s9], $0x5FFFF  }
0xb2: {  	[dreg:$0x1] =	wrdreg $0xFFFFFFFF  }
0xb3: {  	[dreg:$0x0] =	wrdreg $0x60  }
0xb4: {  	[dreg:$0x2] =	wrdreg s17  }
0xb5: {  	[dreg:$0x3] =	wrdreg s24  }
0xb6: {  	[dreg:$0x4] =	wrdreg s16  }
0xb7: {  	[dreg:$0x5] =	wrdreg s18  }
0xb8: {  	[dreg:$0x6] =	wrdreg $0x9  }
0xb9: {  	_ =	task.clear_ibuf [dreg:s9], $0x7FFFF;
	_ =	strace $0x90000046  }
0xba: {  	s29 =	simm.s32 $0x9;
	_ =	strace $0x80000048  }
0xbb: {  	_ =	swait.ge [sflag:s29], $0x1  }
0xbc: {  	[sflag:s29] =	ssyncadd.s32 $0xFFFFFFFF  }
0xbd: {  	_ =	strace $0x90000048  }
0xbe: {  	_ =	sfence  }
0xbf: {  	s30 =	sld [smem:$0x0];
	_ =	sdelay $0x2  }
0xc0: {  	s31 =	sshll.u32 s1, $0xD;
	s1 =	sshrl.u32 s1, $0x2  }
0xc1: {  	s3 =	sand.u32 $0x4000, s31;
	s1 =	sadd.s32 s1, s30  }
0xc2: {  	s0 =	sor.u32 s3, s0;
	s1 =	sshll.u32 s1, $0x11  }
0xc3: {  	s0 =	sor.u32 s1, s0  }
0xc4: {  	s0 =	sadd.s32 $0x8F2B, s0  }
0xc5: {  	[sflag:s0] =	ssyncadd.remote.s32 $0x1  }
0xc6: {  	_ =	sfence.sel $0xFFFF  }
0xc7: {  	[dreg:$0x0] =	wrdreg $0xFFFFFFFF;
	(pc) =	sbr.abs _section_cstart, $3  }
0xc8: {  	[dreg:$0x1] =	wrdreg $0xFFFFFFFF  }
0xc9: {  	_ =	task.clear_ibuf [dreg:s9], $0x2FFFF;
	_ =	strace $0x9FFFFFFF  }
0xca: {  	(tm) =	ssettm $0x7FFFFFFF  }
0xcb: {  	_ =	shalt  }
tec
execute0_lowered:
.L_overlay_start_1:
0x0: {  	(tag) =	ssettag $0x1  }
0x1: {  	s0 =	rddreg [dreg:$0x0]  }
0x2: {  	s1 =	rddreg [dreg:$0x1];
	s22 =	srdreg.scid  }
0x3: {  	s2 =	stileid.u32;
	s3 =	rddreg [dreg:$0x2]  }
0x4: {  	[dreg:$0x5] =	wrdreg s0;
	s0 =	sand.u32 $0x1, s22;
	s2 =	sshll.u32 s2, $0x1  }
0x5: {  	s4 =	rddreg [dreg:$0x3];
	s24 =	sadd.s32 $0x1E00, s1;
	s5 =	sor.u32 s0, s2  }
0x6: {  	s2 =	simm.s32 $0x0;
	s6 =	sshll.u32 s5, $0x4;
	s7 =	smul.u32 $0x180, s5  }
0x7: {  	[smem:$0x7FF] =	sst s2;
	s23 =	smul.u32 $0xA000, s5;
	s6 =	sadd.s32 s6, s1  }
0x8: {  	s25 =	sshll.u32 s5, $0xB;
	s26 =	smul.u32 $0x50000, s5;
	s6 =	sadd.s32 $0x1C00, s6  }
0x9: {  	_ =	strace $0x80000047;
	s3 =	sadd.s32 s3, s7;
	[dreg:$0x6] =	wrdreg s6  }
0xa: {  	s21 =	sadd.s32 s24, s23;
	[dreg:$0x7] =	wrdreg s3;
	s3 =	sadd.s32 s4, s25  }
0xb: {  	s5 =	sadd.s32 $0x800, s21;
	[dreg:$0x8] =	wrdreg s3  }
0xc: {  	s6 =	sadd.s32 $0x1000, s21;
	s4 =	sshrl.u32 s26, $0x3;
	[dreg:$0x9] =	wrdreg s5  }
0xd: {  	s8 =	sadd.s32 $0x1800, s21;
	[dreg:$0xa] =	wrdreg s6;
	s4 =	sadd.s32 s24, s4  }
0xe: {  	[dreg:$0xb] =	wrdreg s8;
	s9 =	sadd.s32 $0x2000, s4  }
0xf: {  	s10 =	sadd.s32 $0x2800, s4;
	[dreg:$0xc] =	wrdreg s9  }
0x10: {  	s11 =	sadd.s32 $0x3000, s4;
	[dreg:$0xd] =	wrdreg s10  }
0x11: {  	s31 =	simm.s32 $0xC80;
	s12 =	sadd.s32 $0x3800, s4;
	[dreg:$0xe] =	wrdreg s11  }
0x12: {  	s30 =	simm.s32 $0x100;
	s13 =	sadd.s32 $0x4000, s4;
	[dreg:$0xf] =	wrdreg s12  }
0x13: {  	s29 =	simm.s32 $0x180;
	s14 =	sadd.s32 $0x4800, s4;
	[dreg:$0x10] =	wrdreg s13  }
0x14: {  	s28 =	simm.s32 $0x200;
	s15 =	sadd.s32 $0x5000, s4;
	[dreg:$0x11] =	wrdreg s14  }
0x15: {  	p0 =	por $0x0, $0x0;
	s16 =	sadd.s32 $0x5800, s4;
	[dreg:$0x12] =	wrdreg s15  }
0x16: {  	s0 =	ssub.s32 $0x2, s0;
	s17 =	sadd.s32 $0x6000, s4;
	[dreg:$0x13] =	wrdreg s16  }
0x17: {  	s7 =	simm.s32 $0x1;
	s18 =	sadd.s32 $0x6800, s4;
	[dreg:$0x14] =	wrdreg s17  }
0x18: {  	s24 =	sshrl.u32 s0, $0x1;
	s19 =	sadd.s32 $0x7000, s4;
	[dreg:$0x15] =	wrdreg s18  }
0x19: {  	s6 =	sadd.s32 $0x61C400, s1;
	s20 =	sadd.s32 $0x7800, s4;
	[dreg:$0x16] =	wrdreg s19  }
0x1a: {  	s3 =	simm.s32 $0x3;
	s22 =	sadd.s32 $0x8000, s4;
	[dreg:$0x17] =	wrdreg s20  }
0x1b: {  	s8 =	simm.s32 $0x4C80;
	s23 =	sadd.s32 $0x8800, s4;
	[dreg:$0x18] =	wrdreg s22  }
0x1c: {  	s5 =	simm.s32 $0x2;
	s25 =	sadd.s32 $0x9000, s4;
	[dreg:$0x19] =	wrdreg s23  }
0x1d: {  	s0 =	ssub.s32 s0, s24;
	s26 =	sadd.s32 $0x9800, s4;
	[dreg:$0x1a] =	wrdreg s25  }
0x1e: {  	s4 =	simm.s32 $0x8C80;
	s24 =	simm.s32 $0x380;
	[dreg:$0x1b] =	wrdreg s26  }
0x1f: {  	s0 =	smax.u32 s0, $0x1;
	s9 =	simm.s32 $0x80;
	s26 =	simm.s32 $0x280  }
0x20: {  	s25 =	simm.s32 $0x300;
	s23 =	simm.s32 $0x400;
	p1 =	sne.s32 s0, $0x1  }
.Ltmp0:
0x21: {  	s22 =	simm.s32 $0x480;
	s20 =	simm.s32 $0x500;
	(pc) =	sbr.rel @!p1 .LBB2_3-.Ltmp0, $4  }
0x22: {  	s19 =	simm.s32 $0x580;
	s18 =	simm.s32 $0x600;
	s17 =	simm.s32 $0x680  }
0x23: {  	s16 =	simm.s32 $0x700;
	s15 =	simm.s32 $0x780;
	s14 =	simm.s32 $0x800  }
0x24: {  	s13 =	simm.s32 $0x880;
	s12 =	simm.s32 $0x900;
	s11 =	simm.s32 $0x980  }
0x25: {  	s10 =	simm.s32 $0xA00;
	s1 =	sadd.s32 $0xFFFFFFFF, s0;
	s0 =	rddreg [dreg:$0x6]  }
0x26: {  	[tilespmem:s2], [sflag:$0x3] =	stream.linear.gather [hbm4b:s0+s2], $0x80, $0x38;
	[tilespmem:$0xCC80] =	vst v63  }
0x27: {  	_ =	swait.ge [sflag:s3], $0x80  }
0x28: {  	[sflag:s3] =	ssyncset.done $0x0  }
0x29: {  	s0 =	rddreg [dreg:$0x7];
	[sflag:s3] =	ssyncadd.s32 $0xFFFFFF80  }
0x2a: {  	[tilespmem:s9], [sflag:$0x3] =	stream.linear.gather [hbm4b:s0+s2], $0xA00, $0x38;
	[tilespmem:$0xCC80] =	vst v63  }
0x2b: {  	_ =	swait.ge [sflag:s3], $0xA00  }
0x2c: {  	[sflag:s3] =	ssyncset.done $0x0  }
0x2d: {  	s0 =	rddreg [dreg:$0x5];
	[sflag:s3] =	ssyncadd.s32 $0xFFFFF600  }
0x2e: {  	[tilespmem:s31], [sflag:$0x1] =	stream.indirect.gather [hbm4b:s0+s9], $0x80, s2, s9, $0xb8;
	[tilespmem:$0xCC80] =	vst v63  }
0x2f: {  	_ =	swait.ge [sflag:s7], $0x4000  }
0x30: {  	[sflag:s7] =	ssyncset.done $0x0  }
0x31: {  	s0 =	rddreg [dreg:$0x8];
	[sflag:s7] =	ssyncadd.s32 $0xFFFFC000  }
0x32: {  	[hbm4b:s0+s2] =	stream.linear.scatter [tilespmem:s31], [sflag:$0x3], $0x4000, $0x38;
	[tilespmem:$0xCC80] =	vst v63  }
0x33: {  	_ =	swait.ge [sflag:s3], $0x4000  }
0x34: {  	[sflag:s3] =	ssyncset.done $0x0  }
0x35: {  	[sflag:s3] =	ssyncadd.s32 $0xFFFFC000  }
0x36: {  	[tilespmem:s8], [sflag:$0x1] =	stream.indirect.gather [hbm4b:s6+s9], $0x80, s9, s9, $0xb8;
	[tilespmem:$0xCC80] =	vst v63  }
0x37: {  	_ = 	snop  }
0x38: {  	[tilespmem:s4], [sflag:$0x2] =	stream.indirect.gather [hbm4b:s6+s9], $0x80, s30, s9, $0xb8;
	[tilespmem:$0xCC80] =	vst v63  }
0x39: {  	_ =	swait.ge [sflag:s7], $0x4000  }
0x3a: {  	[sflag:s7] =	ssyncset.done $0x0  }
0x3b: {  	[sflag:s7] =	ssyncadd.s32 $0xFFFFC000  }
0x3c: {  	[hbm4b:s21+s2] =	stream.linear.scatter [tilespmem:s8], [sflag:$0x3], $0x4000, $0x38;
	[tilespmem:$0xCC80] =	vst v63  }
0x3d: {  	_ =	swait.ge [sflag:s3], $0x4000  }
0x3e: {  	[sflag:s3] =	ssyncset.done $0x0  }
0x3f: {  	[sflag:s3] =	ssyncadd.s32 $0xFFFFC000  }
0x40: {  	[tilespmem:s8], [sflag:$0x1] =	stream.indirect.gather [hbm4b:s6+s9], $0x80, s29, s9, $0xb8;
	[tilespmem:$0xCC80] =	vst v63  }
0x41: {  	_ =	swait.ge [sflag:s5], $0x4000  }
0x42: {  	[sflag:s5] =	ssyncset.done $0x0  }
0x43: {  	s0 =	rddreg [dreg:$0x9];
	[sflag:s5] =	ssyncadd.s32 $0xFFFFC000  }
0x44: {  	[hbm4b:s0+s2] =	stream.linear.scatter [tilespmem:s4], [sflag:$0x3], $0x4000, $0x38;
	[tilespmem:$0xCC80] =	vst v63  }
0x45: {  	_ =	swait.ge [sflag:s3], $0x4000  }
0x46: {  	[sflag:s3] =	ssyncset.done $0x0  }
0x47: {  	[sflag:s3] =	ssyncadd.s32 $0xFFFFC000  }
0x48: {  	[tilespmem:s4], [sflag:$0x2] =	stream.indirect.gather [hbm4b:s6+s9], $0x80, s28, s9, $0xb8;
	[tilespmem:$0xCC80] =	vst v63  }
0x49: {  	_ =	swait.ge [sflag:s7], $0x4000  }
0x4a: {  	[sflag:s7] =	ssyncset.done $0x0  }
0x4b: {  	s0 =	rddreg [dreg:$0xa];
	[sflag:s7] =	ssyncadd.s32 $0xFFFFC000  }
0x4c: {  	[hbm4b:s0+s2] =	stream.linear.scatter [tilespmem:s8], [sflag:$0x3], $0x4000, $0x38;
	[tilespmem:$0xCC80] =	vst v63  }
0x4d: {  	_ =	swait.ge [sflag:s3], $0x4000  }
0x4e: {  	[sflag:s3] =	ssyncset.done $0x0  }
0x4f: {  	[sflag:s3] =	ssyncadd.s32 $0xFFFFC000  }
0x50: {  	[tilespmem:s8], [sflag:$0x1] =	stream.indirect.gather [hbm4b:s6+s9], $0x80, s26, s9, $0xb8;
	[tilespmem:$0xCC80] =	vst v63  }
0x51: {  	_ =	swait.ge [sflag:s5], $0x4000  }
0x52: {  	[sflag:s5] =	ssyncset.done $0x0  }
0x53: {  	s0 =	rddreg [dreg:$0xb];
	[sflag:s5] =	ssyncadd.s32 $0xFFFFC000  }
0x54: {  	[hbm4b:s0+s2] =	stream.linear.scatter [tilespmem:s4], [sflag:$0x3], $0x4000, $0x38;
	[tilespmem:$0xCC80] =	vst v63  }
0x55: {  	_ =	swait.ge [sflag:s3], $0x4000  }
0x56: {  	[sflag:s3] =	ssyncset.done $0x0  }
0x57: {  	[sflag:s3] =	ssyncadd.s32 $0xFFFFC000  }
0x58: {  	[tilespmem:s4], [sflag:$0x2] =	stream.indirect.gather [hbm4b:s6+s9], $0x80, s25, s9, $0xb8;
	[tilespmem:$0xCC80] =	vst v63  }
0x59: {  	_ =	swait.ge [sflag:s7], $0x4000  }
0x5a: {  	[sflag:s7] =	ssyncset.done $0x0  }
0x5b: {  	s0 =	rddreg [dreg:$0xc];
	[sflag:s7] =	ssyncadd.s32 $0xFFFFC000  }
0x5c: {  	[hbm4b:s0+s2] =	stream.linear.scatter [tilespmem:s8], [sflag:$0x3], $0x4000, $0x38;
	[tilespmem:$0xCC80] =	vst v63  }
0x5d: {  	_ =	swait.ge [sflag:s3], $0x4000  }
0x5e: {  	[sflag:s3] =	ssyncset.done $0x0  }
0x5f: {  	[sflag:s3] =	ssyncadd.s32 $0xFFFFC000  }
0x60: {  	[tilespmem:s8], [sflag:$0x1] =	stream.indirect.gather [hbm4b:s6+s9], $0x80, s24, s9, $0xb8;
	[tilespmem:$0xCC80] =	vst v63  }
0x61: {  	_ =	swait.ge [sflag:s5], $0x4000  }
0x62: {  	[sflag:s5] =	ssyncset.done $0x0  }
0x63: {  	s0 =	rddreg [dreg:$0xd];
	[sflag:s5] =	ssyncadd.s32 $0xFFFFC000  }
0x64: {  	[hbm4b:s0+s2] =	stream.linear.scatter [tilespmem:s4], [sflag:$0x3], $0x4000, $0x38;
	[tilespmem:$0xCC80] =	vst v63  }
0x65: {  	_ =	swait.ge [sflag:s3], $0x4000  }
0x66: {  	[sflag:s3] =	ssyncset.done $0x0  }
0x67: {  	[sflag:s3] =	ssyncadd.s32 $0xFFFFC000  }
0x68: {  	[tilespmem:s4], [sflag:$0x2] =	stream.indirect.gather [hbm4b:s6+s9], $0x80, s23, s9, $0xb8;
	[tilespmem:$0xCC80] =	vst v63  }
0x69: {  	_ =	swait.ge [sflag:s7], $0x4000  }
0x6a: {  	[sflag:s7] =	ssyncset.done $0x0  }
0x6b: {  	s0 =	rddreg [dreg:$0xe];
	[sflag:s7] =	ssyncadd.s32 $0xFFFFC000  }
0x6c: {  	[hbm4b:s0+s2] =	stream.linear.scatter [tilespmem:s8], [sflag:$0x3], $0x4000, $0x38;
	[tilespmem:$0xCC80] =	vst v63  }
0x6d: {  	_ =	swait.ge [sflag:s3], $0x4000  }
0x6e: {  	[sflag:s3] =	ssyncset.done $0x0  }
0x6f: {  	[sflag:s3] =	ssyncadd.s32 $0xFFFFC000  }
0x70: {  	[tilespmem:s8], [sflag:$0x1] =	stream.indirect.gather [hbm4b:s6+s9], $0x80, s22, s9, $0xb8;
	[tilespmem:$0xCC80] =	vst v63  }
0x71: {  	_ =	swait.ge [sflag:s5], $0x4000  }
0x72: {  	[sflag:s5] =	ssyncset.done $0x0  }
0x73: {  	s0 =	rddreg [dreg:$0xf];
	[sflag:s5] =	ssyncadd.s32 $0xFFFFC000  }
0x74: {  	[hbm4b:s0+s2] =	stream.linear.scatter [tilespmem:s4], [sflag:$0x3], $0x4000, $0x38;
	[tilespmem:$0xCC80] =	vst v63  }
0x75: {  	_ =	swait.ge [sflag:s3], $0x4000  }
0x76: {  	[sflag:s3] =	ssyncset.done $0x0  }
0x77: {  	[sflag:s3] =	ssyncadd.s32 $0xFFFFC000  }
0x78: {  	[tilespmem:s4], [sflag:$0x2] =	stream.indirect.gather [hbm4b:s6+s9], $0x80, s20, s9, $0xb8;
	[tilespmem:$0xCC80] =	vst v63  }
0x79: {  	_ =	swait.ge [sflag:s7], $0x4000  }
0x7a: {  	[sflag:s7] =	ssyncset.done $0x0  }
0x7b: {  	s0 =	rddreg [dreg:$0x10];
	[sflag:s7] =	ssyncadd.s32 $0xFFFFC000  }
0x7c: {  	[hbm4b:s0+s2] =	stream.linear.scatter [tilespmem:s8], [sflag:$0x3], $0x4000, $0x38;
	[tilespmem:$0xCC80] =	vst v63  }
0x7d: {  	_ =	swait.ge [sflag:s3], $0x4000  }
0x7e: {  	[sflag:s3] =	ssyncset.done $0x0  }
0x7f: {  	[sflag:s3] =	ssyncadd.s32 $0xFFFFC000  }
0x80: {  	[tilespmem:s8], [sflag:$0x1] =	stream.indirect.gather [hbm4b:s6+s9], $0x80, s19, s9, $0xb8;
	[tilespmem:$0xCC80] =	vst v63  }
0x81: {  	_ =	swait.ge [sflag:s5], $0x4000  }
0x82: {  	[sflag:s5] =	ssyncset.done $0x0  }
0x83: {  	s0 =	rddreg [dreg:$0x11];
	[sflag:s5] =	ssyncadd.s32 $0xFFFFC000  }
0x84: {  	[hbm4b:s0+s2] =	stream.linear.scatter [tilespmem:s4], [sflag:$0x3], $0x4000, $0x38;
	[tilespmem:$0xCC80] =	vst v63  }
0x85: {  	_ =	swait.ge [sflag:s3], $0x4000  }
0x86: {  	[sflag:s3] =	ssyncset.done $0x0  }
0x87: {  	[sflag:s3] =	ssyncadd.s32 $0xFFFFC000  }
0x88: {  	[tilespmem:s4], [sflag:$0x2] =	stream.indirect.gather [hbm4b:s6+s9], $0x80, s18, s9, $0xb8;
	[tilespmem:$0xCC80] =	vst v63  }
0x89: {  	_ =	swait.ge [sflag:s7], $0x4000  }
0x8a: {  	[sflag:s7] =	ssyncset.done $0x0  }
0x8b: {  	s0 =	rddreg [dreg:$0x12];
	[sflag:s7] =	ssyncadd.s32 $0xFFFFC000  }
0x8c: {  	[hbm4b:s0+s2] =	stream.linear.scatter [tilespmem:s8], [sflag:$0x3], $0x4000, $0x38;
	[tilespmem:$0xCC80] =	vst v63  }
0x8d: {  	_ =	swait.ge [sflag:s3], $0x4000  }
0x8e: {  	[sflag:s3] =	ssyncset.done $0x0  }
0x8f: {  	[sflag:s3] =	ssyncadd.s32 $0xFFFFC000  }
0x90: {  	[tilespmem:s8], [sflag:$0x1] =	stream.indirect.gather [hbm4b:s6+s9], $0x80, s17, s9, $0xb8;
	[tilespmem:$0xCC80] =	vst v63  }
0x91: {  	_ =	swait.ge [sflag:s5], $0x4000  }
0x92: {  	[sflag:s5] =	ssyncset.done $0x0  }
0x93: {  	s0 =	rddreg [dreg:$0x13];
	[sflag:s5] =	ssyncadd.s32 $0xFFFFC000  }
0x94: {  	[hbm4b:s0+s2] =	stream.linear.scatter [tilespmem:s4], [sflag:$0x3], $0x4000, $0x38;
	[tilespmem:$0xCC80] =	vst v63  }
0x95: {  	_ =	swait.ge [sflag:s3], $0x4000  }
0x96: {  	[sflag:s3] =	ssyncset.done $0x0  }
0x97: {  	[sflag:s3] =	ssyncadd.s32 $0xFFFFC000  }
0x98: {  	[tilespmem:s4], [sflag:$0x2] =	stream.indirect.gather [hbm4b:s6+s9], $0x80, s16, s9, $0xb8;
	[tilespmem:$0xCC80] =	vst v63  }
0x99: {  	_ =	swait.ge [sflag:s7], $0x4000  }
0x9a: {  	[sflag:s7] =	ssyncset.done $0x0  }
0x9b: {  	s0 =	rddreg [dreg:$0x14];
	[sflag:s7] =	ssyncadd.s32 $0xFFFFC000  }
0x9c: {  	[hbm4b:s0+s2] =	stream.linear.scatter [tilespmem:s8], [sflag:$0x3], $0x4000, $0x38;
	[tilespmem:$0xCC80] =	vst v63  }
0x9d: {  	_ =	swait.ge [sflag:s3], $0x4000  }
0x9e: {  	[sflag:s3] =	ssyncset.done $0x0  }
0x9f: {  	[sflag:s3] =	ssyncadd.s32 $0xFFFFC000  }
0xa0: {  	[tilespmem:s8], [sflag:$0x1] =	stream.indirect.gather [hbm4b:s6+s9], $0x80, s15, s9, $0xb8;
	[tilespmem:$0xCC80] =	vst v63  }
0xa1: {  	_ =	swait.ge [sflag:s5], $0x4000  }
0xa2: {  	[sflag:s5] =	ssyncset.done $0x0  }
0xa3: {  	s0 =	rddreg [dreg:$0x15];
	[sflag:s5] =	ssyncadd.s32 $0xFFFFC000  }
0xa4: {  	[hbm4b:s0+s2] =	stream.linear.scatter [tilespmem:s4], [sflag:$0x3], $0x4000, $0x38;
	[tilespmem:$0xCC80] =	vst v63  }
0xa5: {  	_ =	swait.ge [sflag:s3], $0x4000  }
0xa6: {  	[sflag:s3] =	ssyncset.done $0x0  }
0xa7: {  	[sflag:s3] =	ssyncadd.s32 $0xFFFFC000  }
0xa8: {  	[tilespmem:s4], [sflag:$0x2] =	stream.indirect.gather [hbm4b:s6+s9], $0x80, s14, s9, $0xb8;
	[tilespmem:$0xCC80] =	vst v63  }
0xa9: {  	_ =	swait.ge [sflag:s7], $0x4000  }
0xaa: {  	[sflag:s7] =	ssyncset.done $0x0  }
0xab: {  	s0 =	rddreg [dreg:$0x16];
	[sflag:s7] =	ssyncadd.s32 $0xFFFFC000  }
0xac: {  	[hbm4b:s0+s2] =	stream.linear.scatter [tilespmem:s8], [sflag:$0x3], $0x4000, $0x38;
	[tilespmem:$0xCC80] =	vst v63  }
0xad: {  	_ =	swait.ge [sflag:s3], $0x4000  }
0xae: {  	[sflag:s3] =	ssyncset.done $0x0  }
0xaf: {  	[sflag:s3] =	ssyncadd.s32 $0xFFFFC000  }
0xb0: {  	[tilespmem:s8], [sflag:$0x1] =	stream.indirect.gather [hbm4b:s6+s9], $0x80, s13, s9, $0xb8;
	[tilespmem:$0xCC80] =	vst v63  }
0xb1: {  	_ =	swait.ge [sflag:s5], $0x4000  }
0xb2: {  	[sflag:s5] =	ssyncset.done $0x0  }
0xb3: {  	s0 =	rddreg [dreg:$0x17];
	[sflag:s5] =	ssyncadd.s32 $0xFFFFC000  }
0xb4: {  	[hbm4b:s0+s2] =	stream.linear.scatter [tilespmem:s4], [sflag:$0x3], $0x4000, $0x38;
	[tilespmem:$0xCC80] =	vst v63  }
0xb5: {  	_ =	swait.ge [sflag:s3], $0x4000  }
0xb6: {  	[sflag:s3] =	ssyncset.done $0x0  }
0xb7: {  	[sflag:s3] =	ssyncadd.s32 $0xFFFFC000  }
0xb8: {  	[tilespmem:s4], [sflag:$0x2] =	stream.indirect.gather [hbm4b:s6+s9], $0x80, s12, s9, $0xb8;
	[tilespmem:$0xCC80] =	vst v63  }
0xb9: {  	_ =	swait.ge [sflag:s7], $0x4000  }
0xba: {  	[sflag:s7] =	ssyncset.done $0x0  }
0xbb: {  	s0 =	rddreg [dreg:$0x18];
	[sflag:s7] =	ssyncadd.s32 $0xFFFFC000  }
0xbc: {  	[hbm4b:s0+s2] =	stream.linear.scatter [tilespmem:s8], [sflag:$0x3], $0x4000, $0x38;
	[tilespmem:$0xCC80] =	vst v63  }
0xbd: {  	_ =	swait.ge [sflag:s3], $0x4000  }
0xbe: {  	[sflag:s3] =	ssyncset.done $0x0  }
0xbf: {  	[sflag:s3] =	ssyncadd.s32 $0xFFFFC000  }
0xc0: {  	[tilespmem:s8], [sflag:$0x1] =	stream.indirect.gather [hbm4b:s6+s9], $0x80, s11, s9, $0xb8;
	[tilespmem:$0xCC80] =	vst v63  }
0xc1: {  	_ =	swait.ge [sflag:s5], $0x4000  }
0xc2: {  	[sflag:s5] =	ssyncset.done $0x0  }
0xc3: {  	s0 =	rddreg [dreg:$0x19];
	[sflag:s5] =	ssyncadd.s32 $0xFFFFC000  }
0xc4: {  	[hbm4b:s0+s2] =	stream.linear.scatter [tilespmem:s4], [sflag:$0x3], $0x4000, $0x38;
	[tilespmem:$0xCC80] =	vst v63  }
0xc5: {  	_ =	swait.ge [sflag:s3], $0x4000  }
0xc6: {  	[sflag:s3] =	ssyncset.done $0x0  }
0xc7: {  	[sflag:s3] =	ssyncadd.s32 $0xFFFFC000  }
0xc8: {  	[tilespmem:s4], [sflag:$0x2] =	stream.indirect.gather [hbm4b:s6+s9], $0x80, s10, s9, $0xb8;
	[tilespmem:$0xCC80] =	vst v63  }
0xc9: {  	_ =	swait.ge [sflag:s7], $0x4000  }
0xca: {  	[sflag:s7] =	ssyncset.done $0x0  }
0xcb: {  	s0 =	rddreg [dreg:$0x1a];
	[sflag:s7] =	ssyncadd.s32 $0xFFFFC000  }
0xcc: {  	[hbm4b:s0+s2] =	stream.linear.scatter [tilespmem:s8], [sflag:$0x3], $0x4000, $0x38;
	[tilespmem:$0xCC80] =	vst v63  }
0xcd: {  	_ =	swait.ge [sflag:s3], $0x4000  }
0xce: {  	[sflag:s3] =	ssyncset.done $0x0  }
0xcf: {  	[sflag:s3] =	ssyncadd.s32 $0xFFFFC000  }
0xd0: {  	p1 =	sne.s32 s1, $0x1;
	_ =	swait.ge [sflag:s5], $0x4000  }
.Ltmp1:
0xd1: {  	[sflag:s5] =	ssyncset.done $0x0;
	(pc) =	sbr.rel @!p1 .LBB2_3-.Ltmp1, $4  }
0xd2: {  	s0 =	rddreg [dreg:$0x1b];
	[sflag:s5] =	ssyncadd.s32 $0xFFFFC000  }
0xd3: {  	[hbm4b:s0+s2] =	stream.linear.scatter [tilespmem:s4], [sflag:$0x3], $0x4000, $0x38;
	[tilespmem:$0xCC80] =	vst v63  }
0xd4: {  	s1 =	sadd.s32 $0xFFFFFFFF, s1;
	_ =	swait.ge [sflag:s3], $0x4000  }
0xd5: {  	p0 =	por $0x1, $0x1;
	s0 =	rddreg [dreg:$0x6];
	[sflag:s3] =	ssyncset.done $0x0  }
.LBB2_2:
0xd6: {  	[sflag:s3] =	ssyncadd.s32 $0xFFFFC000  }
0xd7: {  	[tilespmem:s2], [sflag:$0x3] =	stream.linear.gather [hbm4b:s0+s2], $0x80, $0x38;
	[tilespmem:$0xCC80] =	vst v63  }
0xd8: {  	_ =	swait.ge [sflag:s3], $0x80  }
0xd9: {  	[sflag:s3] =	ssyncset.done $0x0  }
0xda: {  	s0 =	rddreg [dreg:$0x7];
	[sflag:s3] =	ssyncadd.s32 $0xFFFFFF80  }
0xdb: {  	[tilespmem:s9], [sflag:$0x3] =	stream.linear.gather [hbm4b:s0+s2], $0xA00, $0x38;
	[tilespmem:$0xCC80] =	vst v63  }
0xdc: {  	_ =	swait.ge [sflag:s3], $0xA00  }
0xdd: {  	[sflag:s3] =	ssyncset.done $0x0  }
0xde: {  	s0 =	rddreg [dreg:$0x5];
	[sflag:s3] =	ssyncadd.s32 $0xFFFFF600  }
0xdf: {  	[tilespmem:s31], [sflag:$0x1] =	stream.indirect.gather [hbm4b:s0+s9], $0x80, s2, s9, $0xb8;
	[tilespmem:$0xCC80] =	vst v63  }
0xe0: {  	_ =	swait.ge [sflag:s7], $0x4000  }
0xe1: {  	[sflag:s7] =	ssyncset.done $0x0  }
0xe2: {  	s0 =	rddreg [dreg:$0x8];
	[sflag:s7] =	ssyncadd.s32 $0xFFFFC000  }
0xe3: {  	[hbm4b:s0+s2] =	stream.linear.scatter [tilespmem:s31], [sflag:$0x3], $0x4000, $0x38;
	[tilespmem:$0xCC80] =	vst v63  }
0xe4: {  	_ =	swait.ge [sflag:s3], $0x4000  }
0xe5: {  	[sflag:s3] =	ssyncset.done $0x0  }
0xe6: {  	[sflag:s3] =	ssyncadd.s32 $0xFFFFC000  }
0xe7: {  	[tilespmem:s8], [sflag:$0x1] =	stream.indirect.gather [hbm4b:s6+s9], $0x80, s9, s9, $0xb8;
	[tilespmem:$0xCC80] =	vst v63  }
0xe8: {  	_ = 	snop  }
0xe9: {  	[tilespmem:s4], [sflag:$0x2] =	stream.indirect.gather [hbm4b:s6+s9], $0x80, s30, s9, $0xb8;
	[tilespmem:$0xCC80] =	vst v63  }
0xea: {  	_ =	swait.ge [sflag:s7], $0x4000  }
0xeb: {  	[sflag:s7] =	ssyncset.done $0x0  }
0xec: {  	[sflag:s7] =	ssyncadd.s32 $0xFFFFC000  }
0xed: {  	[hbm4b:s21+s2] =	stream.linear.scatter [tilespmem:s8], [sflag:$0x3], $0x4000, $0x38;
	[tilespmem:$0xCC80] =	vst v63  }
0xee: {  	_ =	swait.ge [sflag:s3], $0x4000  }
0xef: {  	[sflag:s3] =	ssyncset.done $0x0  }
0xf0: {  	[sflag:s3] =	ssyncadd.s32 $0xFFFFC000  }
0xf1: {  	[tilespmem:s8], [sflag:$0x1] =	stream.indirect.gather [hbm4b:s6+s9], $0x80, s29, s9, $0xb8;
	[tilespmem:$0xCC80] =	vst v63  }
0xf2: {  	_ =	swait.ge [sflag:s5], $0x4000  }
0xf3: {  	[sflag:s5] =	ssyncset.done $0x0  }
0xf4: {  	s0 =	rddreg [dreg:$0x9];
	[sflag:s5] =	ssyncadd.s32 $0xFFFFC000  }
0xf5: {  	[hbm4b:s0+s2] =	stream.linear.scatter [tilespmem:s4], [sflag:$0x3], $0x4000, $0x38;
	[tilespmem:$0xCC80] =	vst v63  }
0xf6: {  	_ =	swait.ge [sflag:s3], $0x4000  }
0xf7: {  	[sflag:s3] =	ssyncset.done $0x0  }
0xf8: {  	[sflag:s3] =	ssyncadd.s32 $0xFFFFC000  }
0xf9: {  	[tilespmem:s4], [sflag:$0x2] =	stream.indirect.gather [hbm4b:s6+s9], $0x80, s28, s9, $0xb8;
	[tilespmem:$0xCC80] =	vst v63  }
0xfa: {  	_ =	swait.ge [sflag:s7], $0x4000  }
0xfb: {  	[sflag:s7] =	ssyncset.done $0x0  }
0xfc: {  	s0 =	rddreg [dreg:$0xa];
	[sflag:s7] =	ssyncadd.s32 $0xFFFFC000  }
0xfd: {  	[hbm4b:s0+s2] =	stream.linear.scatter [tilespmem:s8], [sflag:$0x3], $0x4000, $0x38;
	[tilespmem:$0xCC80] =	vst v63  }
0xfe: {  	_ =	swait.ge [sflag:s3], $0x4000  }
0xff: {  	[sflag:s3] =	ssyncset.done $0x0  }
0x100: {  	[sflag:s3] =	ssyncadd.s32 $0xFFFFC000  }
0x101: {  	[tilespmem:s8], [sflag:$0x1] =	stream.indirect.gather [hbm4b:s6+s9], $0x80, s26, s9, $0xb8;
	[tilespmem:$0xCC80] =	vst v63  }
0x102: {  	_ =	swait.ge [sflag:s5], $0x4000  }
0x103: {  	[sflag:s5] =	ssyncset.done $0x0  }
0x104: {  	s0 =	rddreg [dreg:$0xb];
	[sflag:s5] =	ssyncadd.s32 $0xFFFFC000  }
0x105: {  	[hbm4b:s0+s2] =	stream.linear.scatter [tilespmem:s4], [sflag:$0x3], $0x4000, $0x38;
	[tilespmem:$0xCC80] =	vst v63  }
0x106: {  	_ =	swait.ge [sflag:s3], $0x4000  }
0x107: {  	[sflag:s3] =	ssyncset.done $0x0  }
0x108: {  	[sflag:s3] =	ssyncadd.s32 $0xFFFFC000  }
0x109: {  	[tilespmem:s4], [sflag:$0x2] =	stream.indirect.gather [hbm4b:s6+s9], $0x80, s25, s9, $0xb8;
	[tilespmem:$0xCC80] =	vst v63  }
0x10a: {  	_ =	swait.ge [sflag:s7], $0x4000  }
0x10b: {  	[sflag:s7] =	ssyncset.done $0x0  }
0x10c: {  	s0 =	rddreg [dreg:$0xc];
	[sflag:s7] =	ssyncadd.s32 $0xFFFFC000  }
0x10d: {  	[hbm4b:s0+s2] =	stream.linear.scatter [tilespmem:s8], [sflag:$0x3], $0x4000, $0x38;
	[tilespmem:$0xCC80] =	vst v63  }
0x10e: {  	_ =	swait.ge [sflag:s3], $0x4000  }
0x10f: {  	[sflag:s3] =	ssyncset.done $0x0  }
0x110: {  	[sflag:s3] =	ssyncadd.s32 $0xFFFFC000  }
0x111: {  	[tilespmem:s8], [sflag:$0x1] =	stream.indirect.gather [hbm4b:s6+s9], $0x80, s24, s9, $0xb8;
	[tilespmem:$0xCC80] =	vst v63  }
0x112: {  	_ =	swait.ge [sflag:s5], $0x4000  }
0x113: {  	[sflag:s5] =	ssyncset.done $0x0  }
0x114: {  	s0 =	rddreg [dreg:$0xd];
	[sflag:s5] =	ssyncadd.s32 $0xFFFFC000  }
0x115: {  	[hbm4b:s0+s2] =	stream.linear.scatter [tilespmem:s4], [sflag:$0x3], $0x4000, $0x38;
	[tilespmem:$0xCC80] =	vst v63  }
0x116: {  	_ =	swait.ge [sflag:s3], $0x4000  }
0x117: {  	[sflag:s3] =	ssyncset.done $0x0  }
0x118: {  	[sflag:s3] =	ssyncadd.s32 $0xFFFFC000  }
0x119: {  	[tilespmem:s4], [sflag:$0x2] =	stream.indirect.gather [hbm4b:s6+s9], $0x80, s23, s9, $0xb8;
	[tilespmem:$0xCC80] =	vst v63  }
0x11a: {  	_ =	swait.ge [sflag:s7], $0x4000  }
0x11b: {  	[sflag:s7] =	ssyncset.done $0x0  }
0x11c: {  	s0 =	rddreg [dreg:$0xe];
	[sflag:s7] =	ssyncadd.s32 $0xFFFFC000  }
0x11d: {  	[hbm4b:s0+s2] =	stream.linear.scatter [tilespmem:s8], [sflag:$0x3], $0x4000, $0x38;
	[tilespmem:$0xCC80] =	vst v63  }
0x11e: {  	_ =	swait.ge [sflag:s3], $0x4000  }
0x11f: {  	[sflag:s3] =	ssyncset.done $0x0  }
0x120: {  	[sflag:s3] =	ssyncadd.s32 $0xFFFFC000  }
0x121: {  	[tilespmem:s8], [sflag:$0x1] =	stream.indirect.gather [hbm4b:s6+s9], $0x80, s22, s9, $0xb8;
	[tilespmem:$0xCC80] =	vst v63  }
0x122: {  	_ =	swait.ge [sflag:s5], $0x4000  }
0x123: {  	[sflag:s5] =	ssyncset.done $0x0  }
0x124: {  	s0 =	rddreg [dreg:$0xf];
	[sflag:s5] =	ssyncadd.s32 $0xFFFFC000  }
0x125: {  	[hbm4b:s0+s2] =	stream.linear.scatter [tilespmem:s4], [sflag:$0x3], $0x4000, $0x38;
	[tilespmem:$0xCC80] =	vst v63  }
0x126: {  	_ =	swait.ge [sflag:s3], $0x4000  }
0x127: {  	[sflag:s3] =	ssyncset.done $0x0  }
0x128: {  	[sflag:s3] =	ssyncadd.s32 $0xFFFFC000  }
0x129: {  	[tilespmem:s4], [sflag:$0x2] =	stream.indirect.gather [hbm4b:s6+s9], $0x80, s20, s9, $0xb8;
	[tilespmem:$0xCC80] =	vst v63  }
0x12a: {  	_ =	swait.ge [sflag:s7], $0x4000  }
0x12b: {  	[sflag:s7] =	ssyncset.done $0x0  }
0x12c: {  	s0 =	rddreg [dreg:$0x10];
	[sflag:s7] =	ssyncadd.s32 $0xFFFFC000  }
0x12d: {  	[hbm4b:s0+s2] =	stream.linear.scatter [tilespmem:s8], [sflag:$0x3], $0x4000, $0x38;
	[tilespmem:$0xCC80] =	vst v63  }
0x12e: {  	_ =	swait.ge [sflag:s3], $0x4000  }
0x12f: {  	[sflag:s3] =	ssyncset.done $0x0  }
0x130: {  	[sflag:s3] =	ssyncadd.s32 $0xFFFFC000  }
0x131: {  	[tilespmem:s8], [sflag:$0x1] =	stream.indirect.gather [hbm4b:s6+s9], $0x80, s19, s9, $0xb8;
	[tilespmem:$0xCC80] =	vst v63  }
0x132: {  	_ =	swait.ge [sflag:s5], $0x4000  }
0x133: {  	[sflag:s5] =	ssyncset.done $0x0  }
0x134: {  	s0 =	rddreg [dreg:$0x11];
	[sflag:s5] =	ssyncadd.s32 $0xFFFFC000  }
0x135: {  	[hbm4b:s0+s2] =	stream.linear.scatter [tilespmem:s4], [sflag:$0x3], $0x4000, $0x38;
	[tilespmem:$0xCC80] =	vst v63  }
0x136: {  	_ =	swait.ge [sflag:s3], $0x4000  }
0x137: {  	[sflag:s3] =	ssyncset.done $0x0  }
0x138: {  	[sflag:s3] =	ssyncadd.s32 $0xFFFFC000  }
0x139: {  	[tilespmem:s4], [sflag:$0x2] =	stream.indirect.gather [hbm4b:s6+s9], $0x80, s18, s9, $0xb8;
	[tilespmem:$0xCC80] =	vst v63  }
0x13a: {  	_ =	swait.ge [sflag:s7], $0x4000  }
0x13b: {  	[sflag:s7] =	ssyncset.done $0x0  }
0x13c: {  	s0 =	rddreg [dreg:$0x12];
	[sflag:s7] =	ssyncadd.s32 $0xFFFFC000  }
0x13d: {  	[hbm4b:s0+s2] =	stream.linear.scatter [tilespmem:s8], [sflag:$0x3], $0x4000, $0x38;
	[tilespmem:$0xCC80] =	vst v63  }
0x13e: {  	_ =	swait.ge [sflag:s3], $0x4000  }
0x13f: {  	[sflag:s3] =	ssyncset.done $0x0  }
0x140: {  	[sflag:s3] =	ssyncadd.s32 $0xFFFFC000  }
0x141: {  	[tilespmem:s8], [sflag:$0x1] =	stream.indirect.gather [hbm4b:s6+s9], $0x80, s17, s9, $0xb8;
	[tilespmem:$0xCC80] =	vst v63  }
0x142: {  	_ =	swait.ge [sflag:s5], $0x4000  }
0x143: {  	[sflag:s5] =	ssyncset.done $0x0  }
0x144: {  	s0 =	rddreg [dreg:$0x13];
	[sflag:s5] =	ssyncadd.s32 $0xFFFFC000  }
0x145: {  	[hbm4b:s0+s2] =	stream.linear.scatter [tilespmem:s4], [sflag:$0x3], $0x4000, $0x38;
	[tilespmem:$0xCC80] =	vst v63  }
0x146: {  	_ =	swait.ge [sflag:s3], $0x4000  }
0x147: {  	[sflag:s3] =	ssyncset.done $0x0  }
0x148: {  	[sflag:s3] =	ssyncadd.s32 $0xFFFFC000  }
0x149: {  	[tilespmem:s4], [sflag:$0x2] =	stream.indirect.gather [hbm4b:s6+s9], $0x80, s16, s9, $0xb8;
	[tilespmem:$0xCC80] =	vst v63  }
0x14a: {  	_ =	swait.ge [sflag:s7], $0x4000  }
0x14b: {  	[sflag:s7] =	ssyncset.done $0x0  }
0x14c: {  	s0 =	rddreg [dreg:$0x14];
	[sflag:s7] =	ssyncadd.s32 $0xFFFFC000  }
0x14d: {  	[hbm4b:s0+s2] =	stream.linear.scatter [tilespmem:s8], [sflag:$0x3], $0x4000, $0x38;
	[tilespmem:$0xCC80] =	vst v63  }
0x14e: {  	_ =	swait.ge [sflag:s3], $0x4000  }
0x14f: {  	[sflag:s3] =	ssyncset.done $0x0  }
0x150: {  	[sflag:s3] =	ssyncadd.s32 $0xFFFFC000  }
0x151: {  	[tilespmem:s8], [sflag:$0x1] =	stream.indirect.gather [hbm4b:s6+s9], $0x80, s15, s9, $0xb8;
	[tilespmem:$0xCC80] =	vst v63  }
0x152: {  	_ =	swait.ge [sflag:s5], $0x4000  }
0x153: {  	[sflag:s5] =	ssyncset.done $0x0  }
0x154: {  	s0 =	rddreg [dreg:$0x15];
	[sflag:s5] =	ssyncadd.s32 $0xFFFFC000  }
0x155: {  	[hbm4b:s0+s2] =	stream.linear.scatter [tilespmem:s4], [sflag:$0x3], $0x4000, $0x38;
	[tilespmem:$0xCC80] =	vst v63  }
0x156: {  	_ =	swait.ge [sflag:s3], $0x4000  }
0x157: {  	[sflag:s3] =	ssyncset.done $0x0  }
0x158: {  	[sflag:s3] =	ssyncadd.s32 $0xFFFFC000  }
0x159: {  	[tilespmem:s4], [sflag:$0x2] =	stream.indirect.gather [hbm4b:s6+s9], $0x80, s14, s9, $0xb8;
	[tilespmem:$0xCC80] =	vst v63  }
0x15a: {  	_ =	swait.ge [sflag:s7], $0x4000  }
0x15b: {  	[sflag:s7] =	ssyncset.done $0x0  }
0x15c: {  	s0 =	rddreg [dreg:$0x16];
	[sflag:s7] =	ssyncadd.s32 $0xFFFFC000  }
0x15d: {  	[hbm4b:s0+s2] =	stream.linear.scatter [tilespmem:s8], [sflag:$0x3], $0x4000, $0x38;
	[tilespmem:$0xCC80] =	vst v63  }
0x15e: {  	_ =	swait.ge [sflag:s3], $0x4000  }
0x15f: {  	[sflag:s3] =	ssyncset.done $0x0  }
0x160: {  	[sflag:s3] =	ssyncadd.s32 $0xFFFFC000  }
0x161: {  	[tilespmem:s8], [sflag:$0x1] =	stream.indirect.gather [hbm4b:s6+s9], $0x80, s13, s9, $0xb8;
	[tilespmem:$0xCC80] =	vst v63  }
0x162: {  	_ =	swait.ge [sflag:s5], $0x4000  }
0x163: {  	[sflag:s5] =	ssyncset.done $0x0  }
0x164: {  	s0 =	rddreg [dreg:$0x17];
	[sflag:s5] =	ssyncadd.s32 $0xFFFFC000  }
0x165: {  	[hbm4b:s0+s2] =	stream.linear.scatter [tilespmem:s4], [sflag:$0x3], $0x4000, $0x38;
	[tilespmem:$0xCC80] =	vst v63  }
0x166: {  	_ =	swait.ge [sflag:s3], $0x4000  }
0x167: {  	[sflag:s3] =	ssyncset.done $0x0  }
0x168: {  	[sflag:s3] =	ssyncadd.s32 $0xFFFFC000  }
0x169: {  	[tilespmem:s4], [sflag:$0x2] =	stream.indirect.gather [hbm4b:s6+s9], $0x80, s12, s9, $0xb8;
	[tilespmem:$0xCC80] =	vst v63  }
0x16a: {  	_ =	swait.ge [sflag:s7], $0x4000  }
0x16b: {  	[sflag:s7] =	ssyncset.done $0x0  }
0x16c: {  	s0 =	rddreg [dreg:$0x18];
	[sflag:s7] =	ssyncadd.s32 $0xFFFFC000  }
0x16d: {  	[hbm4b:s0+s2] =	stream.linear.scatter [tilespmem:s8], [sflag:$0x3], $0x4000, $0x38;
	[tilespmem:$0xCC80] =	vst v63  }
0x16e: {  	_ =	swait.ge [sflag:s3], $0x4000  }
0x16f: {  	[sflag:s3] =	ssyncset.done $0x0  }
0x170: {  	[sflag:s3] =	ssyncadd.s32 $0xFFFFC000  }
0x171: {  	[tilespmem:s8], [sflag:$0x1] =	stream.indirect.gather [hbm4b:s6+s9], $0x80, s11, s9, $0xb8;
	[tilespmem:$0xCC80] =	vst v63  }
0x172: {  	_ =	swait.ge [sflag:s5], $0x4000  }
0x173: {  	[sflag:s5] =	ssyncset.done $0x0  }
0x174: {  	s0 =	rddreg [dreg:$0x19];
	[sflag:s5] =	ssyncadd.s32 $0xFFFFC000  }
0x175: {  	[hbm4b:s0+s2] =	stream.linear.scatter [tilespmem:s4], [sflag:$0x3], $0x4000, $0x38;
	[tilespmem:$0xCC80] =	vst v63  }
0x176: {  	_ =	swait.ge [sflag:s3], $0x4000  }
0x177: {  	[sflag:s3] =	ssyncset.done $0x0  }
0x178: {  	[sflag:s3] =	ssyncadd.s32 $0xFFFFC000  }
0x179: {  	[tilespmem:s4], [sflag:$0x2] =	stream.indirect.gather [hbm4b:s6+s9], $0x80, s10, s9, $0xb8;
	[tilespmem:$0xCC80] =	vst v63  }
0x17a: {  	_ =	swait.ge [sflag:s7], $0x4000  }
0x17b: {  	[sflag:s7] =	ssyncset.done $0x0  }
0x17c: {  	s0 =	rddreg [dreg:$0x1a];
	[sflag:s7] =	ssyncadd.s32 $0xFFFFC000  }
0x17d: {  	[hbm4b:s0+s2] =	stream.linear.scatter [tilespmem:s8], [sflag:$0x3], $0x4000, $0x38;
	[tilespmem:$0xCC80] =	vst v63  }
0x17e: {  	_ =	swait.ge [sflag:s3], $0x4000  }
0x17f: {  	[sflag:s3] =	ssyncset.done $0x0  }
0x180: {  	[sflag:s3] =	ssyncadd.s32 $0xFFFFC000  }
0x181: {  	p1 =	sne.s32 s1, $0x1;
	_ =	swait.ge [sflag:s5], $0x4000  }
.Ltmp2:
0x182: {  	[sflag:s5] =	ssyncset.done $0x0;
	(pc) =	sbr.rel @p1 .LBB2_2-.Ltmp2, $4  }
0x183: {  	s0 =	rddreg [dreg:$0x1b];
	[sflag:s5] =	ssyncadd.s32 $0xFFFFC000  }
0x184: {  	[hbm4b:s0+s2] =	stream.linear.scatter [tilespmem:s4], [sflag:$0x3], $0x4000, $0x38;
	[tilespmem:$0xCC80] =	vst v63  }
0x185: {  	_ =	swait.ge [sflag:s3], $0x4000  }
0x186: {  	s1 =	sadd.s32 $0xFFFFFFFF, s1;
	s0 =	rddreg [dreg:$0x6];
	[sflag:s3] =	ssyncset.done $0x0  }
.LBB2_3:
0x187: {  	[sflag:s3] =	ssyncadd.s32 @p0 $0xFFFFC000  }
0x188: {  	[tilespmem:s2], [sflag:$0x3] =	stream.linear.gather [hbm4b:s0+s2], $0x80, $0x38;
	[tilespmem:$0xCC80] =	vst v63  }
0x189: {  	_ =	swait.ge [sflag:s3], $0x80  }
0x18a: {  	[sflag:s3] =	ssyncset.done $0x0  }
0x18b: {  	s1 =	rddreg [dreg:$0x7];
	[sflag:s3] =	ssyncadd.s32 $0xFFFFFF80  }
0x18c: {  	[tilespmem:s9], [sflag:$0x3] =	stream.linear.gather [hbm4b:s1+s2], $0xA00, $0x38;
	[tilespmem:$0xCC80] =	vst v63  }
0x18d: {  	_ =	swait.ge [sflag:s3], $0xA00  }
0x18e: {  	[sflag:s3] =	ssyncset.done $0x0  }
0x18f: {  	s1 =	rddreg [dreg:$0x5];
	[sflag:s3] =	ssyncadd.s32 $0xFFFFF600  }
0x190: {  	[tilespmem:s31], [sflag:$0x1] =	stream.indirect.gather [hbm4b:s1+s9], $0x80, s2, s9, $0xb8;
	[tilespmem:$0xCC80] =	vst v63  }
0x191: {  	_ =	swait.ge [sflag:s7], $0x4000  }
0x192: {  	[sflag:s7] =	ssyncset.done $0x0  }
0x193: {  	s1 =	rddreg [dreg:$0x8];
	[sflag:s7] =	ssyncadd.s32 $0xFFFFC000  }
0x194: {  	[hbm4b:s1+s2] =	stream.linear.scatter [tilespmem:s31], [sflag:$0x3], $0x4000, $0x38;
	[tilespmem:$0xCC80] =	vst v63  }
0x195: {  	_ =	swait.ge [sflag:s3], $0x4000  }
0x196: {  	[sflag:s3] =	ssyncset.done $0x0  }
0x197: {  	[sflag:s3] =	ssyncadd.s32 $0xFFFFC000  }
0x198: {  	[tilespmem:s8], [sflag:$0x1] =	stream.indirect.gather [hbm4b:s6+s9], $0x80, s9, s9, $0xb8;
	[tilespmem:$0xCC80] =	vst v63  }
0x199: {  	_ = 	snop  }
0x19a: {  	[tilespmem:s4], [sflag:$0x2] =	stream.indirect.gather [hbm4b:s6+s9], $0x80, s30, s9, $0xb8;
	[tilespmem:$0xCC80] =	vst v63  }
0x19b: {  	_ =	swait.ge [sflag:s7], $0x4000  }
0x19c: {  	[sflag:s7] =	ssyncset.done $0x0  }
0x19d: {  	[sflag:s7] =	ssyncadd.s32 $0xFFFFC000  }
0x19e: {  	[hbm4b:s21+s2] =	stream.linear.scatter [tilespmem:s8], [sflag:$0x3], $0x4000, $0x38;
	[tilespmem:$0xCC80] =	vst v63  }
0x19f: {  	_ =	swait.ge [sflag:s3], $0x4000  }
0x1a0: {  	[sflag:s3] =	ssyncset.done $0x0  }
0x1a1: {  	[sflag:s3] =	ssyncadd.s32 $0xFFFFC000  }
0x1a2: {  	[tilespmem:s8], [sflag:$0x1] =	stream.indirect.gather [hbm4b:s6+s9], $0x80, s29, s9, $0xb8;
	[tilespmem:$0xCC80] =	vst v63  }
0x1a3: {  	_ =	swait.ge [sflag:s5], $0x4000  }
0x1a4: {  	[sflag:s5] =	ssyncset.done $0x0  }
0x1a5: {  	s1 =	rddreg [dreg:$0x9];
	[sflag:s5] =	ssyncadd.s32 $0xFFFFC000  }
0x1a6: {  	[hbm4b:s1+s2] =	stream.linear.scatter [tilespmem:s4], [sflag:$0x3], $0x4000, $0x38;
	[tilespmem:$0xCC80] =	vst v63  }
0x1a7: {  	_ =	swait.ge [sflag:s3], $0x4000  }
0x1a8: {  	[sflag:s3] =	ssyncset.done $0x0  }
0x1a9: {  	[sflag:s3] =	ssyncadd.s32 $0xFFFFC000  }
0x1aa: {  	[tilespmem:s4], [sflag:$0x2] =	stream.indirect.gather [hbm4b:s6+s9], $0x80, s28, s9, $0xb8;
	[tilespmem:$0xCC80] =	vst v63  }
0x1ab: {  	_ =	swait.ge [sflag:s7], $0x4000  }
0x1ac: {  	[sflag:s7] =	ssyncset.done $0x0  }
0x1ad: {  	s21 =	rddreg [dreg:$0xa];
	[sflag:s7] =	ssyncadd.s32 $0xFFFFC000  }
0x1ae: {  	[hbm4b:s21+s2] =	stream.linear.scatter [tilespmem:s8], [sflag:$0x3], $0x4000, $0x38;
	[tilespmem:$0xCC80] =	vst v63  }
0x1af: {  	_ =	swait.ge [sflag:s3], $0x4000  }
0x1b0: {  	[sflag:s3] =	ssyncset.done $0x0  }
0x1b1: {  	[sflag:s3] =	ssyncadd.s32 $0xFFFFC000  }
0x1b2: {  	[tilespmem:s8], [sflag:$0x1] =	stream.indirect.gather [hbm4b:s6+s9], $0x80, s26, s9, $0xb8;
	[tilespmem:$0xCC80] =	vst v63  }
0x1b3: {  	_ =	swait.ge [sflag:s5], $0x4000  }
0x1b4: {  	[sflag:s5] =	ssyncset.done $0x0  }
0x1b5: {  	s26 =	rddreg [dreg:$0xb];
	[sflag:s5] =	ssyncadd.s32 $0xFFFFC000  }
0x1b6: {  	[hbm4b:s26+s2] =	stream.linear.scatter [tilespmem:s4], [sflag:$0x3], $0x4000, $0x38;
	[tilespmem:$0xCC80] =	vst v63  }
0x1b7: {  	_ =	swait.ge [sflag:s3], $0x4000  }
0x1b8: {  	[sflag:s3] =	ssyncset.done $0x0  }
0x1b9: {  	[sflag:s3] =	ssyncadd.s32 $0xFFFFC000  }
0x1ba: {  	[tilespmem:s4], [sflag:$0x2] =	stream.indirect.gather [hbm4b:s6+s9], $0x80, s25, s9, $0xb8;
	[tilespmem:$0xCC80] =	vst v63  }
0x1bb: {  	_ =	swait.ge [sflag:s7], $0x4000  }
0x1bc: {  	[sflag:s7] =	ssyncset.done $0x0  }
0x1bd: {  	s28 =	rddreg [dreg:$0xc];
	[sflag:s7] =	ssyncadd.s32 $0xFFFFC000  }
0x1be: {  	[hbm4b:s28+s2] =	stream.linear.scatter [tilespmem:s8], [sflag:$0x3], $0x4000, $0x38;
	[tilespmem:$0xCC80] =	vst v63  }
0x1bf: {  	_ =	swait.ge [sflag:s3], $0x4000  }
0x1c0: {  	[sflag:s3] =	ssyncset.done $0x0  }
0x1c1: {  	[sflag:s3] =	ssyncadd.s32 $0xFFFFC000  }
0x1c2: {  	[tilespmem:s8], [sflag:$0x1] =	stream.indirect.gather [hbm4b:s6+s9], $0x80, s24, s9, $0xb8;
	[tilespmem:$0xCC80] =	vst v63  }
0x1c3: {  	_ =	swait.ge [sflag:s5], $0x4000  }
0x1c4: {  	[sflag:s5] =	ssyncset.done $0x0  }
0x1c5: {  	s29 =	rddreg [dreg:$0xd];
	[sflag:s5] =	ssyncadd.s32 $0xFFFFC000  }
0x1c6: {  	[hbm4b:s29+s2] =	stream.linear.scatter [tilespmem:s4], [sflag:$0x3], $0x4000, $0x38;
	[tilespmem:$0xCC80] =	vst v63  }
0x1c7: {  	_ =	swait.ge [sflag:s3], $0x4000  }
0x1c8: {  	[sflag:s3] =	ssyncset.done $0x0  }
0x1c9: {  	[sflag:s3] =	ssyncadd.s32 $0xFFFFC000  }
0x1ca: {  	[tilespmem:s4], [sflag:$0x2] =	stream.indirect.gather [hbm4b:s6+s9], $0x80, s23, s9, $0xb8;
	[tilespmem:$0xCC80] =	vst v63  }
0x1cb: {  	_ =	swait.ge [sflag:s7], $0x4000  }
0x1cc: {  	[sflag:s7] =	ssyncset.done $0x0  }
0x1cd: {  	s30 =	rddreg [dreg:$0xe];
	[sflag:s7] =	ssyncadd.s32 $0xFFFFC000  }
0x1ce: {  	[hbm4b:s30+s2] =	stream.linear.scatter [tilespmem:s8], [sflag:$0x3], $0x4000, $0x38;
	[tilespmem:$0xCC80] =	vst v63  }
0x1cf: {  	_ =	swait.ge [sflag:s3], $0x4000  }
0x1d0: {  	[sflag:s3] =	ssyncset.done $0x0  }
0x1d1: {  	[sflag:s3] =	ssyncadd.s32 $0xFFFFC000  }
0x1d2: {  	[tilespmem:s8], [sflag:$0x1] =	stream.indirect.gather [hbm4b:s6+s9], $0x80, s22, s9, $0xb8;
	[tilespmem:$0xCC80] =	vst v63  }
0x1d3: {  	_ =	swait.ge [sflag:s5], $0x4000  }
0x1d4: {  	[sflag:s5] =	ssyncset.done $0x0  }
0x1d5: {  	s31 =	rddreg [dreg:$0xf];
	[sflag:s5] =	ssyncadd.s32 $0xFFFFC000  }
0x1d6: {  	[hbm4b:s31+s2] =	stream.linear.scatter [tilespmem:s4], [sflag:$0x3], $0x4000, $0x38;
	[tilespmem:$0xCC80] =	vst v63  }
0x1d7: {  	_ =	swait.ge [sflag:s3], $0x4000  }
0x1d8: {  	[sflag:s3] =	ssyncset.done $0x0  }
0x1d9: {  	[sflag:s3] =	ssyncadd.s32 $0xFFFFC000  }
0x1da: {  	[tilespmem:s4], [sflag:$0x2] =	stream.indirect.gather [hbm4b:s6+s9], $0x80, s20, s9, $0xb8;
	[tilespmem:$0xCC80] =	vst v63  }
0x1db: {  	_ =	swait.ge [sflag:s7], $0x4000  }
0x1dc: {  	[sflag:s7] =	ssyncset.done $0x0  }
0x1dd: {  	s1 =	rddreg [dreg:$0x10];
	[sflag:s7] =	ssyncadd.s32 $0xFFFFC000  }
0x1de: {  	[hbm4b:s1+s2] =	stream.linear.scatter [tilespmem:s8], [sflag:$0x3], $0x4000, $0x38;
	[tilespmem:$0xCC80] =	vst v63  }
0x1df: {  	_ =	swait.ge [sflag:s3], $0x4000  }
0x1e0: {  	[sflag:s3] =	ssyncset.done $0x0  }
0x1e1: {  	[sflag:s3] =	ssyncadd.s32 $0xFFFFC000  }
0x1e2: {  	[tilespmem:s8], [sflag:$0x1] =	stream.indirect.gather [hbm4b:s6+s9], $0x80, s19, s9, $0xb8;
	[tilespmem:$0xCC80] =	vst v63  }
0x1e3: {  	_ =	swait.ge [sflag:s5], $0x4000  }
0x1e4: {  	[sflag:s5] =	ssyncset.done $0x0  }
0x1e5: {  	s19 =	rddreg [dreg:$0x11];
	[sflag:s5] =	ssyncadd.s32 $0xFFFFC000  }
0x1e6: {  	[hbm4b:s19+s2] =	stream.linear.scatter [tilespmem:s4], [sflag:$0x3], $0x4000, $0x38;
	[tilespmem:$0xCC80] =	vst v63  }
0x1e7: {  	_ =	swait.ge [sflag:s3], $0x4000  }
0x1e8: {  	[sflag:s3] =	ssyncset.done $0x0  }
0x1e9: {  	[sflag:s3] =	ssyncadd.s32 $0xFFFFC000  }
0x1ea: {  	[tilespmem:s4], [sflag:$0x2] =	stream.indirect.gather [hbm4b:s6+s9], $0x80, s18, s9, $0xb8;
	[tilespmem:$0xCC80] =	vst v63  }
0x1eb: {  	_ =	swait.ge [sflag:s7], $0x4000  }
0x1ec: {  	[sflag:s7] =	ssyncset.done $0x0  }
0x1ed: {  	s20 =	rddreg [dreg:$0x12];
	[sflag:s7] =	ssyncadd.s32 $0xFFFFC000  }
0x1ee: {  	[hbm4b:s20+s2] =	stream.linear.scatter [tilespmem:s8], [sflag:$0x3], $0x4000, $0x38;
	[tilespmem:$0xCC80] =	vst v63  }
0x1ef: {  	_ =	swait.ge [sflag:s3], $0x4000  }
0x1f0: {  	[sflag:s3] =	ssyncset.done $0x0  }
0x1f1: {  	[sflag:s3] =	ssyncadd.s32 $0xFFFFC000  }
0x1f2: {  	[tilespmem:s8], [sflag:$0x1] =	stream.indirect.gather [hbm4b:s6+s9], $0x80, s17, s9, $0xb8;
	[tilespmem:$0xCC80] =	vst v63  }
0x1f3: {  	_ =	swait.ge [sflag:s5], $0x4000  }
0x1f4: {  	[sflag:s5] =	ssyncset.done $0x0  }
0x1f5: {  	s21 =	rddreg [dreg:$0x13];
	[sflag:s5] =	ssyncadd.s32 $0xFFFFC000  }
0x1f6: {  	[hbm4b:s21+s2] =	stream.linear.scatter [tilespmem:s4], [sflag:$0x3], $0x4000, $0x38;
	[tilespmem:$0xCC80] =	vst v63  }
0x1f7: {  	_ =	swait.ge [sflag:s3], $0x4000  }
0x1f8: {  	[sflag:s3] =	ssyncset.done $0x0  }
0x1f9: {  	[sflag:s3] =	ssyncadd.s32 $0xFFFFC000  }
0x1fa: {  	[tilespmem:s4], [sflag:$0x2] =	stream.indirect.gather [hbm4b:s6+s9], $0x80, s16, s9, $0xb8;
	[tilespmem:$0xCC80] =	vst v63  }
0x1fb: {  	_ =	swait.ge [sflag:s7], $0x4000  }
0x1fc: {  	[sflag:s7] =	ssyncset.done $0x0  }
0x1fd: {  	s22 =	rddreg [dreg:$0x14];
	[sflag:s7] =	ssyncadd.s32 $0xFFFFC000  }
0x1fe: {  	[hbm4b:s22+s2] =	stream.linear.scatter [tilespmem:s8], [sflag:$0x3], $0x4000, $0x38;
	[tilespmem:$0xCC80] =	vst v63  }
0x1ff: {  	_ =	swait.ge [sflag:s3], $0x4000  }
0x200: {  	[sflag:s3] =	ssyncset.done $0x0  }
0x201: {  	[sflag:s3] =	ssyncadd.s32 $0xFFFFC000  }
0x202: {  	[tilespmem:s8], [sflag:$0x1] =	stream.indirect.gather [hbm4b:s6+s9], $0x80, s15, s9, $0xb8;
	[tilespmem:$0xCC80] =	vst v63  }
0x203: {  	_ =	swait.ge [sflag:s5], $0x4000  }
0x204: {  	[sflag:s5] =	ssyncset.done $0x0  }
0x205: {  	s23 =	rddreg [dreg:$0x15];
	[sflag:s5] =	ssyncadd.s32 $0xFFFFC000  }
0x206: {  	[hbm4b:s23+s2] =	stream.linear.scatter [tilespmem:s4], [sflag:$0x3], $0x4000, $0x38;
	[tilespmem:$0xCC80] =	vst v63  }
0x207: {  	_ =	swait.ge [sflag:s3], $0x4000  }
0x208: {  	[sflag:s3] =	ssyncset.done $0x0  }
0x209: {  	[sflag:s3] =	ssyncadd.s32 $0xFFFFC000  }
0x20a: {  	[tilespmem:s4], [sflag:$0x2] =	stream.indirect.gather [hbm4b:s6+s9], $0x80, s14, s9, $0xb8;
	[tilespmem:$0xCC80] =	vst v63  }
0x20b: {  	_ =	swait.ge [sflag:s7], $0x4000  }
0x20c: {  	[sflag:s7] =	ssyncset.done $0x0  }
0x20d: {  	s24 =	rddreg [dreg:$0x16];
	[sflag:s7] =	ssyncadd.s32 $0xFFFFC000  }
0x20e: {  	[hbm4b:s24+s2] =	stream.linear.scatter [tilespmem:s8], [sflag:$0x3], $0x4000, $0x38;
	[tilespmem:$0xCC80] =	vst v63  }
0x20f: {  	_ =	swait.ge [sflag:s3], $0x4000  }
0x210: {  	[sflag:s3] =	ssyncset.done $0x0  }
0x211: {  	[sflag:s3] =	ssyncadd.s32 $0xFFFFC000  }
0x212: {  	[tilespmem:s8], [sflag:$0x1] =	stream.indirect.gather [hbm4b:s6+s9], $0x80, s13, s9, $0xb8;
	[tilespmem:$0xCC80] =	vst v63  }
0x213: {  	_ =	swait.ge [sflag:s5], $0x4000  }
0x214: {  	[sflag:s5] =	ssyncset.done $0x0  }
0x215: {  	s25 =	rddreg [dreg:$0x17];
	[sflag:s5] =	ssyncadd.s32 $0xFFFFC000  }
0x216: {  	[hbm4b:s25+s2] =	stream.linear.scatter [tilespmem:s4], [sflag:$0x3], $0x4000, $0x38;
	[tilespmem:$0xCC80] =	vst v63  }
0x217: {  	_ =	swait.ge [sflag:s3], $0x4000  }
0x218: {  	[sflag:s3] =	ssyncset.done $0x0  }
0x219: {  	[sflag:s3] =	ssyncadd.s32 $0xFFFFC000  }
0x21a: {  	[tilespmem:s4], [sflag:$0x2] =	stream.indirect.gather [hbm4b:s6+s9], $0x80, s12, s9, $0xb8;
	[tilespmem:$0xCC80] =	vst v63  }
0x21b: {  	_ =	swait.ge [sflag:s7], $0x4000  }
0x21c: {  	[sflag:s7] =	ssyncset.done $0x0  }
0x21d: {  	s26 =	rddreg [dreg:$0x18];
	[sflag:s7] =	ssyncadd.s32 $0xFFFFC000  }
0x21e: {  	[hbm4b:s26+s2] =	stream.linear.scatter [tilespmem:s8], [sflag:$0x3], $0x4000, $0x38;
	[tilespmem:$0xCC80] =	vst v63  }
0x21f: {  	_ =	swait.ge [sflag:s3], $0x4000  }
0x220: {  	[sflag:s3] =	ssyncset.done $0x0  }
0x221: {  	[sflag:s3] =	ssyncadd.s32 $0xFFFFC000  }
0x222: {  	[tilespmem:s8], [sflag:$0x1] =	stream.indirect.gather [hbm4b:s6+s9], $0x80, s11, s9, $0xb8;
	[tilespmem:$0xCC80] =	vst v63  }
0x223: {  	_ =	swait.ge [sflag:s5], $0x4000  }
0x224: {  	[sflag:s5] =	ssyncset.done $0x0  }
0x225: {  	s28 =	rddreg [dreg:$0x19];
	[sflag:s5] =	ssyncadd.s32 $0xFFFFC000  }
0x226: {  	[hbm4b:s28+s2] =	stream.linear.scatter [tilespmem:s4], [sflag:$0x3], $0x4000, $0x38;
	[tilespmem:$0xCC80] =	vst v63  }
0x227: {  	_ =	swait.ge [sflag:s3], $0x4000  }
0x228: {  	[sflag:s3] =	ssyncset.done $0x0  }
0x229: {  	[sflag:s3] =	ssyncadd.s32 $0xFFFFC000  }
0x22a: {  	[tilespmem:s4], [sflag:$0x2] =	stream.indirect.gather [hbm4b:s6+s9], $0x80, s10, s9, $0xb8;
	[tilespmem:$0xCC80] =	vst v63  }
0x22b: {  	_ =	swait.ge [sflag:s7], $0x4000  }
0x22c: {  	[sflag:s7] =	ssyncset.done $0x0  }
0x22d: {  	s29 =	rddreg [dreg:$0x1a];
	[sflag:s7] =	ssyncadd.s32 $0xFFFFC000  }
0x22e: {  	[hbm4b:s29+s2] =	stream.linear.scatter [tilespmem:s8], [sflag:$0x3], $0x4000, $0x38;
	[tilespmem:$0xCC80] =	vst v63  }
0x22f: {  	_ =	swait.ge [sflag:s3], $0x4000  }
0x230: {  	[sflag:s3] =	ssyncset.done $0x0  }
0x231: {  	[sflag:s3] =	ssyncadd.s32 $0xFFFFC000  }
0x232: {  	_ =	swait.ge [sflag:s5], $0x4000  }
0x233: {  	[sflag:s5] =	ssyncset.done $0x0  }
0x234: {  	s30 =	rddreg [dreg:$0x1b];
	[sflag:s5] =	ssyncadd.s32 $0xFFFFC000  }
0x235: {  	[hbm4b:s30+s2] =	stream.linear.scatter [tilespmem:s4], [sflag:$0x3], $0x4000, $0x38;
	[tilespmem:$0xCC80] =	vst v63  }
0x236: {  	_ =	swait.ge [sflag:s3], $0x4000  }
0x237: {  	[sflag:s3] =	ssyncset.done $0x0  }
0x238: {  	[sflag:s3] =	ssyncadd.s32 $0xFFFFC000  }
0x239: {  	_ =	sfence.sel $0x180000  }
0x23a: {  	[bflag:$0x0] =	sbarrier.arrive $0xFFFF  }
0x23b: {  	_ =	strace $0x90000047  }
0x23c: {  	s31 =	stileid.u32;
	[bflag:$0x2] =	sbarrier.arrive $0xFFFF  }
0x23d: {  	p0 =	sne.s32 s31, $0x0;
	s0 =	rddreg [dreg:$0x4]  }
0x23e: {  	s0 =	sadd.s32 @!p0 $0x100000, s0  }
0x23f: {  	[sflag:s0] =	ssyncadd.tile.s32 @!p0 $0x1;
	_ =	shalt  }
.Lfunc_end2:
_tile_overlayer_lowered:
.L_overlay_start_2:
0x240: {  	(tag) =	ssettag $0x2  }
0x241: {  	s0 =	rddreg [dreg:$0x0];
	s2 =	stileid.u32  }
0x242: {  	s1 =	rddreg [dreg:$0x1];
	p0 =	sne.s32 s2, $0x0  }
0x243: {  	s3 =	rddreg [dreg:$0x2];
	[bflag:$0x3] =	sbarrier.arrive $0xFFFF;
	s2 =	simm.s32 @!p0 $0x1C03  }
0x244: {  	[timem:s3], [sflag:s2] =	dma.local @!p0 [hbm:s0], s1  }
0x245: {  	s0 =	simm.s32 @!p0 $0x3  }
0x246: {  	_ =	swait.ge @!p0 [sflag:s0], s1  }
0x247: {  	s1 =	ssub.s32 @!p0 $0x0, s1;
	[sflag:s0] =	ssyncset.done @!p0 $0x0  }
0x248: {  	[sflag:s0] =	ssyncadd.s32 @!p0 s1  }
0x249: {  	[bflag:$0x3] =	sbarrier.arrive $0xFFFF  }
0x24a: {  	_ =	shalt  }

</sc_bundles>
